<compile_context>
chip_gen: v7x
topology: tpu7x:2x2x1
jax: 0.10.2.dev20260603
libtpu: 0.0.44.dev20260713+nightly
codegen_flags: <defaults>
</compile_context>

<pallas_src>
import functools

import jax
import jax.numpy as jnp
from jax import lax
from jax.experimental import pallas as pl
from jax.experimental.pallas import tpu as pltpu
from jax.experimental.pallas import tpu_sc as plsc

N = 10000
T = 4
E = 320000
C = 128
HID = 128
NPAD = 10240
CHUNK = 128
NCORE = 2
NSUB = 16

NCH1 = -(-2 * E // (CHUNK * NSUB)) * NSUB
NCH3 = -(-E // (CHUNK * NSUB)) * NSUB


def _sc_mesh():
    return plsc.VectorSubcoreMesh(core_axis_name="c", subcore_axis_name="s")


def _deg_sc(didx, zeros1):
    per = NCH1 // NSUB
    seg = (2 * NPAD) // NSUB

    @functools.partial(
        pl.kernel,
        out_type=jax.ShapeDtypeStruct((T, NPAD), jnp.float32),
        mesh=_sc_mesh(),
        scratch_types=[
            pltpu.VMEM_SHARED((2 * NPAD,), jnp.float32),
            pltpu.VMEM((CHUNK,), jnp.int32),
            pltpu.VMEM((CHUNK,), jnp.int32),
            pltpu.VMEM((CHUNK,), jnp.float32),
        ] + [pltpu.SemaphoreType.DMA] * 2,
    )
    def k(didx_hbm, z_hbm, deg_hbm, acc, ib0, ib1, ones, is0, is1):
        cid = lax.axis_index("c")
        sid = lax.axis_index("s")
        for i in range(CHUNK // 16):
            ones[pl.ds(i * 16, 16)] = jnp.full((16,), 1.0, jnp.float32)
        pltpu.sync_copy(z_hbm.at[pl.ds(sid * seg, seg)],
                        acc.at[pl.ds(sid * seg, seg)])
        plsc.subcore_barrier()
        cb = sid * per

        def iload(c, buf, sem):
            return pltpu.async_copy(
                didx_hbm.at[cid, pl.ds((cb + c) * CHUNK, CHUNK)], buf, sem)

        def iwait(c, buf, sem):
            pltpu.make_async_copy(
                didx_hbm.at[cid, pl.ds((cb + c) * CHUNK, CHUNK)],
                buf, sem).wait()

        pltpu.sync_copy(didx_hbm.at[cid, pl.ds(cb * CHUNK, CHUNK)], ib0)

        def body(j, carry):
            c = 2 * j
            iload(c + 1, ib1, is1)
            pltpu.sync_copy(ones, acc.at[ib0], add=True)
            iload(c + 2, ib0, is0)
            iwait(c + 1, ib1, is1)
            pltpu.sync_copy(ones, acc.at[ib1], add=True)
            iwait(c + 2, ib0, is0)
            return carry

        lax.fori_loop(0, per // 2 - 1, body, 0)
        iload(per - 1, ib1, is1)
        pltpu.sync_copy(ones, acc.at[ib0], add=True)
        iwait(per - 1, ib1, is1)
        pltpu.sync_copy(ones, acc.at[ib1], add=True)
        plsc.subcore_barrier()
        kk = sid // 8
        off = (sid % 8) * seg
        pltpu.sync_copy(acc.at[pl.ds(sid * seg, seg)],
                        deg_hbm.at[2 * cid + kk, pl.ds(off, seg)])

    return k(didx, zeros1)


def _prep_tc(deg, x_pad):
    BN = 2048
    nb = NPAD // BN

    def body(deg_ref, x_ref, dinv_ref, u_ref):
        dv = lax.rsqrt(deg_ref[...] + 1.0)
        dinv_ref[...] = dv
        u_ref[...] = dv[:, :, None] * x_ref[...]

    return pl.pallas_call(
        body,
        grid=(nb,),
        in_specs=[pl.BlockSpec((T, BN), lambda i: (0, i)),
                  pl.BlockSpec((T, BN, C), lambda i: (0, i, 0))],
        out_specs=[pl.BlockSpec((T, BN), lambda i: (0, i)),
                   pl.BlockSpec((T, BN, C), lambda i: (0, i, 0))],
        out_shape=[jax.ShapeDtypeStruct((T, NPAD), jnp.float32),
                   jax.ShapeDtypeStruct((T, NPAD, C), jnp.float32)],
    )(deg, x_pad)


def _scatter_sc(sidx, didx, u_flat, zeros2):
    per = NCH3 // NSUB
    nq = per // 4
    rpt = NPAD // NSUB

    @functools.partial(
        pl.kernel,
        out_type=jax.ShapeDtypeStruct((T, NPAD, C), jnp.float32),
        mesh=_sc_mesh(),
        scratch_types=[
            pltpu.VMEM_SHARED((NPAD, C), jnp.float32),
        ] + [pltpu.VMEM((CHUNK,), jnp.int32)] * 8 + [
            pltpu.VMEM((2, CHUNK, C), jnp.float32),
        ] + [pltpu.SemaphoreType.DMA] * 6,
    )
    def k(s_hbm, d_hbm, u_hbm, z_hbm, zout_hbm, acc,
          sv0, sv1, sv2, sv3, dv0, dv1, dv2, dv3, rows,
          g0, g1, i0, i1, i2, i3):
        siv = (sv0, sv1, sv2, sv3)
        div = (dv0, dv1, dv2, dv3)
        gsem = (g0, g1)
        isem = (i0, i1, i2, i3)
        cid = lax.axis_index("c")
        sid = lax.axis_index("s")
        cb = sid * per

        for kk in range(2):
            def idx_start(c, slot):
                pltpu.async_copy(
                    s_hbm.at[cid, kk, pl.ds((cb + c) * CHUNK, CHUNK)],
                    siv[slot], isem[slot])
                pltpu.async_copy(
                    d_hbm.at[cid, kk, pl.ds((cb + c) * CHUNK, CHUNK)],
                    div[slot], isem[slot])

            def idx_wait(c, slot):
                pltpu.make_async_copy(
                    s_hbm.at[cid, kk, pl.ds((cb + c) * CHUNK, CHUNK)],
                    siv[slot], isem[slot]).wait()
                pltpu.make_async_copy(
                    d_hbm.at[cid, kk, pl.ds((cb + c) * CHUNK, CHUNK)],
                    div[slot], isem[slot]).wait()

            pltpu.sync_copy(z_hbm.at[pl.ds(sid * rpt, rpt)],
                            acc.at[pl.ds(sid * rpt, rpt)])
            plsc.subcore_barrier()
            for b in range(4):
                idx_start(b, b)
            for b in range(2):
                idx_wait(b, b)
                pltpu.async_copy(u_hbm.at[siv[b]], rows.at[b], gsem[b])

            def body(q, carry):
                for i in range(4):
                    c = 4 * q + i
                    pltpu.make_async_copy(u_hbm.at[siv[i]], rows.at[i % 2],
                                          gsem[i % 2]).wait()
                    pltpu.sync_copy(rows.at[i % 2], acc.at[div[i]],
                                    add=True)
                    idx_start(c + 4, i)
                    idx_wait(c + 2, (i + 2) % 4)
                    pltpu.async_copy(u_hbm.at[siv[(i + 2) % 4]],
                                     rows.at[i % 2], gsem[i % 2])
                return carry

            lax.fori_loop(0, nq - 1, body, 0)
            for i in range(4):
                c = per - 4 + i
                pltpu.make_async_copy(u_hbm.at[siv[i]], rows.at[i % 2],
                                      gsem[i % 2]).wait()
                pltpu.sync_copy(rows.at[i % 2], acc.at[div[i]], add=True)
                if i < 2:
                    idx_wait(c + 2, (i + 2) % 4)
                    pltpu.async_copy(u_hbm.at[siv[(i + 2) % 4]],
                                     rows.at[i % 2], gsem[i % 2])
            plsc.subcore_barrier()
            pltpu.sync_copy(acc.at[pl.ds(sid * rpt, rpt)],
                            zout_hbm.at[2 * cid + kk, pl.ds(sid * rpt, rpt)])
            plsc.subcore_barrier()

    return k(sidx, didx, u_flat, zeros2)


def _gru_tc(z, u, dinv, czW, czb, lzW, lzb, crW, crb, lrW, lrb,
            chW, chb, lhW, lhb, hW, hb):
    BN = 1024
    nb = NPAD // BN

    def body(z_ref, u_ref, dinv_ref, czW_r, czb_r, lzW_r, lzb_r, crW_r, crb_r,
             lrW_r, lrb_r, chW_r, chb_r, lhW_r, lhb_r, hW_r, hb_r,
             out_ref, acc_ref):
        b = pl.program_id(0)
        Mz = jnp.dot(czW_r[...], lzW_r[0:HID, :])
        Mr = jnp.dot(crW_r[...], lrW_r[0:HID, :])
        Mh = jnp.dot(chW_r[...], lhW_r[0:HID, :])
        cbz = jnp.dot(czb_r[...].reshape(1, HID), lzW_r[0:HID, :]) + lzb_r[...]
        cbr = jnp.dot(crb_r[...].reshape(1, HID), lrW_r[0:HID, :]) + lrb_r[...]
        cbh = jnp.dot(chb_r[...].reshape(1, HID), lhW_r[0:HID, :]) + lhb_r[...]
        Lz2 = lzW_r[HID:, :]
        Lr2 = lrW_r[HID:, :]
        Lh2 = lhW_r[HID:, :]

        h = jnp.zeros((BN, HID), jnp.float32)
        for t in range(T):
            s = dinv_ref[t, :].reshape(BN, 1) * (z_ref[t] + u_ref[t])
            az = jnp.dot(s, Mz) + cbz
            ar = jnp.dot(s, Mr) + cbr
            ah = jnp.dot(s, Mh) + cbh
            Zg = jax.nn.sigmoid(az + jnp.dot(h, Lz2))
            Rg = jax.nn.sigmoid(ar + jnp.dot(h, Lr2))
            Ht = jnp.tanh(ah + jnp.dot(h * Rg, Lh2))
            h = Zg * h + (1.0 - Zg) * Ht

        rowid = lax.broadcasted_iota(jnp.int32, (BN, HID), 0)
        valid = (b * BN + rowid) < N
        part = jnp.sum(jnp.where(valid, h, 0.0), axis=0, keepdims=True)

        @pl.when(b == 0)
        def _():
            acc_ref[...] = jnp.zeros((1, HID), jnp.float32)

        acc_ref[...] += part

        @pl.when(b == nb - 1)
        def _():
            g = acc_ref[...] * (1.0 / N)
            out_ref[...] = (jnp.dot(g, hW_r[...]) + hb_r[...].reshape(1, C)
                            ).reshape(C)

    full = lambda s: pl.BlockSpec(s, lambda i: tuple(0 for _ in s))
    return pl.pallas_call(
        body,
        grid=(nb,),
        in_specs=[pl.BlockSpec((T, BN, C), lambda i: (0, i, 0)),
                  pl.BlockSpec((T, BN, C), lambda i: (0, i, 0)),
                  pl.BlockSpec((T, BN), lambda i: (0, i)),
                  full((HID, HID)), full((HID,)), full((2 * HID, HID)),
                  full((HID,)), full((HID, HID)), full((HID,)),
                  full((2 * HID, HID)), full((HID,)), full((HID, HID)),
                  full((HID,)), full((2 * HID, HID)), full((HID,)),
                  full((HID, C)), full((C,))],
        out_specs=pl.BlockSpec((C,), lambda i: (0,)),
        out_shape=jax.ShapeDtypeStruct((C,), jnp.float32),
        scratch_shapes=[pltpu.VMEM((1, HID), jnp.float32)],
    )(z, u, dinv, czW, czb, lzW, lzb, crW, crb, lrW, lrb,
      chW, chb, lhW, lhb, hW, hb)


def kernel(x_seq, ei_seq, conv_z_W, conv_z_b, lin_z_W, lin_z_b,
           conv_r_W, conv_r_b, lin_r_W, lin_r_b, conv_h_W, conv_h_b,
           lin_h_W, lin_h_b, head_W, head_b):
    ei = ei_seq.astype(jnp.int32)
    src = ei[:, 0, :]
    dst = ei[:, 1, :]
    toff = (jnp.arange(T, dtype=jnp.int32) * NPAD)[:, None]
    koff = ((jnp.arange(T, dtype=jnp.int32) % 2) * NPAD)[:, None]

    npad3 = NCH3 * CHUNK - E
    s_pad = (jnp.arange(T, dtype=jnp.int32) * NPAD + (NPAD - 1))[:, None]
    s_pad = jnp.broadcast_to(s_pad, (T, npad3))
    d_pad = jnp.full((T, npad3), NPAD - 1, jnp.int32)
    sidx = jnp.concatenate([src + toff, s_pad], axis=1).reshape(
        NCORE, 2, NCH3 * CHUNK)
    didx = jnp.concatenate([dst, d_pad], axis=1).reshape(
        NCORE, 2, NCH3 * CHUNK)

    npad1 = NCH1 * CHUNK - 2 * E
    dk = (dst + koff).reshape(NCORE, 2 * E)
    d1_pad = jnp.full((NCORE, npad1), NPAD - 1, jnp.int32)
    didx1 = jnp.concatenate([dk, d1_pad], axis=1)

    zeros1 = jnp.zeros((2 * NPAD,), jnp.float32)
    zeros2 = jnp.zeros((NPAD, C), jnp.float32)
    x_pad = jnp.pad(x_seq, ((0, 0), (0, NPAD - N), (0, 0)))

    deg = _deg_sc(didx1, zeros1)
    dinv, u = _prep_tc(deg, x_pad)
    z = _scatter_sc(sidx, didx, u.reshape(T * NPAD, C), zeros2)
    return _gru_tc(z, u, dinv, conv_z_W, conv_z_b, lin_z_W, lin_z_b,
                   conv_r_W, conv_r_b, lin_r_W, lin_r_b, conv_h_W, conv_h_b,
                   lin_h_W, lin_h_b, head_W, head_b)

# --- scband reference (transcript-rebuilt; emitter-appended) ---
"""Pipeline reference for scband-dyn-tgcn-26336739459146 (READ-ONLY COPY).

The authoritative reference and input builder live on the scoring server;
editing this copy changes nothing except your own understanding.
"""

import jax, jax.numpy as jnp
import numpy as np

N = 10000
T = 4
E = 320000
C = 128
HID = 128


def gcn_conv(x, edge_index, W, b):
    # GCNConv with add_self_loops=True and symmetric normalization (PyG defaults)
    n = x.shape[0]
    src = edge_index[0]
    dst = edge_index[1]
    loop = jnp.arange(n, dtype=src.dtype)
    src = jnp.concatenate([src, loop])
    dst = jnp.concatenate([dst, loop])
    ones = jnp.ones(src.shape[0], dtype=x.dtype)
    deg = jnp.zeros(n, dtype=x.dtype).at[dst].add(ones)
    dinv = jnp.where(deg > 0, deg ** -0.5, 0.0)
    norm = dinv[src] * dinv[dst]
    xw = x @ W
    msg = xw[src] * norm[:, None]
    out = jnp.zeros((n, xw.shape[1]), dtype=x.dtype).at[dst].add(msg)
    return out + b


def tgcn_step(x, ei, h, p):
    cz = gcn_conv(x, ei, p['conv_z_W'], p['conv_z_b'])
    Z = jax.nn.sigmoid(jnp.concatenate([cz, h], axis=1) @ p['lin_z_W'] + p['lin_z_b'])
    cr = gcn_conv(x, ei, p['conv_r_W'], p['conv_r_b'])
    R = jax.nn.sigmoid(jnp.concatenate([cr, h], axis=1) @ p['lin_r_W'] + p['lin_r_b'])
    ch = gcn_conv(x, ei, p['conv_h_W'], p['conv_h_b'])
    H_tilde = jnp.tanh(jnp.concatenate([ch, h * R], axis=1) @ p['lin_h_W'] + p['lin_h_b'])
    return Z * h + (1.0 - Z) * H_tilde


def setup_inputs(seed: int = 0) -> dict:
    key = jax.random.key(seed)
    ks = jax.random.split(key, 20)
    inp = {}
    inp['x_seq'] = jax.random.normal(ks[0], (T, N, C), dtype=jnp.float32)
    inp['ei_seq'] = jax.random.randint(ks[1], (T, 2, E), 0, N, dtype=jnp.int64)
    s = 0.05
    inp['conv_z_W'] = jax.random.normal(ks[2], (C, HID), dtype=jnp.float32) * s
    inp['conv_z_b'] = jax.random.normal(ks[3], (HID,), dtype=jnp.float32) * s
    inp['lin_z_W'] = jax.random.normal(ks[4], (2 * HID, HID), dtype=jnp.float32) * s
    inp['lin_z_b'] = jax.random.normal(ks[5], (HID,), dtype=jnp.float32) * s
    inp['conv_r_W'] = jax.random.normal(ks[6], (C, HID), dtype=jnp.float32) * s
    inp['conv_r_b'] = jax.random.normal(ks[7], (HID,), dtype=jnp.float32) * s
    inp['lin_r_W'] = jax.random.normal(ks[8], (2 * HID, HID), dtype=jnp.float32) * s
    inp['lin_r_b'] = jax.random.normal(ks[9], (HID,), dtype=jnp.float32) * s
    inp['conv_h_W'] = jax.random.normal(ks[10], (C, HID), dtype=jnp.float32) * s
    inp['conv_h_b'] = jax.random.normal(ks[11], (HID,), dtype=jnp.float32) * s
    inp['lin_h_W'] = jax.random.normal(ks[12], (2 * HID, HID), dtype=jnp.float32) * s
    inp['lin_h_b'] = jax.random.normal(ks[13], (HID,), dtype=jnp.float32) * s
    inp['head_W'] = jax.random.normal(ks[14], (HID, C), dtype=jnp.float32) * s
    inp['head_b'] = jax.random.normal(ks[15], (C,), dtype=jnp.float32) * s
    return inp


def reference(x_seq, ei_seq, conv_z_W, conv_z_b, lin_z_W, lin_z_b, conv_r_W, conv_r_b, lin_r_W, lin_r_b, conv_h_W, conv_h_b, lin_h_W, lin_h_b, head_W, head_b):
    p = dict(conv_z_W=conv_z_W, conv_z_b=conv_z_b, lin_z_W=lin_z_W, lin_z_b=lin_z_b,
             conv_r_W=conv_r_W, conv_r_b=conv_r_b, lin_r_W=lin_r_W, lin_r_b=lin_r_b,
             conv_h_W=conv_h_W, conv_h_b=conv_h_b, lin_h_W=lin_h_W, lin_h_b=lin_h_b)
    h = jnp.zeros((x_seq.shape[1], HID), dtype=x_seq.dtype)
    for t in range(x_seq.shape[0]):
        h = tgcn_step(x_seq[t], ei_seq[t], h, p)
    # global_mean_pool with a single graph (batch all zeros) -> mean over nodes
    g = jnp.mean(h, axis=0)
    return g @ head_W + head_b

if __name__ == "__main__":
    import jax
    _d = setup_inputs()
    print(jax.jit(kernel)(*tuple(_d.values())))

</pallas_src>

<mosaic_0001>
#map = affine_map<(d0, d1) -> (0, 0, 0)>
#map1 = affine_map<(d0, d1) -> (0, 0)>
module attributes {stable_mosaic.version = 14 : i64} {
  func.func @k(%arg0: i32, %arg1: i32, %arg2: memref<2x2x321536xi32, #tpu.memory_space<hbm>>, %arg3: memref<2x2x321536xi32, #tpu.memory_space<hbm>>, %arg4: memref<40960x128xf32, #tpu.memory_space<hbm>>, %arg5: memref<10240x128xf32, #tpu.memory_space<hbm>>, %arg6: memref<4x10240x128xf32, #tpu.memory_space<hbm>>, %arg7: memref<10240x128xf32, #tpu.memory_space<vmem_shared>>, %arg8: memref<128xi32, #tpu.memory_space<vmem>>, %arg9: memref<128xi32, #tpu.memory_space<vmem>>, %arg10: memref<128xi32, #tpu.memory_space<vmem>>, %arg11: memref<128xi32, #tpu.memory_space<vmem>>, %arg12: memref<128xi32, #tpu.memory_space<vmem>>, %arg13: memref<128xi32, #tpu.memory_space<vmem>>, %arg14: memref<128xi32, #tpu.memory_space<vmem>>, %arg15: memref<128xi32, #tpu.memory_space<vmem>>, %arg16: memref<2x128x128xf32, #tpu.memory_space<vmem>>, %arg17: memref<!tpu.dma_semaphore, #tpu.memory_space<semaphore_mem>>, %arg18: memref<!tpu.dma_semaphore, #tpu.memory_space<semaphore_mem>>, %arg19: memref<!tpu.dma_semaphore, #tpu.memory_space<semaphore_mem>>, %arg20: memref<!tpu.dma_semaphore, #tpu.memory_space<semaphore_mem>>, %arg21: memref<!tpu.dma_semaphore, #tpu.memory_space<semaphore_mem>>, %arg22: memref<!tpu.dma_semaphore, #tpu.memory_space<semaphore_mem>>) attributes {dimension_semantics = [#tpu.dimension_semantics<core_parallel>, #tpu.dimension_semantics<subcore_parallel>], iteration_bounds = array<i64: 2, 16>, scalar_prefetch = 0 : i64, scratch_operands = 16 : i64, tpu.core_type = #tpu.core_type<sc_vector_subcore>, window_params = [{transform_indices = #map}, {transform_indices = #map}, {transform_indices = #map1}, {transform_indices = #map1}, {transform_indices = #map}]} {
    %mul3A = arith.constant 157 : i32
    %mul3A_0 = arith.muli %arg1, %mul3A : i32
    %mul3A_1 = arith.constant 640 : i32
    %mul3A_2 = arith.muli %arg1, %mul3A_1 : i32
    %mul3A_3 = arith.constant 640 : i32
    %mul3A_4 = arith.muli %arg1, %mul3A_3 : i32
    "tpu.region"() ({
      %run_scoped3A_461 = tpu.sem_alloc : memref<!tpu.dma_semaphore, #tpu.memory_space<semaphore_mem>>
      %dma_start3A_462 = arith.constant 0 : i32
      %dma_start3A_463 = tpu.memref_slice %arg7[%mul3A_4, %dma_start3A_462] : memref<10240x128xf32, #tpu.memory_space<vmem_shared>> -> memref<640x128xf32, #tpu.memory_space<vmem_shared>>
      %dma_start3A_464 = arith.constant 0 : i32
      %dma_start3A_465 = tpu.memref_slice %arg5[%mul3A_2, %dma_start3A_464] : memref<10240x128xf32, #tpu.memory_space<hbm>> -> memref<640x128xf32, #tpu.memory_space<hbm>>
      tpu.enqueue_dma source(%dma_start3A_465 : memref<640x128xf32, #tpu.memory_space<hbm>>) target(%dma_start3A_463 : memref<640x128xf32, #tpu.memory_space<vmem_shared>>) target_semaphore(%run_scoped3A_461 : memref<!tpu.dma_semaphore, #tpu.memory_space<semaphore_mem>>)
      %dma_wait3A_466 = arith.constant 0 : i32
      %dma_wait3A_467 = tpu.memref_slice %arg7[%mul3A_4, %dma_wait3A_466] : memref<10240x128xf32, #tpu.memory_space<vmem_shared>> -> memref<640x128xf32, #tpu.memory_space<vmem_shared>>
      %dma_wait3A_468 = arith.constant 0 : i32
      %dma_wait3A_469 = tpu.memref_slice %arg5[%mul3A_2, %dma_wait3A_468] : memref<10240x128xf32, #tpu.memory_space<hbm>> -> memref<640x128xf32, #tpu.memory_space<hbm>>
      tpu.wait_dma2 semaphore(%run_scoped3A_461 : memref<!tpu.dma_semaphore, #tpu.memory_space<semaphore_mem>>) src(%dma_wait3A_469 : memref<640x128xf32, #tpu.memory_space<hbm>>) dst(%dma_wait3A_467 : memref<640x128xf32, #tpu.memory_space<vmem_shared>>)
      tpu.yield
    }) : () -> ()
    %barrier3A = arith.constant 0 : index
    tpu.barrier barrier_id(%barrier3A)
    %add3A = arith.constant 0 : i32
    %add3A_5 = arith.addi %mul3A_0, %add3A : i32
    %mul3A_6 = arith.constant 128 : i32
    %mul3A_7 = arith.muli %add3A_5, %mul3A_6 : i32
    %dma_start3A = arith.constant 0 : i32
    %dma_start3A_8 = tpu.memref_slice %arg2[%arg0, %dma_start3A, %mul3A_7] : memref<2x2x321536xi32, #tpu.memory_space<hbm>> -> memref<1x1x128xi32, #tpu.memory_space<hbm>>
    %dma_start3A_9 = tpu.memref_squeeze %dma_start3A_8 : memref<1x1x128xi32, #tpu.memory_space<hbm>> -> memref<128xi32, #tpu.memory_space<hbm>>
    %dma_start3A_10 = tpu.memref_slice %arg2[%arg0, %dma_start3A, %mul3A_7] : memref<2x2x321536xi32, #tpu.memory_space<hbm>> -> memref<1x1x128xi32, #tpu.memory_space<hbm>>
    %dma_start3A_11 = tpu.memref_squeeze %dma_start3A_10 : memref<1x1x128xi32, #tpu.memory_space<hbm>> -> memref<128xi32, #tpu.memory_space<hbm>>
    tpu.enqueue_dma source(%dma_start3A_11 : memref<128xi32, #tpu.memory_space<hbm>>) target(%arg8 : memref<128xi32, #tpu.memory_space<vmem>>) target_semaphore(%arg19 : memref<!tpu.dma_semaphore, #tpu.memory_space<semaphore_mem>>)
    %add3A_12 = arith.constant 0 : i32
    %add3A_13 = arith.addi %mul3A_0, %add3A_12 : i32
    %mul3A_14 = arith.constant 128 : i32
    %mul3A_15 = arith.muli %add3A_13, %mul3A_14 : i32
    %dma_start3A_16 = arith.constant 0 : i32
    %dma_start3A_17 = tpu.memref_slice %arg3[%arg0, %dma_start3A_16, %mul3A_15] : memref<2x2x321536xi32, #tpu.memory_space<hbm>> -> memref<1x1x128xi32, #tpu.memory_space<hbm>>
    %dma_start3A_18 = tpu.memref_squeeze %dma_start3A_17 : memref<1x1x128xi32, #tpu.memory_space<hbm>> -> memref<128xi32, #tpu.memory_space<hbm>>
    %dma_start3A_19 = tpu.memref_slice %arg3[%arg0, %dma_start3A_16, %mul3A_15] : memref<2x2x321536xi32, #tpu.memory_space<hbm>> -> memref<1x1x128xi32, #tpu.memory_space<hbm>>
    %dma_start3A_20 = tpu.memref_squeeze %dma_start3A_19 : memref<1x1x128xi32, #tpu.memory_space<hbm>> -> memref<128xi32, #tpu.memory_space<hbm>>
    tpu.enqueue_dma source(%dma_start3A_20 : memref<128xi32, #tpu.memory_space<hbm>>) target(%arg12 : memref<128xi32, #tpu.memory_space<vmem>>) target_semaphore(%arg19 : memref<!tpu.dma_semaphore, #tpu.memory_space<semaphore_mem>>)
    %add3A_21 = arith.constant 1 : i32
    %add3A_22 = arith.addi %mul3A_0, %add3A_21 : i32
    %mul3A_23 = arith.constant 128 : i32
    %mul3A_24 = arith.muli %add3A_22, %mul3A_23 : i32
    %dma_start3A_25 = arith.constant 0 : i32
    %dma_start3A_26 = tpu.memref_slice %arg2[%arg0, %dma_start3A_25, %mul3A_24] : memref<2x2x321536xi32, #tpu.memory_space<hbm>> -> memref<1x1x128xi32, #tpu.memory_space<hbm>>
    %dma_start3A_27 = tpu.memref_squeeze %dma_start3A_26 : memref<1x1x128xi32, #tpu.memory_space<hbm>> -> memref<128xi32, #tpu.memory_space<hbm>>
    %dma_start3A_28 = tpu.memref_slice %arg2[%arg0, %dma_start3A_25, %mul3A_24] : memref<2x2x321536xi32, #tpu.memory_space<hbm>> -> memref<1x1x128xi32, #tpu.memory_space<hbm>>
    %dma_start3A_29 = tpu.memref_squeeze %dma_start3A_28 : memref<1x1x128xi32, #tpu.memory_space<hbm>> -> memref<128xi32, #tpu.memory_space<hbm>>
    tpu.enqueue_dma source(%dma_start3A_29 : memref<128xi32, #tpu.memory_space<hbm>>) target(%arg9 : memref<128xi32, #tpu.memory_space<vmem>>) target_semaphore(%arg20 : memref<!tpu.dma_semaphore, #tpu.memory_space<semaphore_mem>>)
    %add3A_30 = arith.constant 1 : i32
    %add3A_31 = arith.addi %mul3A_0, %add3A_30 : i32
    %mul3A_32 = arith.constant 128 : i32
    %mul3A_33 = arith.muli %add3A_31, %mul3A_32 : i32
    %dma_start3A_34 = arith.constant 0 : i32
    %dma_start3A_35 = tpu.memref_slice %arg3[%arg0, %dma_start3A_34, %mul3A_33] : memref<2x2x321536xi32, #tpu.memory_space<hbm>> -> memref<1x1x128xi32, #tpu.memory_space<hbm>>
    %dma_start3A_36 = tpu.memref_squeeze %dma_start3A_35 : memref<1x1x128xi32, #tpu.memory_space<hbm>> -> memref<128xi32, #tpu.memory_space<hbm>>
    %dma_start3A_37 = tpu.memref_slice %arg3[%arg0, %dma_start3A_34, %mul3A_33] : memref<2x2x321536xi32, #tpu.memory_space<hbm>> -> memref<1x1x128xi32, #tpu.memory_space<hbm>>
    %dma_start3A_38 = tpu.memref_squeeze %dma_start3A_37 : memref<1x1x128xi32, #tpu.memory_space<hbm>> -> memref<128xi32, #tpu.memory_space<hbm>>
    tpu.enqueue_dma source(%dma_start3A_38 : memref<128xi32, #tpu.memory_space<hbm>>) target(%arg13 : memref<128xi32, #tpu.memory_space<vmem>>) target_semaphore(%arg20 : memref<!tpu.dma_semaphore, #tpu.memory_space<semaphore_mem>>)
    %add3A_39 = arith.constant 2 : i32
    %add3A_40 = arith.addi %mul3A_0, %add3A_39 : i32
    %mul3A_41 = arith.constant 128 : i32
    %mul3A_42 = arith.muli %add3A_40, %mul3A_41 : i32
    %dma_start3A_43 = arith.constant 0 : i32
    %dma_start3A_44 = tpu.memref_slice %arg2[%arg0, %dma_start3A_43, %mul3A_42] : memref<2x2x321536xi32, #tpu.memory_space<hbm>> -> memref<1x1x128xi32, #tpu.memory_space<hbm>>
    %dma_start3A_45 = tpu.memref_squeeze %dma_start3A_44 : memref<1x1x128xi32, #tpu.memory_space<hbm>> -> memref<128xi32, #tpu.memory_space<hbm>>
    %dma_start3A_46 = tpu.memref_slice %arg2[%arg0, %dma_start3A_43, %mul3A_42] : memref<2x2x321536xi32, #tpu.memory_space<hbm>> -> memref<1x1x128xi32, #tpu.memory_space<hbm>>
    %dma_start3A_47 = tpu.memref_squeeze %dma_start3A_46 : memref<1x1x128xi32, #tpu.memory_space<hbm>> -> memref<128xi32, #tpu.memory_space<hbm>>
    tpu.enqueue_dma source(%dma_start3A_47 : memref<128xi32, #tpu.memory_space<hbm>>) target(%arg10 : memref<128xi32, #tpu.memory_space<vmem>>) target_semaphore(%arg21 : memref<!tpu.dma_semaphore, #tpu.memory_space<semaphore_mem>>)
    %add3A_48 = arith.constant 2 : i32
    %add3A_49 = arith.addi %mul3A_0, %add3A_48 : i32
    %mul3A_50 = arith.constant 128 : i32
    %mul3A_51 = arith.muli %add3A_49, %mul3A_50 : i32
    %dma_start3A_52 = arith.constant 0 : i32
    %dma_start3A_53 = tpu.memref_slice %arg3[%arg0, %dma_start3A_52, %mul3A_51] : memref<2x2x321536xi32, #tpu.memory_space<hbm>> -> memref<1x1x128xi32, #tpu.memory_space<hbm>>
    %dma_start3A_54 = tpu.memref_squeeze %dma_start3A_53 : memref<1x1x128xi32, #tpu.memory_space<hbm>> -> memref<128xi32, #tpu.memory_space<hbm>>
    %dma_start3A_55 = tpu.memref_slice %arg3[%arg0, %dma_start3A_52, %mul3A_51] : memref<2x2x321536xi32, #tpu.memory_space<hbm>> -> memref<1x1x128xi32, #tpu.memory_space<hbm>>
    %dma_start3A_56 = tpu.memref_squeeze %dma_start3A_55 : memref<1x1x128xi32, #tpu.memory_space<hbm>> -> memref<128xi32, #tpu.memory_space<hbm>>
    tpu.enqueue_dma source(%dma_start3A_56 : memref<128xi32, #tpu.memory_space<hbm>>) target(%arg14 : memref<128xi32, #tpu.memory_space<vmem>>) target_semaphore(%arg21 : memref<!tpu.dma_semaphore, #tpu.memory_space<semaphore_mem>>)
    %add3A_57 = arith.constant 3 : i32
    %add3A_58 = arith.addi %mul3A_0, %add3A_57 : i32
    %mul3A_59 = arith.constant 128 : i32
    %mul3A_60 = arith.muli %add3A_58, %mul3A_59 : i32
    %dma_start3A_61 = arith.constant 0 : i32
    %dma_start3A_62 = tpu.memref_slice %arg2[%arg0, %dma_start3A_61, %mul3A_60] : memref<2x2x321536xi32, #tpu.memory_space<hbm>> -> memref<1x1x128xi32, #tpu.memory_space<hbm>>
    %dma_start3A_63 = tpu.memref_squeeze %dma_start3A_62 : memref<1x1x128xi32, #tpu.memory_space<hbm>> -> memref<128xi32, #tpu.memory_space<hbm>>
    %dma_start3A_64 = tpu.memref_slice %arg2[%arg0, %dma_start3A_61, %mul3A_60] : memref<2x2x321536xi32, #tpu.memory_space<hbm>> -> memref<1x1x128xi32, #tpu.memory_space<hbm>>
    %dma_start3A_65 = tpu.memref_squeeze %dma_start3A_64 : memref<1x1x128xi32, #tpu.memory_space<hbm>> -> memref<128xi32, #tpu.memory_space<hbm>>
    tpu.enqueue_dma source(%dma_start3A_65 : memref<128xi32, #tpu.memory_space<hbm>>) target(%arg11 : memref<128xi32, #tpu.memory_space<vmem>>) target_semaphore(%arg22 : memref<!tpu.dma_semaphore, #tpu.memory_space<semaphore_mem>>)
    %add3A_66 = arith.constant 3 : i32
    %add3A_67 = arith.addi %mul3A_0, %add3A_66 : i32
    %mul3A_68 = arith.constant 128 : i32
    %mul3A_69 = arith.muli %add3A_67, %mul3A_68 : i32
    %dma_start3A_70 = arith.constant 0 : i32
    %dma_start3A_71 = tpu.memref_slice %arg3[%arg0, %dma_start3A_70, %mul3A_69] : memref<2x2x321536xi32, #tpu.memory_space<hbm>> -> memref<1x1x128xi32, #tpu.memory_space<hbm>>
    %dma_start3A_72 = tpu.memref_squeeze %dma_start3A_71 : memref<1x1x128xi32, #tpu.memory_space<hbm>> -> memref<128xi32, #tpu.memory_space<hbm>>
    %dma_start3A_73 = tpu.memref_slice %arg3[%arg0, %dma_start3A_70, %mul3A_69] : memref<2x2x321536xi32, #tpu.memory_space<hbm>> -> memref<1x1x128xi32, #tpu.memory_space<hbm>>
    %dma_start3A_74 = tpu.memref_squeeze %dma_start3A_73 : memref<1x1x128xi32, #tpu.memory_space<hbm>> -> memref<128xi32, #tpu.memory_space<hbm>>
    tpu.enqueue_dma source(%dma_start3A_74 : memref<128xi32, #tpu.memory_space<hbm>>) target(%arg15 : memref<128xi32, #tpu.memory_space<vmem>>) target_semaphore(%arg22 : memref<!tpu.dma_semaphore, #tpu.memory_space<semaphore_mem>>)
    %add3A_75 = arith.constant 0 : i32
    %add3A_76 = arith.addi %mul3A_0, %add3A_75 : i32
    %mul3A_77 = arith.constant 128 : i32
    %mul3A_78 = arith.muli %add3A_76, %mul3A_77 : i32
    %dma_wait3A = arith.constant 0 : i32
    %dma_wait3A_79 = tpu.memref_slice %arg2[%arg0, %dma_wait3A, %mul3A_78] : memref<2x2x321536xi32, #tpu.memory_space<hbm>> -> memref<1x1x128xi32, #tpu.memory_space<hbm>>
    %dma_wait3A_80 = tpu.memref_squeeze %dma_wait3A_79 : memref<1x1x128xi32, #tpu.memory_space<hbm>> -> memref<128xi32, #tpu.memory_space<hbm>>
    %dma_wait3A_81 = tpu.memref_slice %arg2[%arg0, %dma_wait3A, %mul3A_78] : memref<2x2x321536xi32, #tpu.memory_space<hbm>> -> memref<1x1x128xi32, #tpu.memory_space<hbm>>
    %dma_wait3A_82 = tpu.memref_squeeze %dma_wait3A_81 : memref<1x1x128xi32, #tpu.memory_space<hbm>> -> memref<128xi32, #tpu.memory_space<hbm>>
    tpu.wait_dma2 semaphore(%arg19 : memref<!tpu.dma_semaphore, #tpu.memory_space<semaphore_mem>>) src(%dma_wait3A_82 : memref<128xi32, #tpu.memory_space<hbm>>) dst(%arg8 : memref<128xi32, #tpu.memory_space<vmem>>)
    %add3A_83 = arith.constant 0 : i32
    %add3A_84 = arith.addi %mul3A_0, %add3A_83 : i32
    %mul3A_85 = arith.constant 128 : i32
    %mul3A_86 = arith.muli %add3A_84, %mul3A_85 : i32
    %dma_wait3A_87 = arith.constant 0 : i32
    %dma_wait3A_88 = tpu.memref_slice %arg3[%arg0, %dma_wait3A_87, %mul3A_86] : memref<2x2x321536xi32, #tpu.memory_space<hbm>> -> memref<1x1x128xi32, #tpu.memory_space<hbm>>
    %dma_wait3A_89 = tpu.memref_squeeze %dma_wait3A_88 : memref<1x1x128xi32, #tpu.memory_space<hbm>> -> memref<128xi32, #tpu.memory_space<hbm>>
    %dma_wait3A_90 = tpu.memref_slice %arg3[%arg0, %dma_wait3A_87, %mul3A_86] : memref<2x2x321536xi32, #tpu.memory_space<hbm>> -> memref<1x1x128xi32, #tpu.memory_space<hbm>>
    %dma_wait3A_91 = tpu.memref_squeeze %dma_wait3A_90 : memref<1x1x128xi32, #tpu.memory_space<hbm>> -> memref<128xi32, #tpu.memory_space<hbm>>
    tpu.wait_dma2 semaphore(%arg19 : memref<!tpu.dma_semaphore, #tpu.memory_space<semaphore_mem>>) src(%dma_wait3A_91 : memref<128xi32, #tpu.memory_space<hbm>>) dst(%arg12 : memref<128xi32, #tpu.memory_space<vmem>>)
    %dma_start3A_92 = arith.constant 0 : i32
    %dma_start3A_93 = arith.constant 0 : i32
    %dma_start3A_94 = arith.constant 0 : i32
    %dma_start3A_95 = tpu.memref_slice %arg16[%dma_start3A_92, %dma_start3A_93, %dma_start3A_94] : memref<2x128x128xf32, #tpu.memory_space<vmem>> -> memref<1x128x128xf32, #tpu.memory_space<vmem>>
    %dma_start3A_96 = tpu.memref_squeeze %dma_start3A_95 : memref<1x128x128xf32, #tpu.memory_space<vmem>> -> memref<128x128xf32, #tpu.memory_space<vmem>>
    %dma_start3A_97 = arith.constant 0 : i32
    %dma_start3A_98 = arith.constant 0 : i32
    %dma_start3A_99 = tpu.memref_slice %arg4[%dma_start3A_97, %dma_start3A_98] : memref<40960x128xf32, #tpu.memory_space<hbm>> -> memref<40960x128xf32, #tpu.memory_space<hbm>>
    tpu.enqueue_indirect_dma source(%dma_start3A_99 : memref<40960x128xf32, #tpu.memory_space<hbm>>) target(%dma_start3A_96 : memref<128x128xf32, #tpu.memory_space<vmem>>) offsets(%arg8 : memref<128xi32, #tpu.memory_space<vmem>>) semaphore(%arg17 : memref<!tpu.dma_semaphore, #tpu.memory_space<semaphore_mem>>)
    %add3A_100 = arith.constant 1 : i32
    %add3A_101 = arith.addi %mul3A_0, %add3A_100 : i32
    %mul3A_102 = arith.constant 128 : i32
    %mul3A_103 = arith.muli %add3A_101, %mul3A_102 : i32
    %dma_wait3A_104 = arith.constant 0 : i32
    %dma_wait3A_105 = tpu.memref_slice %arg2[%arg0, %dma_wait3A_104, %mul3A_103] : memref<2x2x321536xi32, #tpu.memory_space<hbm>> -> memref<1x1x128xi32, #tpu.memory_space<hbm>>
    %dma_wait3A_106 = tpu.memref_squeeze %dma_wait3A_105 : memref<1x1x128xi32, #tpu.memory_space<hbm>> -> memref<128xi32, #tpu.memory_space<hbm>>
    %dma_wait3A_107 = tpu.memref_slice %arg2[%arg0, %dma_wait3A_104, %mul3A_103] : memref<2x2x321536xi32, #tpu.memory_space<hbm>> -> memref<1x1x128xi32, #tpu.memory_space<hbm>>
    %dma_wait3A_108 = tpu.memref_squeeze %dma_wait3A_107 : memref<1x1x128xi32, #tpu.memory_space<hbm>> -> memref<128xi32, #tpu.memory_space<hbm>>
    tpu.wait_dma2 semaphore(%arg20 : memref<!tpu.dma_semaphore, #tpu.memory_space<semaphore_mem>>) src(%dma_wait3A_108 : memref<128xi32, #tpu.memory_space<hbm>>) dst(%arg9 : memref<128xi32, #tpu.memory_space<vmem>>)
    %add3A_109 = arith.constant 1 : i32
    %add3A_110 = arith.addi %mul3A_0, %add3A_109 : i32
    %mul3A_111 = arith.constant 128 : i32
    %mul3A_112 = arith.muli %add3A_110, %mul3A_111 : i32
    %dma_wait3A_113 = arith.constant 0 : i32
    %dma_wait3A_114 = tpu.memref_slice %arg3[%arg0, %dma_wait3A_113, %mul3A_112] : memref<2x2x321536xi32, #tpu.memory_space<hbm>> -> memref<1x1x128xi32, #tpu.memory_space<hbm>>
    %dma_wait3A_115 = tpu.memref_squeeze %dma_wait3A_114 : memref<1x1x128xi32, #tpu.memory_space<hbm>> -> memref<128xi32, #tpu.memory_space<hbm>>
    %dma_wait3A_116 = tpu.memref_slice %arg3[%arg0, %dma_wait3A_113, %mul3A_112] : memref<2x2x321536xi32, #tpu.memory_space<hbm>> -> memref<1x1x128xi32, #tpu.memory_space<hbm>>
    %dma_wait3A_117 = tpu.memref_squeeze %dma_wait3A_116 : memref<1x1x128xi32, #tpu.memory_space<hbm>> -> memref<128xi32, #tpu.memory_space<hbm>>
    tpu.wait_dma2 semaphore(%arg20 : memref<!tpu.dma_semaphore, #tpu.memory_space<semaphore_mem>>) src(%dma_wait3A_117 : memref<128xi32, #tpu.memory_space<hbm>>) dst(%arg13 : memref<128xi32, #tpu.memory_space<vmem>>)
    %dma_start3A_118 = arith.constant 1 : i32
    %dma_start3A_119 = arith.constant 0 : i32
    %dma_start3A_120 = arith.constant 0 : i32
    %dma_start3A_121 = tpu.memref_slice %arg16[%dma_start3A_118, %dma_start3A_119, %dma_start3A_120] : memref<2x128x128xf32, #tpu.memory_space<vmem>> -> memref<1x128x128xf32, #tpu.memory_space<vmem>>
    %dma_start3A_122 = tpu.memref_squeeze %dma_start3A_121 : memref<1x128x128xf32, #tpu.memory_space<vmem>> -> memref<128x128xf32, #tpu.memory_space<vmem>>
    %dma_start3A_123 = arith.constant 0 : i32
    %dma_start3A_124 = arith.constant 0 : i32
    %dma_start3A_125 = tpu.memref_slice %arg4[%dma_start3A_123, %dma_start3A_124] : memref<40960x128xf32, #tpu.memory_space<hbm>> -> memref<40960x128xf32, #tpu.memory_space<hbm>>
    tpu.enqueue_indirect_dma source(%dma_start3A_125 : memref<40960x128xf32, #tpu.memory_space<hbm>>) target(%dma_start3A_122 : memref<128x128xf32, #tpu.memory_space<vmem>>) offsets(%arg9 : memref<128xi32, #tpu.memory_space<vmem>>) semaphore(%arg18 : memref<!tpu.dma_semaphore, #tpu.memory_space<semaphore_mem>>)
    %scan3A = arith.constant 0 : i32
    %scan3A_126 = arith.constant 0 : i32
    %scan3A_127 = arith.constant 38 : i32
    %scan3A_128 = arith.addi %scan3A_126, %scan3A_127 : i32
    %scan3A_129 = arith.constant 1 : i32
    scf.for %scan3A_461 = %scan3A_126 to %scan3A_128 step %scan3A_129  : i32 {
      %mul3A_462 = arith.constant 4 : i32
      %mul3A_463 = arith.muli %mul3A_462, %scan3A_461 : i32
      %add3A_464 = arith.constant 0 : i32
      %add3A_465 = arith.addi %mul3A_463, %add3A_464 : i32
      %dma_wait3A_466 = arith.constant 0 : i32
      %dma_wait3A_467 = arith.constant 0 : i32
      %dma_wait3A_468 = arith.constant 0 : i32
      %dma_wait3A_469 = tpu.memref_slice %arg16[%dma_wait3A_466, %dma_wait3A_467, %dma_wait3A_468] : memref<2x128x128xf32, #tpu.memory_space<vmem>> -> memref<1x128x128xf32, #tpu.memory_space<vmem>>
      %dma_wait3A_470 = tpu.memref_squeeze %dma_wait3A_469 : memref<1x128x128xf32, #tpu.memory_space<vmem>> -> memref<128x128xf32, #tpu.memory_space<vmem>>
      %dma_wait3A_471 = arith.constant 0 : i32
      %dma_wait3A_472 = arith.constant 0 : i32
      %dma_wait3A_473 = tpu.memref_slice %arg4[%dma_wait3A_471, %dma_wait3A_472] : memref<40960x128xf32, #tpu.memory_space<hbm>> -> memref<40960x128xf32, #tpu.memory_space<hbm>>
      tpu.wait_indirect_dma semaphore(%arg17 : memref<!tpu.dma_semaphore, #tpu.memory_space<semaphore_mem>>) src(%dma_wait3A_473 : memref<40960x128xf32, #tpu.memory_space<hbm>>) dst(%dma_wait3A_470 : memref<128x128xf32, #tpu.memory_space<vmem>>)
      %run_scoped3A_474 = arith.constant 0 : i32
      "tpu.region"() ({
        %run_scoped3A_690 = tpu.sem_alloc : memref<!tpu.dma_semaphore, #tpu.memory_space<semaphore_mem>>
        %dma_start3A_691 = arith.constant 0 : i32
        %dma_start3A_692 = arith.constant 0 : i32
        %dma_start3A_693 = tpu.memref_slice %arg16[%run_scoped3A_474, %dma_start3A_691, %dma_start3A_692] : memref<2x128x128xf32, #tpu.memory_space<vmem>> -> memref<1x128x128xf32, #tpu.memory_space<vmem>>
        %dma_start3A_694 = tpu.memref_squeeze %dma_start3A_693 : memref<1x128x128xf32, #tpu.memory_space<vmem>> -> memref<128x128xf32, #tpu.memory_space<vmem>>
        %dma_start3A_695 = arith.constant 0 : i32
        %dma_start3A_696 = arith.constant 0 : i32
        %dma_start3A_697 = tpu.memref_slice %arg7[%dma_start3A_695, %dma_start3A_696] : memref<10240x128xf32, #tpu.memory_space<vmem_shared>> -> memref<10240x128xf32, #tpu.memory_space<vmem_shared>>
        tpu.enqueue_indirect_dma source(%dma_start3A_694 : memref<128x128xf32, #tpu.memory_space<vmem>>) target(%dma_start3A_697 : memref<10240x128xf32, #tpu.memory_space<vmem_shared>>) offsets(%arg12 : memref<128xi32, #tpu.memory_space<vmem>>) semaphore(%run_scoped3A_690 : memref<!tpu.dma_semaphore, #tpu.memory_space<semaphore_mem>>) {add = true}
        %dma_wait3A_698 = arith.constant 0 : i32
        %dma_wait3A_699 = arith.constant 0 : i32
        %dma_wait3A_700 = tpu.memref_slice %arg16[%run_scoped3A_474, %dma_wait3A_698, %dma_wait3A_699] : memref<2x128x128xf32, #tpu.memory_space<vmem>> -> memref<1x128x128xf32, #tpu.memory_space<vmem>>
        %dma_wait3A_701 = tpu.memref_squeeze %dma_wait3A_700 : memref<1x128x128xf32, #tpu.memory_space<vmem>> -> memref<128x128xf32, #tpu.memory_space<vmem>>
        %dma_wait3A_702 = arith.constant 0 : i32
        %dma_wait3A_703 = arith.constant 0 : i32
        %dma_wait3A_704 = tpu.memref_slice %arg7[%dma_wait3A_702, %dma_wait3A_703] : memref<10240x128xf32, #tpu.memory_space<vmem_shared>> -> memref<10240x128xf32, #tpu.memory_space<vmem_shared>>
        tpu.wait_indirect_dma semaphore(%run_scoped3A_690 : memref<!tpu.dma_semaphore, #tpu.memory_space<semaphore_mem>>) src(%dma_wait3A_701 : memref<128x128xf32, #tpu.memory_space<vmem>>) dst(%dma_wait3A_704 : memref<10240x128xf32, #tpu.memory_space<vmem_shared>>)
        tpu.yield
      }) : () -> ()
      %add3A_475 = arith.constant 4 : i32
      %add3A_476 = arith.addi %add3A_465, %add3A_475 : i32
      %add3A_477 = arith.addi %mul3A_0, %add3A_476 : i32
      %mul3A_478 = arith.constant 128 : i32
      %mul3A_479 = arith.muli %add3A_477, %mul3A_478 : i32
      %dma_start3A_480 = arith.constant 0 : i32
      %dma_start3A_481 = tpu.memref_slice %arg2[%arg0, %dma_start3A_480, %mul3A_479] : memref<2x2x321536xi32, #tpu.memory_space<hbm>> -> memref<1x1x128xi32, #tpu.memory_space<hbm>>
      %dma_start3A_482 = tpu.memref_squeeze %dma_start3A_481 : memref<1x1x128xi32, #tpu.memory_space<hbm>> -> memref<128xi32, #tpu.memory_space<hbm>>
      %dma_start3A_483 = tpu.memref_slice %arg2[%arg0, %dma_start3A_480, %mul3A_479] : memref<2x2x321536xi32, #tpu.memory_space<hbm>> -> memref<1x1x128xi32, #tpu.memory_space<hbm>>
      %dma_start3A_484 = tpu.memref_squeeze %dma_start3A_483 : memref<1x1x128xi32, #tpu.memory_space<hbm>> -> memref<128xi32, #tpu.memory_space<hbm>>
      tpu.enqueue_dma source(%dma_start3A_484 : memref<128xi32, #tpu.memory_space<hbm>>) target(%arg8 : memref<128xi32, #tpu.memory_space<vmem>>) target_semaphore(%arg19 : memref<!tpu.dma_semaphore, #tpu.memory_space<semaphore_mem>>)
      %add3A_485 = arith.addi %mul3A_0, %add3A_476 : i32
      %mul3A_486 = arith.constant 128 : i32
      %mul3A_487 = arith.muli %add3A_485, %mul3A_486 : i32
      %dma_start3A_488 = arith.constant 0 : i32
      %dma_start3A_489 = tpu.memref_slice %arg3[%arg0, %dma_start3A_488, %mul3A_487] : memref<2x2x321536xi32, #tpu.memory_space<hbm>> -> memref<1x1x128xi32, #tpu.memory_space<hbm>>
      %dma_start3A_490 = tpu.memref_squeeze %dma_start3A_489 : memref<1x1x128xi32, #tpu.memory_space<hbm>> -> memref<128xi32, #tpu.memory_space<hbm>>
      %dma_start3A_491 = tpu.memref_slice %arg3[%arg0, %dma_start3A_488, %mul3A_487] : memref<2x2x321536xi32, #tpu.memory_space<hbm>> -> memref<1x1x128xi32, #tpu.memory_space<hbm>>
      %dma_start3A_492 = tpu.memref_squeeze %dma_start3A_491 : memref<1x1x128xi32, #tpu.memory_space<hbm>> -> memref<128xi32, #tpu.memory_space<hbm>>
      tpu.enqueue_dma source(%dma_start3A_492 : memref<128xi32, #tpu.memory_space<hbm>>) target(%arg12 : memref<128xi32, #tpu.memory_space<vmem>>) target_semaphore(%arg19 : memref<!tpu.dma_semaphore, #tpu.memory_space<semaphore_mem>>)
      %add3A_493 = arith.constant 2 : i32
      %add3A_494 = arith.addi %add3A_465, %add3A_493 : i32
      %add3A_495 = arith.addi %mul3A_0, %add3A_494 : i32
      %mul3A_496 = arith.constant 128 : i32
      %mul3A_497 = arith.muli %add3A_495, %mul3A_496 : i32
      %dma_wait3A_498 = arith.constant 0 : i32
      %dma_wait3A_499 = tpu.memref_slice %arg2[%arg0, %dma_wait3A_498, %mul3A_497] : memref<2x2x321536xi32, #tpu.memory_space<hbm>> -> memref<1x1x128xi32, #tpu.memory_space<hbm>>
      %dma_wait3A_500 = tpu.memref_squeeze %dma_wait3A_499 : memref<1x1x128xi32, #tpu.memory_space<hbm>> -> memref<128xi32, #tpu.memory_space<hbm>>
      %dma_wait3A_501 = tpu.memref_slice %arg2[%arg0, %dma_wait3A_498, %mul3A_497] : memref<2x2x321536xi32, #tpu.memory_space<hbm>> -> memref<1x1x128xi32, #tpu.memory_space<hbm>>
      %dma_wait3A_502 = tpu.memref_squeeze %dma_wait3A_501 : memref<1x1x128xi32, #tpu.memory_space<hbm>> -> memref<128xi32, #tpu.memory_space<hbm>>
      tpu.wait_dma2 semaphore(%arg21 : memref<!tpu.dma_semaphore, #tpu.memory_space<semaphore_mem>>) src(%dma_wait3A_502 : memref<128xi32, #tpu.memory_space<hbm>>) dst(%arg10 : memref<128xi32, #tpu.memory_space<vmem>>)
      %add3A_503 = arith.addi %mul3A_0, %add3A_494 : i32
      %mul3A_504 = arith.constant 128 : i32
      %mul3A_505 = arith.muli %add3A_503, %mul3A_504 : i32
      %dma_wait3A_506 = arith.constant 0 : i32
      %dma_wait3A_507 = tpu.memref_slice %arg3[%arg0, %dma_wait3A_506, %mul3A_505] : memref<2x2x321536xi32, #tpu.memory_space<hbm>> -> memref<1x1x128xi32, #tpu.memory_space<hbm>>
      %dma_wait3A_508 = tpu.memref_squeeze %dma_wait3A_507 : memref<1x1x128xi32, #tpu.memory_space<hbm>> -> memref<128xi32, #tpu.memory_space<hbm>>
      %dma_wait3A_509 = tpu.memref_slice %arg3[%arg0, %dma_wait3A_506, %mul3A_505] : memref<2x2x321536xi32, #tpu.memory_space<hbm>> -> memref<1x1x128xi32, #tpu.memory_space<hbm>>
      %dma_wait3A_510 = tpu.memref_squeeze %dma_wait3A_509 : memref<1x1x128xi32, #tpu.memory_space<hbm>> -> memref<128xi32, #tpu.memory_space<hbm>>
      tpu.wait_dma2 semaphore(%arg21 : memref<!tpu.dma_semaphore, #tpu.memory_space<semaphore_mem>>) src(%dma_wait3A_510 : memref<128xi32, #tpu.memory_space<hbm>>) dst(%arg14 : memref<128xi32, #tpu.memory_space<vmem>>)
      %dma_start3A_511 = arith.constant 0 : i32
      %dma_start3A_512 = arith.constant 0 : i32
      %dma_start3A_513 = arith.constant 0 : i32
      %dma_start3A_514 = tpu.memref_slice %arg16[%dma_start3A_511, %dma_start3A_512, %dma_start3A_513] : memref<2x128x128xf32, #tpu.memory_space<vmem>> -> memref<1x128x128xf32, #tpu.memory_space<vmem>>
      %dma_start3A_515 = tpu.memref_squeeze %dma_start3A_514 : memref<1x128x128xf32, #tpu.memory_space<vmem>> -> memref<128x128xf32, #tpu.memory_space<vmem>>
      %dma_start3A_516 = arith.constant 0 : i32
      %dma_start3A_517 = arith.constant 0 : i32
      %dma_start3A_518 = tpu.memref_slice %arg4[%dma_start3A_516, %dma_start3A_517] : memref<40960x128xf32, #tpu.memory_space<hbm>> -> memref<40960x128xf32, #tpu.memory_space<hbm>>
      tpu.enqueue_indirect_dma source(%dma_start3A_518 : memref<40960x128xf32, #tpu.memory_space<hbm>>) target(%dma_start3A_515 : memref<128x128xf32, #tpu.memory_space<vmem>>) offsets(%arg10 : memref<128xi32, #tpu.memory_space<vmem>>) semaphore(%arg17 : memref<!tpu.dma_semaphore, #tpu.memory_space<semaphore_mem>>)
      %mul3A_519 = arith.constant 4 : i32
      %mul3A_520 = arith.muli %mul3A_519, %scan3A_461 : i32
      %add3A_521 = arith.constant 1 : i32
      %add3A_522 = arith.addi %mul3A_520, %add3A_521 : i32
      %dma_wait3A_523 = arith.constant 1 : i32
      %dma_wait3A_524 = arith.constant 0 : i32
      %dma_wait3A_525 = arith.constant 0 : i32
      %dma_wait3A_526 = tpu.memref_slice %arg16[%dma_wait3A_523, %dma_wait3A_524, %dma_wait3A_525] : memref<2x128x128xf32, #tpu.memory_space<vmem>> -> memref<1x128x128xf32, #tpu.memory_space<vmem>>
      %dma_wait3A_527 = tpu.memref_squeeze %dma_wait3A_526 : memref<1x128x128xf32, #tpu.memory_space<vmem>> -> memref<128x128xf32, #tpu.memory_space<vmem>>
      %dma_wait3A_528 = arith.constant 0 : i32
      %dma_wait3A_529 = arith.constant 0 : i32
      %dma_wait3A_530 = tpu.memref_slice %arg4[%dma_wait3A_528, %dma_wait3A_529] : memref<40960x128xf32, #tpu.memory_space<hbm>> -> memref<40960x128xf32, #tpu.memory_space<hbm>>
      tpu.wait_indirect_dma semaphore(%arg18 : memref<!tpu.dma_semaphore, #tpu.memory_space<semaphore_mem>>) src(%dma_wait3A_530 : memref<40960x128xf32, #tpu.memory_space<hbm>>) dst(%dma_wait3A_527 : memref<128x128xf32, #tpu.memory_space<vmem>>)
      %run_scoped3A_531 = arith.constant 1 : i32
      "tpu.region"() ({
        %run_scoped3A_690 = tpu.sem_alloc : memref<!tpu.dma_semaphore, #tpu.memory_space<semaphore_mem>>
        %dma_start3A_691 = arith.constant 0 : i32
        %dma_start3A_692 = arith.constant 0 : i32
        %dma_start3A_693 = tpu.memref_slice %arg16[%run_scoped3A_531, %dma_start3A_691, %dma_start3A_692] : memref<2x128x128xf32, #tpu.memory_space<vmem>> -> memref<1x128x128xf32, #tpu.memory_space<vmem>>
        %dma_start3A_694 = tpu.memref_squeeze %dma_start3A_693 : memref<1x128x128xf32, #tpu.memory_space<vmem>> -> memref<128x128xf32, #tpu.memory_space<vmem>>
        %dma_start3A_695 = arith.constant 0 : i32
        %dma_start3A_696 = arith.constant 0 : i32
        %dma_start3A_697 = tpu.memref_slice %arg7[%dma_start3A_695, %dma_start3A_696] : memref<10240x128xf32, #tpu.memory_space<vmem_shared>> -> memref<10240x128xf32, #tpu.memory_space<vmem_shared>>
        tpu.enqueue_indirect_dma source(%dma_start3A_694 : memref<128x128xf32, #tpu.memory_space<vmem>>) target(%dma_start3A_697 : memref<10240x128xf32, #tpu.memory_space<vmem_shared>>) offsets(%arg13 : memref<128xi32, #tpu.memory_space<vmem>>) semaphore(%run_scoped3A_690 : memref<!tpu.dma_semaphore, #tpu.memory_space<semaphore_mem>>) {add = true}
        %dma_wait3A_698 = arith.constant 0 : i32
        %dma_wait3A_699 = arith.constant 0 : i32
        %dma_wait3A_700 = tpu.memref_slice %arg16[%run_scoped3A_531, %dma_wait3A_698, %dma_wait3A_699] : memref<2x128x128xf32, #tpu.memory_space<vmem>> -> memref<1x128x128xf32, #tpu.memory_space<vmem>>
        %dma_wait3A_701 = tpu.memref_squeeze %dma_wait3A_700 : memref<1x128x128xf32, #tpu.memory_space<vmem>> -> memref<128x128xf32, #tpu.memory_space<vmem>>
        %dma_wait3A_702 = arith.constant 0 : i32
        %dma_wait3A_703 = arith.constant 0 : i32
        %dma_wait3A_704 = tpu.memref_slice %arg7[%dma_wait3A_702, %dma_wait3A_703] : memref<10240x128xf32, #tpu.memory_space<vmem_shared>> -> memref<10240x128xf32, #tpu.memory_space<vmem_shared>>
        tpu.wait_indirect_dma semaphore(%run_scoped3A_690 : memref<!tpu.dma_semaphore, #tpu.memory_space<semaphore_mem>>) src(%dma_wait3A_701 : memref<128x128xf32, #tpu.memory_space<vmem>>) dst(%dma_wait3A_704 : memref<10240x128xf32, #tpu.memory_space<vmem_shared>>)
        tpu.yield
      }) : () -> ()
      %add3A_532 = arith.constant 4 : i32
      %add3A_533 = arith.addi %add3A_522, %add3A_532 : i32
      %add3A_534 = arith.addi %mul3A_0, %add3A_533 : i32
      %mul3A_535 = arith.constant 128 : i32
      %mul3A_536 = arith.muli %add3A_534, %mul3A_535 : i32
      %dma_start3A_537 = arith.constant 0 : i32
      %dma_start3A_538 = tpu.memref_slice %arg2[%arg0, %dma_start3A_537, %mul3A_536] : memref<2x2x321536xi32, #tpu.memory_space<hbm>> -> memref<1x1x128xi32, #tpu.memory_space<hbm>>
      %dma_start3A_539 = tpu.memref_squeeze %dma_start3A_538 : memref<1x1x128xi32, #tpu.memory_space<hbm>> -> memref<128xi32, #tpu.memory_space<hbm>>
      %dma_start3A_540 = tpu.memref_slice %arg2[%arg0, %dma_start3A_537, %mul3A_536] : memref<2x2x321536xi32, #tpu.memory_space<hbm>> -> memref<1x1x128xi32, #tpu.memory_space<hbm>>
      %dma_start3A_541 = tpu.memref_squeeze %dma_start3A_540 : memref<1x1x128xi32, #tpu.memory_space<hbm>> -> memref<128xi32, #tpu.memory_space<hbm>>
      tpu.enqueue_dma source(%dma_start3A_541 : memref<128xi32, #tpu.memory_space<hbm>>) target(%arg9 : memref<128xi32, #tpu.memory_space<vmem>>) target_semaphore(%arg20 : memref<!tpu.dma_semaphore, #tpu.memory_space<semaphore_mem>>)
      %add3A_542 = arith.addi %mul3A_0, %add3A_533 : i32
      %mul3A_543 = arith.constant 128 : i32
      %mul3A_544 = arith.muli %add3A_542, %mul3A_543 : i32
      %dma_start3A_545 = arith.constant 0 : i32
      %dma_start3A_546 = tpu.memref_slice %arg3[%arg0, %dma_start3A_545, %mul3A_544] : memref<2x2x321536xi32, #tpu.memory_space<hbm>> -> memref<1x1x128xi32, #tpu.memory_space<hbm>>
      %dma_start3A_547 = tpu.memref_squeeze %dma_start3A_546 : memref<1x1x128xi32, #tpu.memory_space<hbm>> -> memref<128xi32, #tpu.memory_space<hbm>>
      %dma_start3A_548 = tpu.memref_slice %arg3[%arg0, %dma_start3A_545, %mul3A_544] : memref<2x2x321536xi32, #tpu.memory_space<hbm>> -> memref<1x1x128xi32, #tpu.memory_space<hbm>>
      %dma_start3A_549 = tpu.memref_squeeze %dma_start3A_548 : memref<1x1x128xi32, #tpu.memory_space<hbm>> -> memref<128xi32, #tpu.memory_space<hbm>>
      tpu.enqueue_dma source(%dma_start3A_549 : memref<128xi32, #tpu.memory_space<hbm>>) target(%arg13 : memref<128xi32, #tpu.memory_space<vmem>>) target_semaphore(%arg20 : memref<!tpu.dma_semaphore, #tpu.memory_space<semaphore_mem>>)
      %add3A_550 = arith.constant 2 : i32
      %add3A_551 = arith.addi %add3A_522, %add3A_550 : i32
      %add3A_552 = arith.addi %mul3A_0, %add3A_551 : i32
      %mul3A_553 = arith.constant 128 : i32
      %mul3A_554 = arith.muli %add3A_552, %mul3A_553 : i32
      %dma_wait3A_555 = arith.constant 0 : i32
      %dma_wait3A_556 = tpu.memref_slice %arg2[%arg0, %dma_wait3A_555, %mul3A_554] : memref<2x2x321536xi32, #tpu.memory_space<hbm>> -> memref<1x1x128xi32, #tpu.memory_space<hbm>>
      %dma_wait3A_557 = tpu.memref_squeeze %dma_wait3A_556 : memref<1x1x128xi32, #tpu.memory_space<hbm>> -> memref<128xi32, #tpu.memory_space<hbm>>
      %dma_wait3A_558 = tpu.memref_slice %arg2[%arg0, %dma_wait3A_555, %mul3A_554] : memref<2x2x321536xi32, #tpu.memory_space<hbm>> -> memref<1x1x128xi32, #tpu.memory_space<hbm>>
      %dma_wait3A_559 = tpu.memref_squeeze %dma_wait3A_558 : memref<1x1x128xi32, #tpu.memory_space<hbm>> -> memref<128xi32, #tpu.memory_space<hbm>>
      tpu.wait_dma2 semaphore(%arg22 : memref<!tpu.dma_semaphore, #tpu.memory_space<semaphore_mem>>) src(%dma_wait3A_559 : memref<128xi32, #tpu.memory_space<hbm>>) dst(%arg11 : memref<128xi32, #tpu.memory_space<vmem>>)
      %add3A_560 = arith.addi %mul3A_0, %add3A_551 : i32
      %mul3A_561 = arith.constant 128 : i32
      %mul3A_562 = arith.muli %add3A_560, %mul3A_561 : i32
      %dma_wait3A_563 = arith.constant 0 : i32
      %dma_wait3A_564 = tpu.memref_slice %arg3[%arg0, %dma_wait3A_563, %mul3A_562] : memref<2x2x321536xi32, #tpu.memory_space<hbm>> -> memref<1x1x128xi32, #tpu.memory_space<hbm>>
      %dma_wait3A_565 = tpu.memref_squeeze %dma_wait3A_564 : memref<1x1x128xi32, #tpu.memory_space<hbm>> -> memref<128xi32, #tpu.memory_space<hbm>>
      %dma_wait3A_566 = tpu.memref_slice %arg3[%arg0, %dma_wait3A_563, %mul3A_562] : memref<2x2x321536xi32, #tpu.memory_space<hbm>> -> memref<1x1x128xi32, #tpu.memory_space<hbm>>
      %dma_wait3A_567 = tpu.memref_squeeze %dma_wait3A_566 : memref<1x1x128xi32, #tpu.memory_space<hbm>> -> memref<128xi32, #tpu.memory_space<hbm>>
      tpu.wait_dma2 semaphore(%arg22 : memref<!tpu.dma_semaphore, #tpu.memory_space<semaphore_mem>>) src(%dma_wait3A_567 : memref<128xi32, #tpu.memory_space<hbm>>) dst(%arg15 : memref<128xi32, #tpu.memory_space<vmem>>)
      %dma_start3A_568 = arith.constant 1 : i32
      %dma_start3A_569 = arith.constant 0 : i32
      %dma_start3A_570 = arith.constant 0 : i32
      %dma_start3A_571 = tpu.memref_slice %arg16[%dma_start3A_568, %dma_start3A_569, %dma_start3A_570] : memref<2x128x128xf32, #tpu.memory_space<vmem>> -> memref<1x128x128xf32, #tpu.memory_space<vmem>>
      %dma_start3A_572 = tpu.memref_squeeze %dma_start3A_571 : memref<1x128x128xf32, #tpu.memory_space<vmem>> -> memref<128x128xf32, #tpu.memory_space<vmem>>
      %dma_start3A_573 = arith.constant 0 : i32
      %dma_start3A_574 = arith.constant 0 : i32
      %dma_start3A_575 = tpu.memref_slice %arg4[%dma_start3A_573, %dma_start3A_574] : memref<40960x128xf32, #tpu.memory_space<hbm>> -> memref<40960x128xf32, #tpu.memory_space<hbm>>
      tpu.enqueue_indirect_dma source(%dma_start3A_575 : memref<40960x128xf32, #tpu.memory_space<hbm>>) target(%dma_start3A_572 : memref<128x128xf32, #tpu.memory_space<vmem>>) offsets(%arg11 : memref<128xi32, #tpu.memory_space<vmem>>) semaphore(%arg18 : memref<!tpu.dma_semaphore, #tpu.memory_space<semaphore_mem>>)
      %mul3A_576 = arith.constant 4 : i32
      %mul3A_577 = arith.muli %mul3A_576, %scan3A_461 : i32
      %add3A_578 = arith.constant 2 : i32
      %add3A_579 = arith.addi %mul3A_577, %add3A_578 : i32
      %dma_wait3A_580 = arith.constant 0 : i32
      %dma_wait3A_581 = arith.constant 0 : i32
      %dma_wait3A_582 = arith.constant 0 : i32
      %dma_wait3A_583 = tpu.memref_slice %arg16[%dma_wait3A_580, %dma_wait3A_581, %dma_wait3A_582] : memref<2x128x128xf32, #tpu.memory_space<vmem>> -> memref<1x128x128xf32, #tpu.memory_space<vmem>>
      %dma_wait3A_584 = tpu.memref_squeeze %dma_wait3A_583 : memref<1x128x128xf32, #tpu.memory_space<vmem>> -> memref<128x128xf32, #tpu.memory_space<vmem>>
      %dma_wait3A_585 = arith.constant 0 : i32
      %dma_wait3A_586 = arith.constant 0 : i32
      %dma_wait3A_587 = tpu.memref_slice %arg4[%dma_wait3A_585, %dma_wait3A_586] : memref<40960x128xf32, #tpu.memory_space<hbm>> -> memref<40960x128xf32, #tpu.memory_space<hbm>>
      tpu.wait_indirect_dma semaphore(%arg17 : memref<!tpu.dma_semaphore, #tpu.memory_space<semaphore_mem>>) src(%dma_wait3A_587 : memref<40960x128xf32, #tpu.memory_space<hbm>>) dst(%dma_wait3A_584 : memref<128x128xf32, #tpu.memory_space<vmem>>)
      %run_scoped3A_588 = arith.constant 0 : i32
      "tpu.region"() ({
        %run_scoped3A_690 = tpu.sem_alloc : memref<!tpu.dma_semaphore, #tpu.memory_space<semaphore_mem>>
        %dma_start3A_691 = arith.constant 0 : i32
        %dma_start3A_692 = arith.constant 0 : i32
        %dma_start3A_693 = tpu.memref_slice %arg16[%run_scoped3A_588, %dma_start3A_691, %dma_start3A_692] : memref<2x128x128xf32, #tpu.memory_space<vmem>> -> memref<1x128x128xf32, #tpu.memory_space<vmem>>
        %dma_start3A_694 = tpu.memref_squeeze %dma_start3A_693 : memref<1x128x128xf32, #tpu.memory_space<vmem>> -> memref<128x128xf32, #tpu.memory_space<vmem>>
        %dma_start3A_695 = arith.constant 0 : i32
        %dma_start3A_696 = arith.constant 0 : i32
        %dma_start3A_697 = tpu.memref_slice %arg7[%dma_start3A_695, %dma_start3A_696] : memref<10240x128xf32, #tpu.memory_space<vmem_shared>> -> memref<10240x128xf32, #tpu.memory_space<vmem_shared>>
        tpu.enqueue_indirect_dma source(%dma_start3A_694 : memref<128x128xf32, #tpu.memory_space<vmem>>) target(%dma_start3A_697 : memref<10240x128xf32, #tpu.memory_space<vmem_shared>>) offsets(%arg14 : memref<128xi32, #tpu.memory_space<vmem>>) semaphore(%run_scoped3A_690 : memref<!tpu.dma_semaphore, #tpu.memory_space<semaphore_mem>>) {add = true}
        %dma_wait3A_698 = arith.constant 0 : i32
        %dma_wait3A_699 = arith.constant 0 : i32
        %dma_wait3A_700 = tpu.memref_slice %arg16[%run_scoped3A_588, %dma_wait3A_698, %dma_wait3A_699] : memref<2x128x128xf32, #tpu.memory_space<vmem>> -> memref<1x128x128xf32, #tpu.memory_space<vmem>>
        %dma_wait3A_701 = tpu.memref_squeeze %dma_wait3A_700 : memref<1x128x128xf32, #tpu.memory_space<vmem>> -> memref<128x128xf32, #tpu.memory_space<vmem>>
        %dma_wait3A_702 = arith.constant 0 : i32
        %dma_wait3A_703 = arith.constant 0 : i32
        %dma_wait3A_704 = tpu.memref_slice %arg7[%dma_wait3A_702, %dma_wait3A_703] : memref<10240x128xf32, #tpu.memory_space<vmem_shared>> -> memref<10240x128xf32, #tpu.memory_space<vmem_shared>>
        tpu.wait_indirect_dma semaphore(%run_scoped3A_690 : memref<!tpu.dma_semaphore, #tpu.memory_space<semaphore_mem>>) src(%dma_wait3A_701 : memref<128x128xf32, #tpu.memory_space<vmem>>) dst(%dma_wait3A_704 : memref<10240x128xf32, #tpu.memory_space<vmem_shared>>)
        tpu.yield
      }) : () -> ()
      %add3A_589 = arith.constant 4 : i32
      %add3A_590 = arith.addi %add3A_579, %add3A_589 : i32
      %add3A_591 = arith.addi %mul3A_0, %add3A_590 : i32
      %mul3A_592 = arith.constant 128 : i32
      %mul3A_593 = arith.muli %add3A_591, %mul3A_592 : i32
      %dma_start3A_594 = arith.constant 0 : i32
      %dma_start3A_595 = tpu.memref_slice %arg2[%arg0, %dma_start3A_594, %mul3A_593] : memref<2x2x321536xi32, #tpu.memory_space<hbm>> -> memref<1x1x128xi32, #tpu.memory_space<hbm>>
      %dma_start3A_596 = tpu.memref_squeeze %dma_start3A_595 : memref<1x1x128xi32, #tpu.memory_space<hbm>> -> memref<128xi32, #tpu.memory_space<hbm>>
      %dma_start3A_597 = tpu.memref_slice %arg2[%arg0, %dma_start3A_594, %mul3A_593] : memref<2x2x321536xi32, #tpu.memory_space<hbm>> -> memref<1x1x128xi32, #tpu.memory_space<hbm>>
      %dma_start3A_598 = tpu.memref_squeeze %dma_start3A_597 : memref<1x1x128xi32, #tpu.memory_space<hbm>> -> memref<128xi32, #tpu.memory_space<hbm>>
      tpu.enqueue_dma source(%dma_start3A_598 : memref<128xi32, #tpu.memory_space<hbm>>) target(%arg10 : memref<128xi32, #tpu.memory_space<vmem>>) target_semaphore(%arg21 : memref<!tpu.dma_semaphore, #tpu.memory_space<semaphore_mem>>)
      %add3A_599 = arith.addi %mul3A_0, %add3A_590 : i32
      %mul3A_600 = arith.constant 128 : i32
      %mul3A_601 = arith.muli %add3A_599, %mul3A_600 : i32
      %dma_start3A_602 = arith.constant 0 : i32
      %dma_start3A_603 = tpu.memref_slice %arg3[%arg0, %dma_start3A_602, %mul3A_601] : memref<2x2x321536xi32, #tpu.memory_space<hbm>> -> memref<1x1x128xi32, #tpu.memory_space<hbm>>
      %dma_start3A_604 = tpu.memref_squeeze %dma_start3A_603 : memref<1x1x128xi32, #tpu.memory_space<hbm>> -> memref<128xi32, #tpu.memory_space<hbm>>
      %dma_start3A_605 = tpu.memref_slice %arg3[%arg0, %dma_start3A_602, %mul3A_601] : memref<2x2x321536xi32, #tpu.memory_space<hbm>> -> memref<1x1x128xi32, #tpu.memory_space<hbm>>
      %dma_start3A_606 = tpu.memref_squeeze %dma_start3A_605 : memref<1x1x128xi32, #tpu.memory_space<hbm>> -> memref<128xi32, #tpu.memory_space<hbm>>
      tpu.enqueue_dma source(%dma_start3A_606 : memref<128xi32, #tpu.memory_space<hbm>>) target(%arg14 : memref<128xi32, #tpu.memory_space<vmem>>) target_semaphore(%arg21 : memref<!tpu.dma_semaphore, #tpu.memory_space<semaphore_mem>>)
      %add3A_607 = arith.constant 2 : i32
      %add3A_608 = arith.addi %add3A_579, %add3A_607 : i32
      %add3A_609 = arith.addi %mul3A_0, %add3A_608 : i32
      %mul3A_610 = arith.constant 128 : i32
      %mul3A_611 = arith.muli %add3A_609, %mul3A_610 : i32
      %dma_wait3A_612 = arith.constant 0 : i32
      %dma_wait3A_613 = tpu.memref_slice %arg2[%arg0, %dma_wait3A_612, %mul3A_611] : memref<2x2x321536xi32, #tpu.memory_space<hbm>> -> memref<1x1x128xi32, #tpu.memory_space<hbm>>
      %dma_wait3A_614 = tpu.memref_squeeze %dma_wait3A_613 : memref<1x1x128xi32, #tpu.memory_space<hbm>> -> memref<128xi32, #tpu.memory_space<hbm>>
      %dma_wait3A_615 = tpu.memref_slice %arg2[%arg0, %dma_wait3A_612, %mul3A_611] : memref<2x2x321536xi32, #tpu.memory_space<hbm>> -> memref<1x1x128xi32, #tpu.memory_space<hbm>>
      %dma_wait3A_616 = tpu.memref_squeeze %dma_wait3A_615 : memref<1x1x128xi32, #tpu.memory_space<hbm>> -> memref<128xi32, #tpu.memory_space<hbm>>
      tpu.wait_dma2 semaphore(%arg19 : memref<!tpu.dma_semaphore, #tpu.memory_space<semaphore_mem>>) src(%dma_wait3A_616 : memref<128xi32, #tpu.memory_space<hbm>>) dst(%arg8 : memref<128xi32, #tpu.memory_space<vmem>>)
      %add3A_617 = arith.addi %mul3A_0, %add3A_608 : i32
      %mul3A_618 = arith.constant 128 : i32
      %mul3A_619 = arith.muli %add3A_617, %mul3A_618 : i32
      %dma_wait3A_620 = arith.constant 0 : i32
      %dma_wait3A_621 = tpu.memref_slice %arg3[%arg0, %dma_wait3A_620, %mul3A_619] : memref<2x2x321536xi32, #tpu.memory_space<hbm>> -> memref<1x1x128xi32, #tpu.memory_space<hbm>>
      %dma_wait3A_622 = tpu.memref_squeeze %dma_wait3A_621 : memref<1x1x128xi32, #tpu.memory_space<hbm>> -> memref<128xi32, #tpu.memory_space<hbm>>
      %dma_wait3A_623 = tpu.memref_slice %arg3[%arg0, %dma_wait3A_620, %mul3A_619] : memref<2x2x321536xi32, #tpu.memory_space<hbm>> -> memref<1x1x128xi32, #tpu.memory_space<hbm>>
      %dma_wait3A_624 = tpu.memref_squeeze %dma_wait3A_623 : memref<1x1x128xi32, #tpu.memory_space<hbm>> -> memref<128xi32, #tpu.memory_space<hbm>>
      tpu.wait_dma2 semaphore(%arg19 : memref<!tpu.dma_semaphore, #tpu.memory_space<semaphore_mem>>) src(%dma_wait3A_624 : memref<128xi32, #tpu.memory_space<hbm>>) dst(%arg12 : memref<128xi32, #tpu.memory_space<vmem>>)
      %dma_start3A_625 = arith.constant 0 : i32
      %dma_start3A_626 = arith.constant 0 : i32
      %dma_start3A_627 = arith.constant 0 : i32
      %dma_start3A_628 = tpu.memref_slice %arg16[%dma_start3A_625, %dma_start3A_626, %dma_start3A_627] : memref<2x128x128xf32, #tpu.memory_space<vmem>> -> memref<1x128x128xf32, #tpu.memory_space<vmem>>
      %dma_start3A_629 = tpu.memref_squeeze %dma_start3A_628 : memref<1x128x128xf32, #tpu.memory_space<vmem>> -> memref<128x128xf32, #tpu.memory_space<vmem>>
      %dma_start3A_630 = arith.constant 0 : i32
      %dma_start3A_631 = arith.constant 0 : i32
      %dma_start3A_632 = tpu.memref_slice %arg4[%dma_start3A_630, %dma_start3A_631] : memref<40960x128xf32, #tpu.memory_space<hbm>> -> memref<40960x128xf32, #tpu.memory_space<hbm>>
      tpu.enqueue_indirect_dma source(%dma_start3A_632 : memref<40960x128xf32, #tpu.memory_space<hbm>>) target(%dma_start3A_629 : memref<128x128xf32, #tpu.memory_space<vmem>>) offsets(%arg8 : memref<128xi32, #tpu.memory_space<vmem>>) semaphore(%arg17 : memref<!tpu.dma_semaphore, #tpu.memory_space<semaphore_mem>>)
      %mul3A_633 = arith.constant 4 : i32
      %mul3A_634 = arith.muli %mul3A_633, %scan3A_461 : i32
      %add3A_635 = arith.constant 3 : i32
      %add3A_636 = arith.addi %mul3A_634, %add3A_635 : i32
      %dma_wait3A_637 = arith.constant 1 : i32
      %dma_wait3A_638 = arith.constant 0 : i32
      %dma_wait3A_639 = arith.constant 0 : i32
      %dma_wait3A_640 = tpu.memref_slice %arg16[%dma_wait3A_637, %dma_wait3A_638, %dma_wait3A_639] : memref<2x128x128xf32, #tpu.memory_space<vmem>> -> memref<1x128x128xf32, #tpu.memory_space<vmem>>
      %dma_wait3A_641 = tpu.memref_squeeze %dma_wait3A_640 : memref<1x128x128xf32, #tpu.memory_space<vmem>> -> memref<128x128xf32, #tpu.memory_space<vmem>>
      %dma_wait3A_642 = arith.constant 0 : i32
      %dma_wait3A_643 = arith.constant 0 : i32
      %dma_wait3A_644 = tpu.memref_slice %arg4[%dma_wait3A_642, %dma_wait3A_643] : memref<40960x128xf32, #tpu.memory_space<hbm>> -> memref<40960x128xf32, #tpu.memory_space<hbm>>
      tpu.wait_indirect_dma semaphore(%arg18 : memref<!tpu.dma_semaphore, #tpu.memory_space<semaphore_mem>>) src(%dma_wait3A_644 : memref<40960x128xf32, #tpu.memory_space<hbm>>) dst(%dma_wait3A_641 : memref<128x128xf32, #tpu.memory_space<vmem>>)
      %run_scoped3A_645 = arith.constant 1 : i32
      "tpu.region"() ({
        %run_scoped3A_690 = tpu.sem_alloc : memref<!tpu.dma_semaphore, #tpu.memory_space<semaphore_mem>>
        %dma_start3A_691 = arith.constant 0 : i32
        %dma_start3A_692 = arith.constant 0 : i32
        %dma_start3A_693 = tpu.memref_slice %arg16[%run_scoped3A_645, %dma_start3A_691, %dma_start3A_692] : memref<2x128x128xf32, #tpu.memory_space<vmem>> -> memref<1x128x128xf32, #tpu.memory_space<vmem>>
        %dma_start3A_694 = tpu.memref_squeeze %dma_start3A_693 : memref<1x128x128xf32, #tpu.memory_space<vmem>> -> memref<128x128xf32, #tpu.memory_space<vmem>>
        %dma_start3A_695 = arith.constant 0 : i32
        %dma_start3A_696 = arith.constant 0 : i32
        %dma_start3A_697 = tpu.memref_slice %arg7[%dma_start3A_695, %dma_start3A_696] : memref<10240x128xf32, #tpu.memory_space<vmem_shared>> -> memref<10240x128xf32, #tpu.memory_space<vmem_shared>>
        tpu.enqueue_indirect_dma source(%dma_start3A_694 : memref<128x128xf32, #tpu.memory_space<vmem>>) target(%dma_start3A_697 : memref<10240x128xf32, #tpu.memory_space<vmem_shared>>) offsets(%arg15 : memref<128xi32, #tpu.memory_space<vmem>>) semaphore(%run_scoped3A_690 : memref<!tpu.dma_semaphore, #tpu.memory_space<semaphore_mem>>) {add = true}
        %dma_wait3A_698 = arith.constant 0 : i32
        %dma_wait3A_699 = arith.constant 0 : i32
        %dma_wait3A_700 = tpu.memref_slice %arg16[%run_scoped3A_645, %dma_wait3A_698, %dma_wait3A_699] : memref<2x128x128xf32, #tpu.memory_space<vmem>> -> memref<1x128x128xf32, #tpu.memory_space<vmem>>
        %dma_wait3A_701 = tpu.memref_squeeze %dma_wait3A_700 : memref<1x128x128xf32, #tpu.memory_space<vmem>> -> memref<128x128xf32, #tpu.memory_space<vmem>>
        %dma_wait3A_702 = arith.constant 0 : i32
        %dma_wait3A_703 = arith.constant 0 : i32
        %dma_wait3A_704 = tpu.memref_slice %arg7[%dma_wait3A_702, %dma_wait3A_703] : memref<10240x128xf32, #tpu.memory_space<vmem_shared>> -> memref<10240x128xf32, #tpu.memory_space<vmem_shared>>
        tpu.wait_indirect_dma semaphore(%run_scoped3A_690 : memref<!tpu.dma_semaphore, #tpu.memory_space<semaphore_mem>>) src(%dma_wait3A_701 : memref<128x128xf32, #tpu.memory_space<vmem>>) dst(%dma_wait3A_704 : memref<10240x128xf32, #tpu.memory_space<vmem_shared>>)
        tpu.yield
      }) : () -> ()
      %add3A_646 = arith.constant 4 : i32
      %add3A_647 = arith.addi %add3A_636, %add3A_646 : i32
      %add3A_648 = arith.addi %mul3A_0, %add3A_647 : i32
      %mul3A_649 = arith.constant 128 : i32
      %mul3A_650 = arith.muli %add3A_648, %mul3A_649 : i32
      %dma_start3A_651 = arith.constant 0 : i32
      %dma_start3A_652 = tpu.memref_slice %arg2[%arg0, %dma_start3A_651, %mul3A_650] : memref<2x2x321536xi32, #tpu.memory_space<hbm>> -> memref<1x1x128xi32, #tpu.memory_space<hbm>>
      %dma_start3A_653 = tpu.memref_squeeze %dma_start3A_652 : memref<1x1x128xi32, #tpu.memory_space<hbm>> -> memref<128xi32, #tpu.memory_space<hbm>>
      %dma_start3A_654 = tpu.memref_slice %arg2[%arg0, %dma_start3A_651, %mul3A_650] : memref<2x2x321536xi32, #tpu.memory_space<hbm>> -> memref<1x1x128xi32, #tpu.memory_space<hbm>>
      %dma_start3A_655 = tpu.memref_squeeze %dma_start3A_654 : memref<1x1x128xi32, #tpu.memory_space<hbm>> -> memref<128xi32, #tpu.memory_space<hbm>>
      tpu.enqueue_dma source(%dma_start3A_655 : memref<128xi32, #tpu.memory_space<hbm>>) target(%arg11 : memref<128xi32, #tpu.memory_space<vmem>>) target_semaphore(%arg22 : memref<!tpu.dma_semaphore, #tpu.memory_space<semaphore_mem>>)
      %add3A_656 = arith.addi %mul3A_0, %add3A_647 : i32
      %mul3A_657 = arith.constant 128 : i32
      %mul3A_658 = arith.muli %add3A_656, %mul3A_657 : i32
      %dma_start3A_659 = arith.constant 0 : i32
      %dma_start3A_660 = tpu.memref_slice %arg3[%arg0, %dma_start3A_659, %mul3A_658] : memref<2x2x321536xi32, #tpu.memory_space<hbm>> -> memref<1x1x128xi32, #tpu.memory_space<hbm>>
      %dma_start3A_661 = tpu.memref_squeeze %dma_start3A_660 : memref<1x1x128xi32, #tpu.memory_space<hbm>> -> memref<128xi32, #tpu.memory_space<hbm>>
      %dma_start3A_662 = tpu.memref_slice %arg3[%arg0, %dma_start3A_659, %mul3A_658] : memref<2x2x321536xi32, #tpu.memory_space<hbm>> -> memref<1x1x128xi32, #tpu.memory_space<hbm>>
      %dma_start3A_663 = tpu.memref_squeeze %dma_start3A_662 : memref<1x1x128xi32, #tpu.memory_space<hbm>> -> memref<128xi32, #tpu.memory_space<hbm>>
      tpu.enqueue_dma source(%dma_start3A_663 : memref<128xi32, #tpu.memory_space<hbm>>) target(%arg15 : memref<128xi32, #tpu.memory_space<vmem>>) target_semaphore(%arg22 : memref<!tpu.dma_semaphore, #tpu.memory_space<semaphore_mem>>)
      %add3A_664 = arith.constant 2 : i32
      %add3A_665 = arith.addi %add3A_636, %add3A_664 : i32
      %add3A_666 = arith.addi %mul3A_0, %add3A_665 : i32
      %mul3A_667 = arith.constant 128 : i32
      %mul3A_668 = arith.muli %add3A_666, %mul3A_667 : i32
      %dma_wait3A_669 = arith.constant 0 : i32
      %dma_wait3A_670 = tpu.memref_slice %arg2[%arg0, %dma_wait3A_669, %mul3A_668] : memref<2x2x321536xi32, #tpu.memory_space<hbm>> -> memref<1x1x128xi32, #tpu.memory_space<hbm>>
      %dma_wait3A_671 = tpu.memref_squeeze %dma_wait3A_670 : memref<1x1x128xi32, #tpu.memory_space<hbm>> -> memref<128xi32, #tpu.memory_space<hbm>>
      %dma_wait3A_672 = tpu.memref_slice %arg2[%arg0, %dma_wait3A_669, %mul3A_668] : memref<2x2x321536xi32, #tpu.memory_space<hbm>> -> memref<1x1x128xi32, #tpu.memory_space<hbm>>
      %dma_wait3A_673 = tpu.memref_squeeze %dma_wait3A_672 : memref<1x1x128xi32, #tpu.memory_space<hbm>> -> memref<128xi32, #tpu.memory_space<hbm>>
      tpu.wait_dma2 semaphore(%arg20 : memref<!tpu.dma_semaphore, #tpu.memory_space<semaphore_mem>>) src(%dma_wait3A_673 : memref<128xi32, #tpu.memory_space<hbm>>) dst(%arg9 : memref<128xi32, #tpu.memory_space<vmem>>)
      %add3A_674 = arith.addi %mul3A_0, %add3A_665 : i32
      %mul3A_675 = arith.constant 128 : i32
      %mul3A_676 = arith.muli %add3A_674, %mul3A_675 : i32
      %dma_wait3A_677 = arith.constant 0 : i32
      %dma_wait3A_678 = tpu.memref_slice %arg3[%arg0, %dma_wait3A_677, %mul3A_676] : memref<2x2x321536xi32, #tpu.memory_space<hbm>> -> memref<1x1x128xi32, #tpu.memory_space<hbm>>
      %dma_wait3A_679 = tpu.memref_squeeze %dma_wait3A_678 : memref<1x1x128xi32, #tpu.memory_space<hbm>> -> memref<128xi32, #tpu.memory_space<hbm>>
      %dma_wait3A_680 = tpu.memref_slice %arg3[%arg0, %dma_wait3A_677, %mul3A_676] : memref<2x2x321536xi32, #tpu.memory_space<hbm>> -> memref<1x1x128xi32, #tpu.memory_space<hbm>>
      %dma_wait3A_681 = tpu.memref_squeeze %dma_wait3A_680 : memref<1x1x128xi32, #tpu.memory_space<hbm>> -> memref<128xi32, #tpu.memory_space<hbm>>
      tpu.wait_dma2 semaphore(%arg20 : memref<!tpu.dma_semaphore, #tpu.memory_space<semaphore_mem>>) src(%dma_wait3A_681 : memref<128xi32, #tpu.memory_space<hbm>>) dst(%arg13 : memref<128xi32, #tpu.memory_space<vmem>>)
      %dma_start3A_682 = arith.constant 1 : i32
      %dma_start3A_683 = arith.constant 0 : i32
      %dma_start3A_684 = arith.constant 0 : i32
      %dma_start3A_685 = tpu.memref_slice %arg16[%dma_start3A_682, %dma_start3A_683, %dma_start3A_684] : memref<2x128x128xf32, #tpu.memory_space<vmem>> -> memref<1x128x128xf32, #tpu.memory_space<vmem>>
      %dma_start3A_686 = tpu.memref_squeeze %dma_start3A_685 : memref<1x128x128xf32, #tpu.memory_space<vmem>> -> memref<128x128xf32, #tpu.memory_space<vmem>>
      %dma_start3A_687 = arith.constant 0 : i32
      %dma_start3A_688 = arith.constant 0 : i32
      %dma_start3A_689 = tpu.memref_slice %arg4[%dma_start3A_687, %dma_start3A_688] : memref<40960x128xf32, #tpu.memory_space<hbm>> -> memref<40960x128xf32, #tpu.memory_space<hbm>>
      tpu.enqueue_indirect_dma source(%dma_start3A_689 : memref<40960x128xf32, #tpu.memory_space<hbm>>) target(%dma_start3A_686 : memref<128x128xf32, #tpu.memory_space<vmem>>) offsets(%arg9 : memref<128xi32, #tpu.memory_space<vmem>>) semaphore(%arg18 : memref<!tpu.dma_semaphore, #tpu.memory_space<semaphore_mem>>)
    }
    %scan3A_130 = arith.constant 38 : i32
    %dma_wait3A_131 = arith.constant 0 : i32
    %dma_wait3A_132 = arith.constant 0 : i32
    %dma_wait3A_133 = arith.constant 0 : i32
    %dma_wait3A_134 = tpu.memref_slice %arg16[%dma_wait3A_131, %dma_wait3A_132, %dma_wait3A_133] : memref<2x128x128xf32, #tpu.memory_space<vmem>> -> memref<1x128x128xf32, #tpu.memory_space<vmem>>
    %dma_wait3A_135 = tpu.memref_squeeze %dma_wait3A_134 : memref<1x128x128xf32, #tpu.memory_space<vmem>> -> memref<128x128xf32, #tpu.memory_space<vmem>>
    %dma_wait3A_136 = arith.constant 0 : i32
    %dma_wait3A_137 = arith.constant 0 : i32
    %dma_wait3A_138 = tpu.memref_slice %arg4[%dma_wait3A_136, %dma_wait3A_137] : memref<40960x128xf32, #tpu.memory_space<hbm>> -> memref<40960x128xf32, #tpu.memory_space<hbm>>
    tpu.wait_indirect_dma semaphore(%arg17 : memref<!tpu.dma_semaphore, #tpu.memory_space<semaphore_mem>>) src(%dma_wait3A_138 : memref<40960x128xf32, #tpu.memory_space<hbm>>) dst(%dma_wait3A_135 : memref<128x128xf32, #tpu.memory_space<vmem>>)
    %run_scoped3A = arith.constant 0 : i32
    "tpu.region"() ({
      %run_scoped3A_461 = tpu.sem_alloc : memref<!tpu.dma_semaphore, #tpu.memory_space<semaphore_mem>>
      %dma_start3A_462 = arith.constant 0 : i32
      %dma_start3A_463 = arith.constant 0 : i32
      %dma_start3A_464 = tpu.memref_slice %arg16[%run_scoped3A, %dma_start3A_462, %dma_start3A_463] : memref<2x128x128xf32, #tpu.memory_space<vmem>> -> memref<1x128x128xf32, #tpu.memory_space<vmem>>
      %dma_start3A_465 = tpu.memref_squeeze %dma_start3A_464 : memref<1x128x128xf32, #tpu.memory_space<vmem>> -> memref<128x128xf32, #tpu.memory_space<vmem>>
      %dma_start3A_466 = arith.constant 0 : i32
      %dma_start3A_467 = arith.constant 0 : i32
      %dma_start3A_468 = tpu.memref_slice %arg7[%dma_start3A_466, %dma_start3A_467] : memref<10240x128xf32, #tpu.memory_space<vmem_shared>> -> memref<10240x128xf32, #tpu.memory_space<vmem_shared>>
      tpu.enqueue_indirect_dma source(%dma_start3A_465 : memref<128x128xf32, #tpu.memory_space<vmem>>) target(%dma_start3A_468 : memref<10240x128xf32, #tpu.memory_space<vmem_shared>>) offsets(%arg12 : memref<128xi32, #tpu.memory_space<vmem>>) semaphore(%run_scoped3A_461 : memref<!tpu.dma_semaphore, #tpu.memory_space<semaphore_mem>>) {add = true}
      %dma_wait3A_469 = arith.constant 0 : i32
      %dma_wait3A_470 = arith.constant 0 : i32
      %dma_wait3A_471 = tpu.memref_slice %arg16[%run_scoped3A, %dma_wait3A_469, %dma_wait3A_470] : memref<2x128x128xf32, #tpu.memory_space<vmem>> -> memref<1x128x128xf32, #tpu.memory_space<vmem>>
      %dma_wait3A_472 = tpu.memref_squeeze %dma_wait3A_471 : memref<1x128x128xf32, #tpu.memory_space<vmem>> -> memref<128x128xf32, #tpu.memory_space<vmem>>
      %dma_wait3A_473 = arith.constant 0 : i32
      %dma_wait3A_474 = arith.constant 0 : i32
      %dma_wait3A_475 = tpu.memref_slice %arg7[%dma_wait3A_473, %dma_wait3A_474] : memref<10240x128xf32, #tpu.memory_space<vmem_shared>> -> memref<10240x128xf32, #tpu.memory_space<vmem_shared>>
      tpu.wait_indirect_dma semaphore(%run_scoped3A_461 : memref<!tpu.dma_semaphore, #tpu.memory_space<semaphore_mem>>) src(%dma_wait3A_472 : memref<128x128xf32, #tpu.memory_space<vmem>>) dst(%dma_wait3A_475 : memref<10240x128xf32, #tpu.memory_space<vmem_shared>>)
      tpu.yield
    }) : () -> ()
    %add3A_139 = arith.constant 155 : i32
    %add3A_140 = arith.addi %mul3A_0, %add3A_139 : i32
    %mul3A_141 = arith.constant 128 : i32
    %mul3A_142 = arith.muli %add3A_140, %mul3A_141 : i32
    %dma_wait3A_143 = arith.constant 0 : i32
    %dma_wait3A_144 = tpu.memref_slice %arg2[%arg0, %dma_wait3A_143, %mul3A_142] : memref<2x2x321536xi32, #tpu.memory_space<hbm>> -> memref<1x1x128xi32, #tpu.memory_space<hbm>>
    %dma_wait3A_145 = tpu.memref_squeeze %dma_wait3A_144 : memref<1x1x128xi32, #tpu.memory_space<hbm>> -> memref<128xi32, #tpu.memory_space<hbm>>
    %dma_wait3A_146 = tpu.memref_slice %arg2[%arg0, %dma_wait3A_143, %mul3A_142] : memref<2x2x321536xi32, #tpu.memory_space<hbm>> -> memref<1x1x128xi32, #tpu.memory_space<hbm>>
    %dma_wait3A_147 = tpu.memref_squeeze %dma_wait3A_146 : memref<1x1x128xi32, #tpu.memory_space<hbm>> -> memref<128xi32, #tpu.memory_space<hbm>>
    tpu.wait_dma2 semaphore(%arg21 : memref<!tpu.dma_semaphore, #tpu.memory_space<semaphore_mem>>) src(%dma_wait3A_147 : memref<128xi32, #tpu.memory_space<hbm>>) dst(%arg10 : memref<128xi32, #tpu.memory_space<vmem>>)
    %add3A_148 = arith.constant 155 : i32
    %add3A_149 = arith.addi %mul3A_0, %add3A_148 : i32
    %mul3A_150 = arith.constant 128 : i32
    %mul3A_151 = arith.muli %add3A_149, %mul3A_150 : i32
    %dma_wait3A_152 = arith.constant 0 : i32
    %dma_wait3A_153 = tpu.memref_slice %arg3[%arg0, %dma_wait3A_152, %mul3A_151] : memref<2x2x321536xi32, #tpu.memory_space<hbm>> -> memref<1x1x128xi32, #tpu.memory_space<hbm>>
    %dma_wait3A_154 = tpu.memref_squeeze %dma_wait3A_153 : memref<1x1x128xi32, #tpu.memory_space<hbm>> -> memref<128xi32, #tpu.memory_space<hbm>>
    %dma_wait3A_155 = tpu.memref_slice %arg3[%arg0, %dma_wait3A_152, %mul3A_151] : memref<2x2x321536xi32, #tpu.memory_space<hbm>> -> memref<1x1x128xi32, #tpu.memory_space<hbm>>
    %dma_wait3A_156 = tpu.memref_squeeze %dma_wait3A_155 : memref<1x1x128xi32, #tpu.memory_space<hbm>> -> memref<128xi32, #tpu.memory_space<hbm>>
    tpu.wait_dma2 semaphore(%arg21 : memref<!tpu.dma_semaphore, #tpu.memory_space<semaphore_mem>>) src(%dma_wait3A_156 : memref<128xi32, #tpu.memory_space<hbm>>) dst(%arg14 : memref<128xi32, #tpu.memory_space<vmem>>)
    %dma_start3A_157 = arith.constant 0 : i32
    %dma_start3A_158 = arith.constant 0 : i32
    %dma_start3A_159 = arith.constant 0 : i32
    %dma_start3A_160 = tpu.memref_slice %arg16[%dma_start3A_157, %dma_start3A_158, %dma_start3A_159] : memref<2x128x128xf32, #tpu.memory_space<vmem>> -> memref<1x128x128xf32, #tpu.memory_space<vmem>>
    %dma_start3A_161 = tpu.memref_squeeze %dma_start3A_160 : memref<1x128x128xf32, #tpu.memory_space<vmem>> -> memref<128x128xf32, #tpu.memory_space<vmem>>
    %dma_start3A_162 = arith.constant 0 : i32
    %dma_start3A_163 = arith.constant 0 : i32
    %dma_start3A_164 = tpu.memref_slice %arg4[%dma_start3A_162, %dma_start3A_163] : memref<40960x128xf32, #tpu.memory_space<hbm>> -> memref<40960x128xf32, #tpu.memory_space<hbm>>
    tpu.enqueue_indirect_dma source(%dma_start3A_164 : memref<40960x128xf32, #tpu.memory_space<hbm>>) target(%dma_start3A_161 : memref<128x128xf32, #tpu.memory_space<vmem>>) offsets(%arg10 : memref<128xi32, #tpu.memory_space<vmem>>) semaphore(%arg17 : memref<!tpu.dma_semaphore, #tpu.memory_space<semaphore_mem>>)
    %dma_wait3A_165 = arith.constant 1 : i32
    %dma_wait3A_166 = arith.constant 0 : i32
    %dma_wait3A_167 = arith.constant 0 : i32
    %dma_wait3A_168 = tpu.memref_slice %arg16[%dma_wait3A_165, %dma_wait3A_166, %dma_wait3A_167] : memref<2x128x128xf32, #tpu.memory_space<vmem>> -> memref<1x128x128xf32, #tpu.memory_space<vmem>>
    %dma_wait3A_169 = tpu.memref_squeeze %dma_wait3A_168 : memref<1x128x128xf32, #tpu.memory_space<vmem>> -> memref<128x128xf32, #tpu.memory_space<vmem>>
    %dma_wait3A_170 = arith.constant 0 : i32
    %dma_wait3A_171 = arith.constant 0 : i32
    %dma_wait3A_172 = tpu.memref_slice %arg4[%dma_wait3A_170, %dma_wait3A_171] : memref<40960x128xf32, #tpu.memory_space<hbm>> -> memref<40960x128xf32, #tpu.memory_space<hbm>>
    tpu.wait_indirect_dma semaphore(%arg18 : memref<!tpu.dma_semaphore, #tpu.memory_space<semaphore_mem>>) src(%dma_wait3A_172 : memref<40960x128xf32, #tpu.memory_space<hbm>>) dst(%dma_wait3A_169 : memref<128x128xf32, #tpu.memory_space<vmem>>)
    %run_scoped3A_173 = arith.constant 1 : i32
    "tpu.region"() ({
      %run_scoped3A_461 = tpu.sem_alloc : memref<!tpu.dma_semaphore, #tpu.memory_space<semaphore_mem>>
      %dma_start3A_462 = arith.constant 0 : i32
      %dma_start3A_463 = arith.constant 0 : i32
      %dma_start3A_464 = tpu.memref_slice %arg16[%run_scoped3A_173, %dma_start3A_462, %dma_start3A_463] : memref<2x128x128xf32, #tpu.memory_space<vmem>> -> memref<1x128x128xf32, #tpu.memory_space<vmem>>
      %dma_start3A_465 = tpu.memref_squeeze %dma_start3A_464 : memref<1x128x128xf32, #tpu.memory_space<vmem>> -> memref<128x128xf32, #tpu.memory_space<vmem>>
      %dma_start3A_466 = arith.constant 0 : i32
      %dma_start3A_467 = arith.constant 0 : i32
      %dma_start3A_468 = tpu.memref_slice %arg7[%dma_start3A_466, %dma_start3A_467] : memref<10240x128xf32, #tpu.memory_space<vmem_shared>> -> memref<10240x128xf32, #tpu.memory_space<vmem_shared>>
      tpu.enqueue_indirect_dma source(%dma_start3A_465 : memref<128x128xf32, #tpu.memory_space<vmem>>) target(%dma_start3A_468 : memref<10240x128xf32, #tpu.memory_space<vmem_shared>>) offsets(%arg13 : memref<128xi32, #tpu.memory_space<vmem>>) semaphore(%run_scoped3A_461 : memref<!tpu.dma_semaphore, #tpu.memory_space<semaphore_mem>>) {add = true}
      %dma_wait3A_469 = arith.constant 0 : i32
      %dma_wait3A_470 = arith.constant 0 : i32
      %dma_wait3A_471 = tpu.memref_slice %arg16[%run_scoped3A_173, %dma_wait3A_469, %dma_wait3A_470] : memref<2x128x128xf32, #tpu.memory_space<vmem>> -> memref<1x128x128xf32, #tpu.memory_space<vmem>>
      %dma_wait3A_472 = tpu.memref_squeeze %dma_wait3A_471 : memref<1x128x128xf32, #tpu.memory_space<vmem>> -> memref<128x128xf32, #tpu.memory_space<vmem>>
      %dma_wait3A_473 = arith.constant 0 : i32
      %dma_wait3A_474 = arith.constant 0 : i32
      %dma_wait3A_475 = tpu.memref_slice %arg7[%dma_wait3A_473, %dma_wait3A_474] : memref<10240x128xf32, #tpu.memory_space<vmem_shared>> -> memref<10240x128xf32, #tpu.memory_space<vmem_shared>>
      tpu.wait_indirect_dma semaphore(%run_scoped3A_461 : memref<!tpu.dma_semaphore, #tpu.memory_space<semaphore_mem>>) src(%dma_wait3A_472 : memref<128x128xf32, #tpu.memory_space<vmem>>) dst(%dma_wait3A_475 : memref<10240x128xf32, #tpu.memory_space<vmem_shared>>)
      tpu.yield
    }) : () -> ()
    %add3A_174 = arith.constant 156 : i32
    %add3A_175 = arith.addi %mul3A_0, %add3A_174 : i32
    %mul3A_176 = arith.constant 128 : i32
    %mul3A_177 = arith.muli %add3A_175, %mul3A_176 : i32
    %dma_wait3A_178 = arith.constant 0 : i32
    %dma_wait3A_179 = tpu.memref_slice %arg2[%arg0, %dma_wait3A_178, %mul3A_177] : memref<2x2x321536xi32, #tpu.memory_space<hbm>> -> memref<1x1x128xi32, #tpu.memory_space<hbm>>
    %dma_wait3A_180 = tpu.memref_squeeze %dma_wait3A_179 : memref<1x1x128xi32, #tpu.memory_space<hbm>> -> memref<128xi32, #tpu.memory_space<hbm>>
    %dma_wait3A_181 = tpu.memref_slice %arg2[%arg0, %dma_wait3A_178, %mul3A_177] : memref<2x2x321536xi32, #tpu.memory_space<hbm>> -> memref<1x1x128xi32, #tpu.memory_space<hbm>>
    %dma_wait3A_182 = tpu.memref_squeeze %dma_wait3A_181 : memref<1x1x128xi32, #tpu.memory_space<hbm>> -> memref<128xi32, #tpu.memory_space<hbm>>
    tpu.wait_dma2 semaphore(%arg22 : memref<!tpu.dma_semaphore, #tpu.memory_space<semaphore_mem>>) src(%dma_wait3A_182 : memref<128xi32, #tpu.memory_space<hbm>>) dst(%arg11 : memref<128xi32, #tpu.memory_space<vmem>>)
    %add3A_183 = arith.constant 156 : i32
    %add3A_184 = arith.addi %mul3A_0, %add3A_183 : i32
    %mul3A_185 = arith.constant 128 : i32
    %mul3A_186 = arith.muli %add3A_184, %mul3A_185 : i32
    %dma_wait3A_187 = arith.constant 0 : i32
    %dma_wait3A_188 = tpu.memref_slice %arg3[%arg0, %dma_wait3A_187, %mul3A_186] : memref<2x2x321536xi32, #tpu.memory_space<hbm>> -> memref<1x1x128xi32, #tpu.memory_space<hbm>>
    %dma_wait3A_189 = tpu.memref_squeeze %dma_wait3A_188 : memref<1x1x128xi32, #tpu.memory_space<hbm>> -> memref<128xi32, #tpu.memory_space<hbm>>
    %dma_wait3A_190 = tpu.memref_slice %arg3[%arg0, %dma_wait3A_187, %mul3A_186] : memref<2x2x321536xi32, #tpu.memory_space<hbm>> -> memref<1x1x128xi32, #tpu.memory_space<hbm>>
    %dma_wait3A_191 = tpu.memref_squeeze %dma_wait3A_190 : memref<1x1x128xi32, #tpu.memory_space<hbm>> -> memref<128xi32, #tpu.memory_space<hbm>>
    tpu.wait_dma2 semaphore(%arg22 : memref<!tpu.dma_semaphore, #tpu.memory_space<semaphore_mem>>) src(%dma_wait3A_191 : memref<128xi32, #tpu.memory_space<hbm>>) dst(%arg15 : memref<128xi32, #tpu.memory_space<vmem>>)
    %dma_start3A_192 = arith.constant 1 : i32
    %dma_start3A_193 = arith.constant 0 : i32
    %dma_start3A_194 = arith.constant 0 : i32
    %dma_start3A_195 = tpu.memref_slice %arg16[%dma_start3A_192, %dma_start3A_193, %dma_start3A_194] : memref<2x128x128xf32, #tpu.memory_space<vmem>> -> memref<1x128x128xf32, #tpu.memory_space<vmem>>
    %dma_start3A_196 = tpu.memref_squeeze %dma_start3A_195 : memref<1x128x128xf32, #tpu.memory_space<vmem>> -> memref<128x128xf32, #tpu.memory_space<vmem>>
    %dma_start3A_197 = arith.constant 0 : i32
    %dma_start3A_198 = arith.constant 0 : i32
    %dma_start3A_199 = tpu.memref_slice %arg4[%dma_start3A_197, %dma_start3A_198] : memref<40960x128xf32, #tpu.memory_space<hbm>> -> memref<40960x128xf32, #tpu.memory_space<hbm>>
    tpu.enqueue_indirect_dma source(%dma_start3A_199 : memref<40960x128xf32, #tpu.memory_space<hbm>>) target(%dma_start3A_196 : memref<128x128xf32, #tpu.memory_space<vmem>>) offsets(%arg11 : memref<128xi32, #tpu.memory_space<vmem>>) semaphore(%arg18 : memref<!tpu.dma_semaphore, #tpu.memory_space<semaphore_mem>>)
    %dma_wait3A_200 = arith.constant 0 : i32
    %dma_wait3A_201 = arith.constant 0 : i32
    %dma_wait3A_202 = arith.constant 0 : i32
    %dma_wait3A_203 = tpu.memref_slice %arg16[%dma_wait3A_200, %dma_wait3A_201, %dma_wait3A_202] : memref<2x128x128xf32, #tpu.memory_space<vmem>> -> memref<1x128x128xf32, #tpu.memory_space<vmem>>
    %dma_wait3A_204 = tpu.memref_squeeze %dma_wait3A_203 : memref<1x128x128xf32, #tpu.memory_space<vmem>> -> memref<128x128xf32, #tpu.memory_space<vmem>>
    %dma_wait3A_205 = arith.constant 0 : i32
    %dma_wait3A_206 = arith.constant 0 : i32
    %dma_wait3A_207 = tpu.memref_slice %arg4[%dma_wait3A_205, %dma_wait3A_206] : memref<40960x128xf32, #tpu.memory_space<hbm>> -> memref<40960x128xf32, #tpu.memory_space<hbm>>
    tpu.wait_indirect_dma semaphore(%arg17 : memref<!tpu.dma_semaphore, #tpu.memory_space<semaphore_mem>>) src(%dma_wait3A_207 : memref<40960x128xf32, #tpu.memory_space<hbm>>) dst(%dma_wait3A_204 : memref<128x128xf32, #tpu.memory_space<vmem>>)
    %run_scoped3A_208 = arith.constant 0 : i32
    "tpu.region"() ({
      %run_scoped3A_461 = tpu.sem_alloc : memref<!tpu.dma_semaphore, #tpu.memory_space<semaphore_mem>>
      %dma_start3A_462 = arith.constant 0 : i32
      %dma_start3A_463 = arith.constant 0 : i32
      %dma_start3A_464 = tpu.memref_slice %arg16[%run_scoped3A_208, %dma_start3A_462, %dma_start3A_463] : memref<2x128x128xf32, #tpu.memory_space<vmem>> -> memref<1x128x128xf32, #tpu.memory_space<vmem>>
      %dma_start3A_465 = tpu.memref_squeeze %dma_start3A_464 : memref<1x128x128xf32, #tpu.memory_space<vmem>> -> memref<128x128xf32, #tpu.memory_space<vmem>>
      %dma_start3A_466 = arith.constant 0 : i32
      %dma_start3A_467 = arith.constant 0 : i32
      %dma_start3A_468 = tpu.memref_slice %arg7[%dma_start3A_466, %dma_start3A_467] : memref<10240x128xf32, #tpu.memory_space<vmem_shared>> -> memref<10240x128xf32, #tpu.memory_space<vmem_shared>>
      tpu.enqueue_indirect_dma source(%dma_start3A_465 : memref<128x128xf32, #tpu.memory_space<vmem>>) target(%dma_start3A_468 : memref<10240x128xf32, #tpu.memory_space<vmem_shared>>) offsets(%arg14 : memref<128xi32, #tpu.memory_space<vmem>>) semaphore(%run_scoped3A_461 : memref<!tpu.dma_semaphore, #tpu.memory_space<semaphore_mem>>) {add = true}
      %dma_wait3A_469 = arith.constant 0 : i32
      %dma_wait3A_470 = arith.constant 0 : i32
      %dma_wait3A_471 = tpu.memref_slice %arg16[%run_scoped3A_208, %dma_wait3A_469, %dma_wait3A_470] : memref<2x128x128xf32, #tpu.memory_space<vmem>> -> memref<1x128x128xf32, #tpu.memory_space<vmem>>
      %dma_wait3A_472 = tpu.memref_squeeze %dma_wait3A_471 : memref<1x128x128xf32, #tpu.memory_space<vmem>> -> memref<128x128xf32, #tpu.memory_space<vmem>>
      %dma_wait3A_473 = arith.constant 0 : i32
      %dma_wait3A_474 = arith.constant 0 : i32
      %dma_wait3A_475 = tpu.memref_slice %arg7[%dma_wait3A_473, %dma_wait3A_474] : memref<10240x128xf32, #tpu.memory_space<vmem_shared>> -> memref<10240x128xf32, #tpu.memory_space<vmem_shared>>
      tpu.wait_indirect_dma semaphore(%run_scoped3A_461 : memref<!tpu.dma_semaphore, #tpu.memory_space<semaphore_mem>>) src(%dma_wait3A_472 : memref<128x128xf32, #tpu.memory_space<vmem>>) dst(%dma_wait3A_475 : memref<10240x128xf32, #tpu.memory_space<vmem_shared>>)
      tpu.yield
    }) : () -> ()
    %dma_wait3A_209 = arith.constant 1 : i32
    %dma_wait3A_210 = arith.constant 0 : i32
    %dma_wait3A_211 = arith.constant 0 : i32
    %dma_wait3A_212 = tpu.memref_slice %arg16[%dma_wait3A_209, %dma_wait3A_210, %dma_wait3A_211] : memref<2x128x128xf32, #tpu.memory_space<vmem>> -> memref<1x128x128xf32, #tpu.memory_space<vmem>>
    %dma_wait3A_213 = tpu.memref_squeeze %dma_wait3A_212 : memref<1x128x128xf32, #tpu.memory_space<vmem>> -> memref<128x128xf32, #tpu.memory_space<vmem>>
    %dma_wait3A_214 = arith.constant 0 : i32
    %dma_wait3A_215 = arith.constant 0 : i32
    %dma_wait3A_216 = tpu.memref_slice %arg4[%dma_wait3A_214, %dma_wait3A_215] : memref<40960x128xf32, #tpu.memory_space<hbm>> -> memref<40960x128xf32, #tpu.memory_space<hbm>>
    tpu.wait_indirect_dma semaphore(%arg18 : memref<!tpu.dma_semaphore, #tpu.memory_space<semaphore_mem>>) src(%dma_wait3A_216 : memref<40960x128xf32, #tpu.memory_space<hbm>>) dst(%dma_wait3A_213 : memref<128x128xf32, #tpu.memory_space<vmem>>)
    %run_scoped3A_217 = arith.constant 1 : i32
    "tpu.region"() ({
      %run_scoped3A_461 = tpu.sem_alloc : memref<!tpu.dma_semaphore, #tpu.memory_space<semaphore_mem>>
      %dma_start3A_462 = arith.constant 0 : i32
      %dma_start3A_463 = arith.constant 0 : i32
      %dma_start3A_464 = tpu.memref_slice %arg16[%run_scoped3A_217, %dma_start3A_462, %dma_start3A_463] : memref<2x128x128xf32, #tpu.memory_space<vmem>> -> memref<1x128x128xf32, #tpu.memory_space<vmem>>
      %dma_start3A_465 = tpu.memref_squeeze %dma_start3A_464 : memref<1x128x128xf32, #tpu.memory_space<vmem>> -> memref<128x128xf32, #tpu.memory_space<vmem>>
      %dma_start3A_466 = arith.constant 0 : i32
      %dma_start3A_467 = arith.constant 0 : i32
      %dma_start3A_468 = tpu.memref_slice %arg7[%dma_start3A_466, %dma_start3A_467] : memref<10240x128xf32, #tpu.memory_space<vmem_shared>> -> memref<10240x128xf32, #tpu.memory_space<vmem_shared>>
      tpu.enqueue_indirect_dma source(%dma_start3A_465 : memref<128x128xf32, #tpu.memory_space<vmem>>) target(%dma_start3A_468 : memref<10240x128xf32, #tpu.memory_space<vmem_shared>>) offsets(%arg15 : memref<128xi32, #tpu.memory_space<vmem>>) semaphore(%run_scoped3A_461 : memref<!tpu.dma_semaphore, #tpu.memory_space<semaphore_mem>>) {add = true}
      %dma_wait3A_469 = arith.constant 0 : i32
      %dma_wait3A_470 = arith.constant 0 : i32
      %dma_wait3A_471 = tpu.memref_slice %arg16[%run_scoped3A_217, %dma_wait3A_469, %dma_wait3A_470] : memref<2x128x128xf32, #tpu.memory_space<vmem>> -> memref<1x128x128xf32, #tpu.memory_space<vmem>>
      %dma_wait3A_472 = tpu.memref_squeeze %dma_wait3A_471 : memref<1x128x128xf32, #tpu.memory_space<vmem>> -> memref<128x128xf32, #tpu.memory_space<vmem>>
      %dma_wait3A_473 = arith.constant 0 : i32
      %dma_wait3A_474 = arith.constant 0 : i32
      %dma_wait3A_475 = tpu.memref_slice %arg7[%dma_wait3A_473, %dma_wait3A_474] : memref<10240x128xf32, #tpu.memory_space<vmem_shared>> -> memref<10240x128xf32, #tpu.memory_space<vmem_shared>>
      tpu.wait_indirect_dma semaphore(%run_scoped3A_461 : memref<!tpu.dma_semaphore, #tpu.memory_space<semaphore_mem>>) src(%dma_wait3A_472 : memref<128x128xf32, #tpu.memory_space<vmem>>) dst(%dma_wait3A_475 : memref<10240x128xf32, #tpu.memory_space<vmem_shared>>)
      tpu.yield
    }) : () -> ()
    %barrier3A_218 = arith.constant 0 : index
    tpu.barrier barrier_id(%barrier3A_218)
    %mul3A_219 = arith.constant 640 : i32
    %mul3A_220 = arith.muli %arg1, %mul3A_219 : i32
    %mul3A_221 = arith.constant 2 : i32
    %mul3A_222 = arith.muli %mul3A_221, %arg0 : i32
    %add3A_223 = arith.constant 0 : i32
    %add3A_224 = arith.addi %mul3A_222, %add3A_223 : i32
    %mul3A_225 = arith.constant 640 : i32
    %mul3A_226 = arith.muli %arg1, %mul3A_225 : i32
    "tpu.region"() ({
      %run_scoped3A_461 = tpu.sem_alloc : memref<!tpu.dma_semaphore, #tpu.memory_space<semaphore_mem>>
      %dma_start3A_462 = arith.constant 0 : i32
      %dma_start3A_463 = tpu.memref_slice %arg6[%add3A_224, %mul3A_226, %dma_start3A_462] : memref<4x10240x128xf32, #tpu.memory_space<hbm>> -> memref<1x640x128xf32, #tpu.memory_space<hbm>>
      %dma_start3A_464 = tpu.memref_squeeze %dma_start3A_463 : memref<1x640x128xf32, #tpu.memory_space<hbm>> -> memref<640x128xf32, #tpu.memory_space<hbm>>
      %dma_start3A_465 = arith.constant 0 : i32
      %dma_start3A_466 = tpu.memref_slice %arg7[%mul3A_220, %dma_start3A_465] : memref<10240x128xf32, #tpu.memory_space<vmem_shared>> -> memref<640x128xf32, #tpu.memory_space<vmem_shared>>
      tpu.enqueue_dma source(%dma_start3A_466 : memref<640x128xf32, #tpu.memory_space<vmem_shared>>) target(%dma_start3A_464 : memref<640x128xf32, #tpu.memory_space<hbm>>) target_semaphore(%run_scoped3A_461 : memref<!tpu.dma_semaphore, #tpu.memory_space<semaphore_mem>>)
      %dma_wait3A_467 = arith.constant 0 : i32
      %dma_wait3A_468 = tpu.memref_slice %arg6[%add3A_224, %mul3A_226, %dma_wait3A_467] : memref<4x10240x128xf32, #tpu.memory_space<hbm>> -> memref<1x640x128xf32, #tpu.memory_space<hbm>>
      %dma_wait3A_469 = tpu.memref_squeeze %dma_wait3A_468 : memref<1x640x128xf32, #tpu.memory_space<hbm>> -> memref<640x128xf32, #tpu.memory_space<hbm>>
      %dma_wait3A_470 = arith.constant 0 : i32
      %dma_wait3A_471 = tpu.memref_slice %arg7[%mul3A_220, %dma_wait3A_470] : memref<10240x128xf32, #tpu.memory_space<vmem_shared>> -> memref<640x128xf32, #tpu.memory_space<vmem_shared>>
      tpu.wait_dma2 semaphore(%run_scoped3A_461 : memref<!tpu.dma_semaphore, #tpu.memory_space<semaphore_mem>>) src(%dma_wait3A_471 : memref<640x128xf32, #tpu.memory_space<vmem_shared>>) dst(%dma_wait3A_469 : memref<640x128xf32, #tpu.memory_space<hbm>>)
      tpu.yield
    }) : () -> ()
    %barrier3A_227 = arith.constant 0 : index
    tpu.barrier barrier_id(%barrier3A_227)
    %mul3A_228 = arith.constant 640 : i32
    %mul3A_229 = arith.muli %arg1, %mul3A_228 : i32
    %mul3A_230 = arith.constant 640 : i32
    %mul3A_231 = arith.muli %arg1, %mul3A_230 : i32
    "tpu.region"() ({
      %run_scoped3A_461 = tpu.sem_alloc : memref<!tpu.dma_semaphore, #tpu.memory_space<semaphore_mem>>
      %dma_start3A_462 = arith.constant 0 : i32
      %dma_start3A_463 = tpu.memref_slice %arg7[%mul3A_231, %dma_start3A_462] : memref<10240x128xf32, #tpu.memory_space<vmem_shared>> -> memref<640x128xf32, #tpu.memory_space<vmem_shared>>
      %dma_start3A_464 = arith.constant 0 : i32
      %dma_start3A_465 = tpu.memref_slice %arg5[%mul3A_229, %dma_start3A_464] : memref<10240x128xf32, #tpu.memory_space<hbm>> -> memref<640x128xf32, #tpu.memory_space<hbm>>
      tpu.enqueue_dma source(%dma_start3A_465 : memref<640x128xf32, #tpu.memory_space<hbm>>) target(%dma_start3A_463 : memref<640x128xf32, #tpu.memory_space<vmem_shared>>) target_semaphore(%run_scoped3A_461 : memref<!tpu.dma_semaphore, #tpu.memory_space<semaphore_mem>>)
      %dma_wait3A_466 = arith.constant 0 : i32
      %dma_wait3A_467 = tpu.memref_slice %arg7[%mul3A_231, %dma_wait3A_466] : memref<10240x128xf32, #tpu.memory_space<vmem_shared>> -> memref<640x128xf32, #tpu.memory_space<vmem_shared>>
      %dma_wait3A_468 = arith.constant 0 : i32
      %dma_wait3A_469 = tpu.memref_slice %arg5[%mul3A_229, %dma_wait3A_468] : memref<10240x128xf32, #tpu.memory_space<hbm>> -> memref<640x128xf32, #tpu.memory_space<hbm>>
      tpu.wait_dma2 semaphore(%run_scoped3A_461 : memref<!tpu.dma_semaphore, #tpu.memory_space<semaphore_mem>>) src(%dma_wait3A_469 : memref<640x128xf32, #tpu.memory_space<hbm>>) dst(%dma_wait3A_467 : memref<640x128xf32, #tpu.memory_space<vmem_shared>>)
      tpu.yield
    }) : () -> ()
    %barrier3A_232 = arith.constant 0 : index
    tpu.barrier barrier_id(%barrier3A_232)
    %add3A_233 = arith.constant 0 : i32
    %add3A_234 = arith.addi %mul3A_0, %add3A_233 : i32
    %mul3A_235 = arith.constant 128 : i32
    %mul3A_236 = arith.muli %add3A_234, %mul3A_235 : i32
    %dma_start3A_237 = arith.constant 1 : i32
    %dma_start3A_238 = tpu.memref_slice %arg2[%arg0, %dma_start3A_237, %mul3A_236] : memref<2x2x321536xi32, #tpu.memory_space<hbm>> -> memref<1x1x128xi32, #tpu.memory_space<hbm>>
    %dma_start3A_239 = tpu.memref_squeeze %dma_start3A_238 : memref<1x1x128xi32, #tpu.memory_space<hbm>> -> memref<128xi32, #tpu.memory_space<hbm>>
    %dma_start3A_240 = tpu.memref_slice %arg2[%arg0, %dma_start3A_237, %mul3A_236] : memref<2x2x321536xi32, #tpu.memory_space<hbm>> -> memref<1x1x128xi32, #tpu.memory_space<hbm>>
    %dma_start3A_241 = tpu.memref_squeeze %dma_start3A_240 : memref<1x1x128xi32, #tpu.memory_space<hbm>> -> memref<128xi32, #tpu.memory_space<hbm>>
    tpu.enqueue_dma source(%dma_start3A_241 : memref<128xi32, #tpu.memory_space<hbm>>) target(%arg8 : memref<128xi32, #tpu.memory_space<vmem>>) target_semaphore(%arg19 : memref<!tpu.dma_semaphore, #tpu.memory_space<semaphore_mem>>)
    %add3A_242 = arith.constant 0 : i32
    %add3A_243 = arith.addi %mul3A_0, %add3A_242 : i32
    %mul3A_244 = arith.constant 128 : i32
    %mul3A_245 = arith.muli %add3A_243, %mul3A_244 : i32
    %dma_start3A_246 = arith.constant 1 : i32
    %dma_start3A_247 = tpu.memref_slice %arg3[%arg0, %dma_start3A_246, %mul3A_245] : memref<2x2x321536xi32, #tpu.memory_space<hbm>> -> memref<1x1x128xi32, #tpu.memory_space<hbm>>
    %dma_start3A_248 = tpu.memref_squeeze %dma_start3A_247 : memref<1x1x128xi32, #tpu.memory_space<hbm>> -> memref<128xi32, #tpu.memory_space<hbm>>
    %dma_start3A_249 = tpu.memref_slice %arg3[%arg0, %dma_start3A_246, %mul3A_245] : memref<2x2x321536xi32, #tpu.memory_space<hbm>> -> memref<1x1x128xi32, #tpu.memory_space<hbm>>
    %dma_start3A_250 = tpu.memref_squeeze %dma_start3A_249 : memref<1x1x128xi32, #tpu.memory_space<hbm>> -> memref<128xi32, #tpu.memory_space<hbm>>
    tpu.enqueue_dma source(%dma_start3A_250 : memref<128xi32, #tpu.memory_space<hbm>>) target(%arg12 : memref<128xi32, #tpu.memory_space<vmem>>) target_semaphore(%arg19 : memref<!tpu.dma_semaphore, #tpu.memory_space<semaphore_mem>>)
    %add3A_251 = arith.constant 1 : i32
    %add3A_252 = arith.addi %mul3A_0, %add3A_251 : i32
    %mul3A_253 = arith.constant 128 : i32
    %mul3A_254 = arith.muli %add3A_252, %mul3A_253 : i32
    %dma_start3A_255 = arith.constant 1 : i32
    %dma_start3A_256 = tpu.memref_slice %arg2[%arg0, %dma_start3A_255, %mul3A_254] : memref<2x2x321536xi32, #tpu.memory_space<hbm>> -> memref<1x1x128xi32, #tpu.memory_space<hbm>>
    %dma_start3A_257 = tpu.memref_squeeze %dma_start3A_256 : memref<1x1x128xi32, #tpu.memory_space<hbm>> -> memref<128xi32, #tpu.memory_space<hbm>>
    %dma_start3A_258 = tpu.memref_slice %arg2[%arg0, %dma_start3A_255, %mul3A_254] : memref<2x2x321536xi32, #tpu.memory_space<hbm>> -> memref<1x1x128xi32, #tpu.memory_space<hbm>>
    %dma_start3A_259 = tpu.memref_squeeze %dma_start3A_258 : memref<1x1x128xi32, #tpu.memory_space<hbm>> -> memref<128xi32, #tpu.memory_space<hbm>>
    tpu.enqueue_dma source(%dma_start3A_259 : memref<128xi32, #tpu.memory_space<hbm>>) target(%arg9 : memref<128xi32, #tpu.memory_space<vmem>>) target_semaphore(%arg20 : memref<!tpu.dma_semaphore, #tpu.memory_space<semaphore_mem>>)
    %add3A_260 = arith.constant 1 : i32
    %add3A_261 = arith.addi %mul3A_0, %add3A_260 : i32
    %mul3A_262 = arith.constant 128 : i32
    %mul3A_263 = arith.muli %add3A_261, %mul3A_262 : i32
    %dma_start3A_264 = arith.constant 1 : i32
    %dma_start3A_265 = tpu.memref_slice %arg3[%arg0, %dma_start3A_264, %mul3A_263] : memref<2x2x321536xi32, #tpu.memory_space<hbm>> -> memref<1x1x128xi32, #tpu.memory_space<hbm>>
    %dma_start3A_266 = tpu.memref_squeeze %dma_start3A_265 : memref<1x1x128xi32, #tpu.memory_space<hbm>> -> memref<128xi32, #tpu.memory_space<hbm>>
    %dma_start3A_267 = tpu.memref_slice %arg3[%arg0, %dma_start3A_264, %mul3A_263] : memref<2x2x321536xi32, #tpu.memory_space<hbm>> -> memref<1x1x128xi32, #tpu.memory_space<hbm>>
    %dma_start3A_268 = tpu.memref_squeeze %dma_start3A_267 : memref<1x1x128xi32, #tpu.memory_space<hbm>> -> memref<128xi32, #tpu.memory_space<hbm>>
    tpu.enqueue_dma source(%dma_start3A_268 : memref<128xi32, #tpu.memory_space<hbm>>) target(%arg13 : memref<128xi32, #tpu.memory_space<vmem>>) target_semaphore(%arg20 : memref<!tpu.dma_semaphore, #tpu.memory_space<semaphore_mem>>)
    %add3A_269 = arith.constant 2 : i32
    %add3A_270 = arith.addi %mul3A_0, %add3A_269 : i32
    %mul3A_271 = arith.constant 128 : i32
    %mul3A_272 = arith.muli %add3A_270, %mul3A_271 : i32
    %dma_start3A_273 = arith.constant 1 : i32
    %dma_start3A_274 = tpu.memref_slice %arg2[%arg0, %dma_start3A_273, %mul3A_272] : memref<2x2x321536xi32, #tpu.memory_space<hbm>> -> memref<1x1x128xi32, #tpu.memory_space<hbm>>
    %dma_start3A_275 = tpu.memref_squeeze %dma_start3A_274 : memref<1x1x128xi32, #tpu.memory_space<hbm>> -> memref<128xi32, #tpu.memory_space<hbm>>
    %dma_start3A_276 = tpu.memref_slice %arg2[%arg0, %dma_start3A_273, %mul3A_272] : memref<2x2x321536xi32, #tpu.memory_space<hbm>> -> memref<1x1x128xi32, #tpu.memory_space<hbm>>
    %dma_start3A_277 = tpu.memref_squeeze %dma_start3A_276 : memref<1x1x128xi32, #tpu.memory_space<hbm>> -> memref<128xi32, #tpu.memory_space<hbm>>
    tpu.enqueue_dma source(%dma_start3A_277 : memref<128xi32, #tpu.memory_space<hbm>>) target(%arg10 : memref<128xi32, #tpu.memory_space<vmem>>) target_semaphore(%arg21 : memref<!tpu.dma_semaphore, #tpu.memory_space<semaphore_mem>>)
    %add3A_278 = arith.constant 2 : i32
    %add3A_279 = arith.addi %mul3A_0, %add3A_278 : i32
    %mul3A_280 = arith.constant 128 : i32
    %mul3A_281 = arith.muli %add3A_279, %mul3A_280 : i32
    %dma_start3A_282 = arith.constant 1 : i32
    %dma_start3A_283 = tpu.memref_slice %arg3[%arg0, %dma_start3A_282, %mul3A_281] : memref<2x2x321536xi32, #tpu.memory_space<hbm>> -> memref<1x1x128xi32, #tpu.memory_space<hbm>>
    %dma_start3A_284 = tpu.memref_squeeze %dma_start3A_283 : memref<1x1x128xi32, #tpu.memory_space<hbm>> -> memref<128xi32, #tpu.memory_space<hbm>>
    %dma_start3A_285 = tpu.memref_slice %arg3[%arg0, %dma_start3A_282, %mul3A_281] : memref<2x2x321536xi32, #tpu.memory_space<hbm>> -> memref<1x1x128xi32, #tpu.memory_space<hbm>>
    %dma_start3A_286 = tpu.memref_squeeze %dma_start3A_285 : memref<1x1x128xi32, #tpu.memory_space<hbm>> -> memref<128xi32, #tpu.memory_space<hbm>>
    tpu.enqueue_dma source(%dma_start3A_286 : memref<128xi32, #tpu.memory_space<hbm>>) target(%arg14 : memref<128xi32, #tpu.memory_space<vmem>>) target_semaphore(%arg21 : memref<!tpu.dma_semaphore, #tpu.memory_space<semaphore_mem>>)
    %add3A_287 = arith.constant 3 : i32
    %add3A_288 = arith.addi %mul3A_0, %add3A_287 : i32
    %mul3A_289 = arith.constant 128 : i32
    %mul3A_290 = arith.muli %add3A_288, %mul3A_289 : i32
    %dma_start3A_291 = arith.constant 1 : i32
    %dma_start3A_292 = tpu.memref_slice %arg2[%arg0, %dma_start3A_291, %mul3A_290] : memref<2x2x321536xi32, #tpu.memory_space<hbm>> -> memref<1x1x128xi32, #tpu.memory_space<hbm>>
    %dma_start3A_293 = tpu.memref_squeeze %dma_start3A_292 : memref<1x1x128xi32, #tpu.memory_space<hbm>> -> memref<128xi32, #tpu.memory_space<hbm>>
    %dma_start3A_294 = tpu.memref_slice %arg2[%arg0, %dma_start3A_291, %mul3A_290] : memref<2x2x321536xi32, #tpu.memory_space<hbm>> -> memref<1x1x128xi32, #tpu.memory_space<hbm>>
    %dma_start3A_295 = tpu.memref_squeeze %dma_start3A_294 : memref<1x1x128xi32, #tpu.memory_space<hbm>> -> memref<128xi32, #tpu.memory_space<hbm>>
    tpu.enqueue_dma source(%dma_start3A_295 : memref<128xi32, #tpu.memory_space<hbm>>) target(%arg11 : memref<128xi32, #tpu.memory_space<vmem>>) target_semaphore(%arg22 : memref<!tpu.dma_semaphore, #tpu.memory_space<semaphore_mem>>)
    %add3A_296 = arith.constant 3 : i32
    %add3A_297 = arith.addi %mul3A_0, %add3A_296 : i32
    %mul3A_298 = arith.constant 128 : i32
    %mul3A_299 = arith.muli %add3A_297, %mul3A_298 : i32
    %dma_start3A_300 = arith.constant 1 : i32
    %dma_start3A_301 = tpu.memref_slice %arg3[%arg0, %dma_start3A_300, %mul3A_299] : memref<2x2x321536xi32, #tpu.memory_space<hbm>> -> memref<1x1x128xi32, #tpu.memory_space<hbm>>
    %dma_start3A_302 = tpu.memref_squeeze %dma_start3A_301 : memref<1x1x128xi32, #tpu.memory_space<hbm>> -> memref<128xi32, #tpu.memory_space<hbm>>
    %dma_start3A_303 = tpu.memref_slice %arg3[%arg0, %dma_start3A_300, %mul3A_299] : memref<2x2x321536xi32, #tpu.memory_space<hbm>> -> memref<1x1x128xi32, #tpu.memory_space<hbm>>
    %dma_start3A_304 = tpu.memref_squeeze %dma_start3A_303 : memref<1x1x128xi32, #tpu.memory_space<hbm>> -> memref<128xi32, #tpu.memory_space<hbm>>
    tpu.enqueue_dma source(%dma_start3A_304 : memref<128xi32, #tpu.memory_space<hbm>>) target(%arg15 : memref<128xi32, #tpu.memory_space<vmem>>) target_semaphore(%arg22 : memref<!tpu.dma_semaphore, #tpu.memory_space<semaphore_mem>>)
    %add3A_305 = arith.constant 0 : i32
    %add3A_306 = arith.addi %mul3A_0, %add3A_305 : i32
    %mul3A_307 = arith.constant 128 : i32
    %mul3A_308 = arith.muli %add3A_306, %mul3A_307 : i32
    %dma_wait3A_309 = arith.constant 1 : i32
    %dma_wait3A_310 = tpu.memref_slice %arg2[%arg0, %dma_wait3A_309, %mul3A_308] : memref<2x2x321536xi32, #tpu.memory_space<hbm>> -> memref<1x1x128xi32, #tpu.memory_space<hbm>>
    %dma_wait3A_311 = tpu.memref_squeeze %dma_wait3A_310 : memref<1x1x128xi32, #tpu.memory_space<hbm>> -> memref<128xi32, #tpu.memory_space<hbm>>
    %dma_wait3A_312 = tpu.memref_slice %arg2[%arg0, %dma_wait3A_309, %mul3A_308] : memref<2x2x321536xi32, #tpu.memory_space<hbm>> -> memref<1x1x128xi32, #tpu.memory_space<hbm>>
    %dma_wait3A_313 = tpu.memref_squeeze %dma_wait3A_312 : memref<1x1x128xi32, #tpu.memory_space<hbm>> -> memref<128xi32, #tpu.memory_space<hbm>>
    tpu.wait_dma2 semaphore(%arg19 : memref<!tpu.dma_semaphore, #tpu.memory_space<semaphore_mem>>) src(%dma_wait3A_313 : memref<128xi32, #tpu.memory_space<hbm>>) dst(%arg8 : memref<128xi32, #tpu.memory_space<vmem>>)
    %add3A_314 = arith.constant 0 : i32
    %add3A_315 = arith.addi %mul3A_0, %add3A_314 : i32
    %mul3A_316 = arith.constant 128 : i32
    %mul3A_317 = arith.muli %add3A_315, %mul3A_316 : i32
    %dma_wait3A_318 = arith.constant 1 : i32
    %dma_wait3A_319 = tpu.memref_slice %arg3[%arg0, %dma_wait3A_318, %mul3A_317] : memref<2x2x321536xi32, #tpu.memory_space<hbm>> -> memref<1x1x128xi32, #tpu.memory_space<hbm>>
    %dma_wait3A_320 = tpu.memref_squeeze %dma_wait3A_319 : memref<1x1x128xi32, #tpu.memory_space<hbm>> -> memref<128xi32, #tpu.memory_space<hbm>>
    %dma_wait3A_321 = tpu.memref_slice %arg3[%arg0, %dma_wait3A_318, %mul3A_317] : memref<2x2x321536xi32, #tpu.memory_space<hbm>> -> memref<1x1x128xi32, #tpu.memory_space<hbm>>
    %dma_wait3A_322 = tpu.memref_squeeze %dma_wait3A_321 : memref<1x1x128xi32, #tpu.memory_space<hbm>> -> memref<128xi32, #tpu.memory_space<hbm>>
    tpu.wait_dma2 semaphore(%arg19 : memref<!tpu.dma_semaphore, #tpu.memory_space<semaphore_mem>>) src(%dma_wait3A_322 : memref<128xi32, #tpu.memory_space<hbm>>) dst(%arg12 : memref<128xi32, #tpu.memory_space<vmem>>)
    %dma_start3A_323 = arith.constant 0 : i32
    %dma_start3A_324 = arith.constant 0 : i32
    %dma_start3A_325 = arith.constant 0 : i32
    %dma_start3A_326 = tpu.memref_slice %arg16[%dma_start3A_323, %dma_start3A_324, %dma_start3A_325] : memref<2x128x128xf32, #tpu.memory_space<vmem>> -> memref<1x128x128xf32, #tpu.memory_space<vmem>>
    %dma_start3A_327 = tpu.memref_squeeze %dma_start3A_326 : memref<1x128x128xf32, #tpu.memory_space<vmem>> -> memref<128x128xf32, #tpu.memory_space<vmem>>
    %dma_start3A_328 = arith.constant 0 : i32
    %dma_start3A_329 = arith.constant 0 : i32
    %dma_start3A_330 = tpu.memref_slice %arg4[%dma_start3A_328, %dma_start3A_329] : memref<40960x128xf32, #tpu.memory_space<hbm>> -> memref<40960x128xf32, #tpu.memory_space<hbm>>
    tpu.enqueue_indirect_dma source(%dma_start3A_330 : memref<40960x128xf32, #tpu.memory_space<hbm>>) target(%dma_start3A_327 : memref<128x128xf32, #tpu.memory_space<vmem>>) offsets(%arg8 : memref<128xi32, #tpu.memory_space<vmem>>) semaphore(%arg17 : memref<!tpu.dma_semaphore, #tpu.memory_space<semaphore_mem>>)
    %add3A_331 = arith.constant 1 : i32
    %add3A_332 = arith.addi %mul3A_0, %add3A_331 : i32
    %mul3A_333 = arith.constant 128 : i32
    %mul3A_334 = arith.muli %add3A_332, %mul3A_333 : i32
    %dma_wait3A_335 = arith.constant 1 : i32
    %dma_wait3A_336 = tpu.memref_slice %arg2[%arg0, %dma_wait3A_335, %mul3A_334] : memref<2x2x321536xi32, #tpu.memory_space<hbm>> -> memref<1x1x128xi32, #tpu.memory_space<hbm>>
    %dma_wait3A_337 = tpu.memref_squeeze %dma_wait3A_336 : memref<1x1x128xi32, #tpu.memory_space<hbm>> -> memref<128xi32, #tpu.memory_space<hbm>>
    %dma_wait3A_338 = tpu.memref_slice %arg2[%arg0, %dma_wait3A_335, %mul3A_334] : memref<2x2x321536xi32, #tpu.memory_space<hbm>> -> memref<1x1x128xi32, #tpu.memory_space<hbm>>
    %dma_wait3A_339 = tpu.memref_squeeze %dma_wait3A_338 : memref<1x1x128xi32, #tpu.memory_space<hbm>> -> memref<128xi32, #tpu.memory_space<hbm>>
    tpu.wait_dma2 semaphore(%arg20 : memref<!tpu.dma_semaphore, #tpu.memory_space<semaphore_mem>>) src(%dma_wait3A_339 : memref<128xi32, #tpu.memory_space<hbm>>) dst(%arg9 : memref<128xi32, #tpu.memory_space<vmem>>)
    %add3A_340 = arith.constant 1 : i32
    %add3A_341 = arith.addi %mul3A_0, %add3A_340 : i32
    %mul3A_342 = arith.constant 128 : i32
    %mul3A_343 = arith.muli %add3A_341, %mul3A_342 : i32
    %dma_wait3A_344 = arith.constant 1 : i32
    %dma_wait3A_345 = tpu.memref_slice %arg3[%arg0, %dma_wait3A_344, %mul3A_343] : memref<2x2x321536xi32, #tpu.memory_space<hbm>> -> memref<1x1x128xi32, #tpu.memory_space<hbm>>
    %dma_wait3A_346 = tpu.memref_squeeze %dma_wait3A_345 : memref<1x1x128xi32, #tpu.memory_space<hbm>> -> memref<128xi32, #tpu.memory_space<hbm>>
    %dma_wait3A_347 = tpu.memref_slice %arg3[%arg0, %dma_wait3A_344, %mul3A_343] : memref<2x2x321536xi32, #tpu.memory_space<hbm>> -> memref<1x1x128xi32, #tpu.memory_space<hbm>>
    %dma_wait3A_348 = tpu.memref_squeeze %dma_wait3A_347 : memref<1x1x128xi32, #tpu.memory_space<hbm>> -> memref<128xi32, #tpu.memory_space<hbm>>
    tpu.wait_dma2 semaphore(%arg20 : memref<!tpu.dma_semaphore, #tpu.memory_space<semaphore_mem>>) src(%dma_wait3A_348 : memref<128xi32, #tpu.memory_space<hbm>>) dst(%arg13 : memref<128xi32, #tpu.memory_space<vmem>>)
    %dma_start3A_349 = arith.constant 1 : i32
    %dma_start3A_350 = arith.constant 0 : i32
    %dma_start3A_351 = arith.constant 0 : i32
    %dma_start3A_352 = tpu.memref_slice %arg16[%dma_start3A_349, %dma_start3A_350, %dma_start3A_351] : memref<2x128x128xf32, #tpu.memory_space<vmem>> -> memref<1x128x128xf32, #tpu.memory_space<vmem>>
    %dma_start3A_353 = tpu.memref_squeeze %dma_start3A_352 : memref<1x128x128xf32, #tpu.memory_space<vmem>> -> memref<128x128xf32, #tpu.memory_space<vmem>>
    %dma_start3A_354 = arith.constant 0 : i32
    %dma_start3A_355 = arith.constant 0 : i32
    %dma_start3A_356 = tpu.memref_slice %arg4[%dma_start3A_354, %dma_start3A_355] : memref<40960x128xf32, #tpu.memory_space<hbm>> -> memref<40960x128xf32, #tpu.memory_space<hbm>>
    tpu.enqueue_indirect_dma source(%dma_start3A_356 : memref<40960x128xf32, #tpu.memory_space<hbm>>) target(%dma_start3A_353 : memref<128x128xf32, #tpu.memory_space<vmem>>) offsets(%arg9 : memref<128xi32, #tpu.memory_space<vmem>>) semaphore(%arg18 : memref<!tpu.dma_semaphore, #tpu.memory_space<semaphore_mem>>)
    %scan3A_357 = arith.constant 0 : i32
    %scan3A_358 = arith.constant 0 : i32
    %scan3A_359 = arith.constant 38 : i32
    %scan3A_360 = arith.addi %scan3A_358, %scan3A_359 : i32
    %scan3A_361 = arith.constant 1 : i32
    scf.for %scan3A_461 = %scan3A_358 to %scan3A_360 step %scan3A_361  : i32 {
      %mul3A_462 = arith.constant 4 : i32
      %mul3A_463 = arith.muli %mul3A_462, %scan3A_461 : i32
      %add3A_464 = arith.constant 0 : i32
      %add3A_465 = arith.addi %mul3A_463, %add3A_464 : i32
      %dma_wait3A_466 = arith.constant 0 : i32
      %dma_wait3A_467 = arith.constant 0 : i32
      %dma_wait3A_468 = arith.constant 0 : i32
      %dma_wait3A_469 = tpu.memref_slice %arg16[%dma_wait3A_466, %dma_wait3A_467, %dma_wait3A_468] : memref<2x128x128xf32, #tpu.memory_space<vmem>> -> memref<1x128x128xf32, #tpu.memory_space<vmem>>
      %dma_wait3A_470 = tpu.memref_squeeze %dma_wait3A_469 : memref<1x128x128xf32, #tpu.memory_space<vmem>> -> memref<128x128xf32, #tpu.memory_space<vmem>>
      %dma_wait3A_471 = arith.constant 0 : i32
      %dma_wait3A_472 = arith.constant 0 : i32
      %dma_wait3A_473 = tpu.memref_slice %arg4[%dma_wait3A_471, %dma_wait3A_472] : memref<40960x128xf32, #tpu.memory_space<hbm>> -> memref<40960x128xf32, #tpu.memory_space<hbm>>
      tpu.wait_indirect_dma semaphore(%arg17 : memref<!tpu.dma_semaphore, #tpu.memory_space<semaphore_mem>>) src(%dma_wait3A_473 : memref<40960x128xf32, #tpu.memory_space<hbm>>) dst(%dma_wait3A_470 : memref<128x128xf32, #tpu.memory_space<vmem>>)
      %run_scoped3A_474 = arith.constant 0 : i32
      "tpu.region"() ({
        %run_scoped3A_690 = tpu.sem_alloc : memref<!tpu.dma_semaphore, #tpu.memory_space<semaphore_mem>>
        %dma_start3A_691 = arith.constant 0 : i32
        %dma_start3A_692 = arith.constant 0 : i32
        %dma_start3A_693 = tpu.memref_slice %arg16[%run_scoped3A_474, %dma_start3A_691, %dma_start3A_692] : memref<2x128x128xf32, #tpu.memory_space<vmem>> -> memref<1x128x128xf32, #tpu.memory_space<vmem>>
        %dma_start3A_694 = tpu.memref_squeeze %dma_start3A_693 : memref<1x128x128xf32, #tpu.memory_space<vmem>> -> memref<128x128xf32, #tpu.memory_space<vmem>>
        %dma_start3A_695 = arith.constant 0 : i32
        %dma_start3A_696 = arith.constant 0 : i32
        %dma_start3A_697 = tpu.memref_slice %arg7[%dma_start3A_695, %dma_start3A_696] : memref<10240x128xf32, #tpu.memory_space<vmem_shared>> -> memref<10240x128xf32, #tpu.memory_space<vmem_shared>>
        tpu.enqueue_indirect_dma source(%dma_start3A_694 : memref<128x128xf32, #tpu.memory_space<vmem>>) target(%dma_start3A_697 : memref<10240x128xf32, #tpu.memory_space<vmem_shared>>) offsets(%arg12 : memref<128xi32, #tpu.memory_space<vmem>>) semaphore(%run_scoped3A_690 : memref<!tpu.dma_semaphore, #tpu.memory_space<semaphore_mem>>) {add = true}
        %dma_wait3A_698 = arith.constant 0 : i32
        %dma_wait3A_699 = arith.constant 0 : i32
        %dma_wait3A_700 = tpu.memref_slice %arg16[%run_scoped3A_474, %dma_wait3A_698, %dma_wait3A_699] : memref<2x128x128xf32, #tpu.memory_space<vmem>> -> memref<1x128x128xf32, #tpu.memory_space<vmem>>
        %dma_wait3A_701 = tpu.memref_squeeze %dma_wait3A_700 : memref<1x128x128xf32, #tpu.memory_space<vmem>> -> memref<128x128xf32, #tpu.memory_space<vmem>>
        %dma_wait3A_702 = arith.constant 0 : i32
        %dma_wait3A_703 = arith.constant 0 : i32
        %dma_wait3A_704 = tpu.memref_slice %arg7[%dma_wait3A_702, %dma_wait3A_703] : memref<10240x128xf32, #tpu.memory_space<vmem_shared>> -> memref<10240x128xf32, #tpu.memory_space<vmem_shared>>
        tpu.wait_indirect_dma semaphore(%run_scoped3A_690 : memref<!tpu.dma_semaphore, #tpu.memory_space<semaphore_mem>>) src(%dma_wait3A_701 : memref<128x128xf32, #tpu.memory_space<vmem>>) dst(%dma_wait3A_704 : memref<10240x128xf32, #tpu.memory_space<vmem_shared>>)
        tpu.yield
      }) : () -> ()
      %add3A_475 = arith.constant 4 : i32
      %add3A_476 = arith.addi %add3A_465, %add3A_475 : i32
      %add3A_477 = arith.addi %mul3A_0, %add3A_476 : i32
      %mul3A_478 = arith.constant 128 : i32
      %mul3A_479 = arith.muli %add3A_477, %mul3A_478 : i32
      %dma_start3A_480 = arith.constant 1 : i32
      %dma_start3A_481 = tpu.memref_slice %arg2[%arg0, %dma_start3A_480, %mul3A_479] : memref<2x2x321536xi32, #tpu.memory_space<hbm>> -> memref<1x1x128xi32, #tpu.memory_space<hbm>>
      %dma_start3A_482 = tpu.memref_squeeze %dma_start3A_481 : memref<1x1x128xi32, #tpu.memory_space<hbm>> -> memref<128xi32, #tpu.memory_space<hbm>>
      %dma_start3A_483 = tpu.memref_slice %arg2[%arg0, %dma_start3A_480, %mul3A_479] : memref<2x2x321536xi32, #tpu.memory_space<hbm>> -> memref<1x1x128xi32, #tpu.memory_space<hbm>>
      %dma_start3A_484 = tpu.memref_squeeze %dma_start3A_483 : memref<1x1x128xi32, #tpu.memory_space<hbm>> -> memref<128xi32, #tpu.memory_space<hbm>>
      tpu.enqueue_dma source(%dma_start3A_484 : memref<128xi32, #tpu.memory_space<hbm>>) target(%arg8 : memref<128xi32, #tpu.memory_space<vmem>>) target_semaphore(%arg19 : memref<!tpu.dma_semaphore, #tpu.memory_space<semaphore_mem>>)
      %add3A_485 = arith.addi %mul3A_0, %add3A_476 : i32
      %mul3A_486 = arith.constant 128 : i32
      %mul3A_487 = arith.muli %add3A_485, %mul3A_486 : i32
      %dma_start3A_488 = arith.constant 1 : i32
      %dma_start3A_489 = tpu.memref_slice %arg3[%arg0, %dma_start3A_488, %mul3A_487] : memref<2x2x321536xi32, #tpu.memory_space<hbm>> -> memref<1x1x128xi32, #tpu.memory_space<hbm>>
      %dma_start3A_490 = tpu.memref_squeeze %dma_start3A_489 : memref<1x1x128xi32, #tpu.memory_space<hbm>> -> memref<128xi32, #tpu.memory_space<hbm>>
      %dma_start3A_491 = tpu.memref_slice %arg3[%arg0, %dma_start3A_488, %mul3A_487] : memref<2x2x321536xi32, #tpu.memory_space<hbm>> -> memref<1x1x128xi32, #tpu.memory_space<hbm>>
      %dma_start3A_492 = tpu.memref_squeeze %dma_start3A_491 : memref<1x1x128xi32, #tpu.memory_space<hbm>> -> memref<128xi32, #tpu.memory_space<hbm>>
      tpu.enqueue_dma source(%dma_start3A_492 : memref<128xi32, #tpu.memory_space<hbm>>) target(%arg12 : memref<128xi32, #tpu.memory_space<vmem>>) target_semaphore(%arg19 : memref<!tpu.dma_semaphore, #tpu.memory_space<semaphore_mem>>)
      %add3A_493 = arith.constant 2 : i32
      %add3A_494 = arith.addi %add3A_465, %add3A_493 : i32
      %add3A_495 = arith.addi %mul3A_0, %add3A_494 : i32
      %mul3A_496 = arith.constant 128 : i32
      %mul3A_497 = arith.muli %add3A_495, %mul3A_496 : i32
      %dma_wait3A_498 = arith.constant 1 : i32
      %dma_wait3A_499 = tpu.memref_slice %arg2[%arg0, %dma_wait3A_498, %mul3A_497] : memref<2x2x321536xi32, #tpu.memory_space<hbm>> -> memref<1x1x128xi32, #tpu.memory_space<hbm>>
      %dma_wait3A_500 = tpu.memref_squeeze %dma_wait3A_499 : memref<1x1x128xi32, #tpu.memory_space<hbm>> -> memref<128xi32, #tpu.memory_space<hbm>>
      %dma_wait3A_501 = tpu.memref_slice %arg2[%arg0, %dma_wait3A_498, %mul3A_497] : memref<2x2x321536xi32, #tpu.memory_space<hbm>> -> memref<1x1x128xi32, #tpu.memory_space<hbm>>
      %dma_wait3A_502 = tpu.memref_squeeze %dma_wait3A_501 : memref<1x1x128xi32, #tpu.memory_space<hbm>> -> memref<128xi32, #tpu.memory_space<hbm>>
      tpu.wait_dma2 semaphore(%arg21 : memref<!tpu.dma_semaphore, #tpu.memory_space<semaphore_mem>>) src(%dma_wait3A_502 : memref<128xi32, #tpu.memory_space<hbm>>) dst(%arg10 : memref<128xi32, #tpu.memory_space<vmem>>)
      %add3A_503 = arith.addi %mul3A_0, %add3A_494 : i32
      %mul3A_504 = arith.constant 128 : i32
      %mul3A_505 = arith.muli %add3A_503, %mul3A_504 : i32
      %dma_wait3A_506 = arith.constant 1 : i32
      %dma_wait3A_507 = tpu.memref_slice %arg3[%arg0, %dma_wait3A_506, %mul3A_505] : memref<2x2x321536xi32, #tpu.memory_space<hbm>> -> memref<1x1x128xi32, #tpu.memory_space<hbm>>
      %dma_wait3A_508 = tpu.memref_squeeze %dma_wait3A_507 : memref<1x1x128xi32, #tpu.memory_space<hbm>> -> memref<128xi32, #tpu.memory_space<hbm>>
      %dma_wait3A_509 = tpu.memref_slice %arg3[%arg0, %dma_wait3A_506, %mul3A_505] : memref<2x2x321536xi32, #tpu.memory_space<hbm>> -> memref<1x1x128xi32, #tpu.memory_space<hbm>>
      %dma_wait3A_510 = tpu.memref_squeeze %dma_wait3A_509 : memref<1x1x128xi32, #tpu.memory_space<hbm>> -> memref<128xi32, #tpu.memory_space<hbm>>
      tpu.wait_dma2 semaphore(%arg21 : memref<!tpu.dma_semaphore, #tpu.memory_space<semaphore_mem>>) src(%dma_wait3A_510 : memref<128xi32, #tpu.memory_space<hbm>>) dst(%arg14 : memref<128xi32, #tpu.memory_space<vmem>>)
      %dma_start3A_511 = arith.constant 0 : i32
      %dma_start3A_512 = arith.constant 0 : i32
      %dma_start3A_513 = arith.constant 0 : i32
      %dma_start3A_514 = tpu.memref_slice %arg16[%dma_start3A_511, %dma_start3A_512, %dma_start3A_513] : memref<2x128x128xf32, #tpu.memory_space<vmem>> -> memref<1x128x128xf32, #tpu.memory_space<vmem>>
      %dma_start3A_515 = tpu.memref_squeeze %dma_start3A_514 : memref<1x128x128xf32, #tpu.memory_space<vmem>> -> memref<128x128xf32, #tpu.memory_space<vmem>>
      %dma_start3A_516 = arith.constant 0 : i32
      %dma_start3A_517 = arith.constant 0 : i32
      %dma_start3A_518 = tpu.memref_slice %arg4[%dma_start3A_516, %dma_start3A_517] : memref<40960x128xf32, #tpu.memory_space<hbm>> -> memref<40960x128xf32, #tpu.memory_space<hbm>>
      tpu.enqueue_indirect_dma source(%dma_start3A_518 : memref<40960x128xf32, #tpu.memory_space<hbm>>) target(%dma_start3A_515 : memref<128x128xf32, #tpu.memory_space<vmem>>) offsets(%arg10 : memref<128xi32, #tpu.memory_space<vmem>>) semaphore(%arg17 : memref<!tpu.dma_semaphore, #tpu.memory_space<semaphore_mem>>)
      %mul3A_519 = arith.constant 4 : i32
      %mul3A_520 = arith.muli %mul3A_519, %scan3A_461 : i32
      %add3A_521 = arith.constant 1 : i32
      %add3A_522 = arith.addi %mul3A_520, %add3A_521 : i32
      %dma_wait3A_523 = arith.constant 1 : i32
      %dma_wait3A_524 = arith.constant 0 : i32
      %dma_wait3A_525 = arith.constant 0 : i32
      %dma_wait3A_526 = tpu.memref_slice %arg16[%dma_wait3A_523, %dma_wait3A_524, %dma_wait3A_525] : memref<2x128x128xf32, #tpu.memory_space<vmem>> -> memref<1x128x128xf32, #tpu.memory_space<vmem>>
      %dma_wait3A_527 = tpu.memref_squeeze %dma_wait3A_526 : memref<1x128x128xf32, #tpu.memory_space<vmem>> -> memref<128x128xf32, #tpu.memory_space<vmem>>
      %dma_wait3A_528 = arith.constant 0 : i32
      %dma_wait3A_529 = arith.constant 0 : i32
      %dma_wait3A_530 = tpu.memref_slice %arg4[%dma_wait3A_528, %dma_wait3A_529] : memref<40960x128xf32, #tpu.memory_space<hbm>> -> memref<40960x128xf32, #tpu.memory_space<hbm>>
      tpu.wait_indirect_dma semaphore(%arg18 : memref<!tpu.dma_semaphore, #tpu.memory_space<semaphore_mem>>) src(%dma_wait3A_530 : memref<40960x128xf32, #tpu.memory_space<hbm>>) dst(%dma_wait3A_527 : memref<128x128xf32, #tpu.memory_space<vmem>>)
      %run_scoped3A_531 = arith.constant 1 : i32
      "tpu.region"() ({
        %run_scoped3A_690 = tpu.sem_alloc : memref<!tpu.dma_semaphore, #tpu.memory_space<semaphore_mem>>
        %dma_start3A_691 = arith.constant 0 : i32
        %dma_start3A_692 = arith.constant 0 : i32
        %dma_start3A_693 = tpu.memref_slice %arg16[%run_scoped3A_531, %dma_start3A_691, %dma_start3A_692] : memref<2x128x128xf32, #tpu.memory_space<vmem>> -> memref<1x128x128xf32, #tpu.memory_space<vmem>>
        %dma_start3A_694 = tpu.memref_squeeze %dma_start3A_693 : memref<1x128x128xf32, #tpu.memory_space<vmem>> -> memref<128x128xf32, #tpu.memory_space<vmem>>
        %dma_start3A_695 = arith.constant 0 : i32
        %dma_start3A_696 = arith.constant 0 : i32
        %dma_start3A_697 = tpu.memref_slice %arg7[%dma_start3A_695, %dma_start3A_696] : memref<10240x128xf32, #tpu.memory_space<vmem_shared>> -> memref<10240x128xf32, #tpu.memory_space<vmem_shared>>
        tpu.enqueue_indirect_dma source(%dma_start3A_694 : memref<128x128xf32, #tpu.memory_space<vmem>>) target(%dma_start3A_697 : memref<10240x128xf32, #tpu.memory_space<vmem_shared>>) offsets(%arg13 : memref<128xi32, #tpu.memory_space<vmem>>) semaphore(%run_scoped3A_690 : memref<!tpu.dma_semaphore, #tpu.memory_space<semaphore_mem>>) {add = true}
        %dma_wait3A_698 = arith.constant 0 : i32
        %dma_wait3A_699 = arith.constant 0 : i32
        %dma_wait3A_700 = tpu.memref_slice %arg16[%run_scoped3A_531, %dma_wait3A_698, %dma_wait3A_699] : memref<2x128x128xf32, #tpu.memory_space<vmem>> -> memref<1x128x128xf32, #tpu.memory_space<vmem>>
        %dma_wait3A_701 = tpu.memref_squeeze %dma_wait3A_700 : memref<1x128x128xf32, #tpu.memory_space<vmem>> -> memref<128x128xf32, #tpu.memory_space<vmem>>
        %dma_wait3A_702 = arith.constant 0 : i32
        %dma_wait3A_703 = arith.constant 0 : i32
        %dma_wait3A_704 = tpu.memref_slice %arg7[%dma_wait3A_702, %dma_wait3A_703] : memref<10240x128xf32, #tpu.memory_space<vmem_shared>> -> memref<10240x128xf32, #tpu.memory_space<vmem_shared>>
        tpu.wait_indirect_dma semaphore(%run_scoped3A_690 : memref<!tpu.dma_semaphore, #tpu.memory_space<semaphore_mem>>) src(%dma_wait3A_701 : memref<128x128xf32, #tpu.memory_space<vmem>>) dst(%dma_wait3A_704 : memref<10240x128xf32, #tpu.memory_space<vmem_shared>>)
        tpu.yield
      }) : () -> ()
      %add3A_532 = arith.constant 4 : i32
      %add3A_533 = arith.addi %add3A_522, %add3A_532 : i32
      %add3A_534 = arith.addi %mul3A_0, %add3A_533 : i32
      %mul3A_535 = arith.constant 128 : i32
      %mul3A_536 = arith.muli %add3A_534, %mul3A_535 : i32
      %dma_start3A_537 = arith.constant 1 : i32
      %dma_start3A_538 = tpu.memref_slice %arg2[%arg0, %dma_start3A_537, %mul3A_536] : memref<2x2x321536xi32, #tpu.memory_space<hbm>> -> memref<1x1x128xi32, #tpu.memory_space<hbm>>
      %dma_start3A_539 = tpu.memref_squeeze %dma_start3A_538 : memref<1x1x128xi32, #tpu.memory_space<hbm>> -> memref<128xi32, #tpu.memory_space<hbm>>
      %dma_start3A_540 = tpu.memref_slice %arg2[%arg0, %dma_start3A_537, %mul3A_536] : memref<2x2x321536xi32, #tpu.memory_space<hbm>> -> memref<1x1x128xi32, #tpu.memory_space<hbm>>
      %dma_start3A_541 = tpu.memref_squeeze %dma_start3A_540 : memref<1x1x128xi32, #tpu.memory_space<hbm>> -> memref<128xi32, #tpu.memory_space<hbm>>
      tpu.enqueue_dma source(%dma_start3A_541 : memref<128xi32, #tpu.memory_space<hbm>>) target(%arg9 : memref<128xi32, #tpu.memory_space<vmem>>) target_semaphore(%arg20 : memref<!tpu.dma_semaphore, #tpu.memory_space<semaphore_mem>>)
      %add3A_542 = arith.addi %mul3A_0, %add3A_533 : i32
      %mul3A_543 = arith.constant 128 : i32
      %mul3A_544 = arith.muli %add3A_542, %mul3A_543 : i32
      %dma_start3A_545 = arith.constant 1 : i32
      %dma_start3A_546 = tpu.memref_slice %arg3[%arg0, %dma_start3A_545, %mul3A_544] : memref<2x2x321536xi32, #tpu.memory_space<hbm>> -> memref<1x1x128xi32, #tpu.memory_space<hbm>>
      %dma_start3A_547 = tpu.memref_squeeze %dma_start3A_546 : memref<1x1x128xi32, #tpu.memory_space<hbm>> -> memref<128xi32, #tpu.memory_space<hbm>>
      %dma_start3A_548 = tpu.memref_slice %arg3[%arg0, %dma_start3A_545, %mul3A_544] : memref<2x2x321536xi32, #tpu.memory_space<hbm>> -> memref<1x1x128xi32, #tpu.memory_space<hbm>>
      %dma_start3A_549 = tpu.memref_squeeze %dma_start3A_548 : memref<1x1x128xi32, #tpu.memory_space<hbm>> -> memref<128xi32, #tpu.memory_space<hbm>>
      tpu.enqueue_dma source(%dma_start3A_549 : memref<128xi32, #tpu.memory_space<hbm>>) target(%arg13 : memref<128xi32, #tpu.memory_space<vmem>>) target_semaphore(%arg20 : memref<!tpu.dma_semaphore, #tpu.memory_space<semaphore_mem>>)
      %add3A_550 = arith.constant 2 : i32
      %add3A_551 = arith.addi %add3A_522, %add3A_550 : i32
      %add3A_552 = arith.addi %mul3A_0, %add3A_551 : i32
      %mul3A_553 = arith.constant 128 : i32
      %mul3A_554 = arith.muli %add3A_552, %mul3A_553 : i32
      %dma_wait3A_555 = arith.constant 1 : i32
      %dma_wait3A_556 = tpu.memref_slice %arg2[%arg0, %dma_wait3A_555, %mul3A_554] : memref<2x2x321536xi32, #tpu.memory_space<hbm>> -> memref<1x1x128xi32, #tpu.memory_space<hbm>>
      %dma_wait3A_557 = tpu.memref_squeeze %dma_wait3A_556 : memref<1x1x128xi32, #tpu.memory_space<hbm>> -> memref<128xi32, #tpu.memory_space<hbm>>
      %dma_wait3A_558 = tpu.memref_slice %arg2[%arg0, %dma_wait3A_555, %mul3A_554] : memref<2x2x321536xi32, #tpu.memory_space<hbm>> -> memref<1x1x128xi32, #tpu.memory_space<hbm>>
      %dma_wait3A_559 = tpu.memref_squeeze %dma_wait3A_558 : memref<1x1x128xi32, #tpu.memory_space<hbm>> -> memref<128xi32, #tpu.memory_space<hbm>>
      tpu.wait_dma2 semaphore(%arg22 : memref<!tpu.dma_semaphore, #tpu.memory_space<semaphore_mem>>) src(%dma_wait3A_559 : memref<128xi32, #tpu.memory_space<hbm>>) dst(%arg11 : memref<128xi32, #tpu.memory_space<vmem>>)
      %add3A_560 = arith.addi %mul3A_0, %add3A_551 : i32
      %mul3A_561 = arith.constant 128 : i32
      %mul3A_562 = arith.muli %add3A_560, %mul3A_561 : i32
      %dma_wait3A_563 = arith.constant 1 : i32
      %dma_wait3A_564 = tpu.memref_slice %arg3[%arg0, %dma_wait3A_563, %mul3A_562] : memref<2x2x321536xi32, #tpu.memory_space<hbm>> -> memref<1x1x128xi32, #tpu.memory_space<hbm>>
      %dma_wait3A_565 = tpu.memref_squeeze %dma_wait3A_564 : memref<1x1x128xi32, #tpu.memory_space<hbm>> -> memref<128xi32, #tpu.memory_space<hbm>>
      %dma_wait3A_566 = tpu.memref_slice %arg3[%arg0, %dma_wait3A_563, %mul3A_562] : memref<2x2x321536xi32, #tpu.memory_space<hbm>> -> memref<1x1x128xi32, #tpu.memory_space<hbm>>
      %dma_wait3A_567 = tpu.memref_squeeze %dma_wait3A_566 : memref<1x1x128xi32, #tpu.memory_space<hbm>> -> memref<128xi32, #tpu.memory_space<hbm>>
      tpu.wait_dma2 semaphore(%arg22 : memref<!tpu.dma_semaphore, #tpu.memory_space<semaphore_mem>>) src(%dma_wait3A_567 : memref<128xi32, #tpu.memory_space<hbm>>) dst(%arg15 : memref<128xi32, #tpu.memory_space<vmem>>)
      %dma_start3A_568 = arith.constant 1 : i32
      %dma_start3A_569 = arith.constant 0 : i32
      %dma_start3A_570 = arith.constant 0 : i32
      %dma_start3A_571 = tpu.memref_slice %arg16[%dma_start3A_568, %dma_start3A_569, %dma_start3A_570] : memref<2x128x128xf32, #tpu.memory_space<vmem>> -> memref<1x128x128xf32, #tpu.memory_space<vmem>>
      %dma_start3A_572 = tpu.memref_squeeze %dma_start3A_571 : memref<1x128x128xf32, #tpu.memory_space<vmem>> -> memref<128x128xf32, #tpu.memory_space<vmem>>
      %dma_start3A_573 = arith.constant 0 : i32
      %dma_start3A_574 = arith.constant 0 : i32
      %dma_start3A_575 = tpu.memref_slice %arg4[%dma_start3A_573, %dma_start3A_574] : memref<40960x128xf32, #tpu.memory_space<hbm>> -> memref<40960x128xf32, #tpu.memory_space<hbm>>
      tpu.enqueue_indirect_dma source(%dma_start3A_575 : memref<40960x128xf32, #tpu.memory_space<hbm>>) target(%dma_start3A_572 : memref<128x128xf32, #tpu.memory_space<vmem>>) offsets(%arg11 : memref<128xi32, #tpu.memory_space<vmem>>) semaphore(%arg18 : memref<!tpu.dma_semaphore, #tpu.memory_space<semaphore_mem>>)
      %mul3A_576 = arith.constant 4 : i32
      %mul3A_577 = arith.muli %mul3A_576, %scan3A_461 : i32
      %add3A_578 = arith.constant 2 : i32
      %add3A_579 = arith.addi %mul3A_577, %add3A_578 : i32
      %dma_wait3A_580 = arith.constant 0 : i32
      %dma_wait3A_581 = arith.constant 0 : i32
      %dma_wait3A_582 = arith.constant 0 : i32
      %dma_wait3A_583 = tpu.memref_slice %arg16[%dma_wait3A_580, %dma_wait3A_581, %dma_wait3A_582] : memref<2x128x128xf32, #tpu.memory_space<vmem>> -> memref<1x128x128xf32, #tpu.memory_space<vmem>>
      %dma_wait3A_584 = tpu.memref_squeeze %dma_wait3A_583 : memref<1x128x128xf32, #tpu.memory_space<vmem>> -> memref<128x128xf32, #tpu.memory_space<vmem>>
      %dma_wait3A_585 = arith.constant 0 : i32
      %dma_wait3A_586 = arith.constant 0 : i32
      %dma_wait3A_587 = tpu.memref_slice %arg4[%dma_wait3A_585, %dma_wait3A_586] : memref<40960x128xf32, #tpu.memory_space<hbm>> -> memref<40960x128xf32, #tpu.memory_space<hbm>>
      tpu.wait_indirect_dma semaphore(%arg17 : memref<!tpu.dma_semaphore, #tpu.memory_space<semaphore_mem>>) src(%dma_wait3A_587 : memref<40960x128xf32, #tpu.memory_space<hbm>>) dst(%dma_wait3A_584 : memref<128x128xf32, #tpu.memory_space<vmem>>)
      %run_scoped3A_588 = arith.constant 0 : i32
      "tpu.region"() ({
        %run_scoped3A_690 = tpu.sem_alloc : memref<!tpu.dma_semaphore, #tpu.memory_space<semaphore_mem>>
        %dma_start3A_691 = arith.constant 0 : i32
        %dma_start3A_692 = arith.constant 0 : i32
        %dma_start3A_693 = tpu.memref_slice %arg16[%run_scoped3A_588, %dma_start3A_691, %dma_start3A_692] : memref<2x128x128xf32, #tpu.memory_space<vmem>> -> memref<1x128x128xf32, #tpu.memory_space<vmem>>
        %dma_start3A_694 = tpu.memref_squeeze %dma_start3A_693 : memref<1x128x128xf32, #tpu.memory_space<vmem>> -> memref<128x128xf32, #tpu.memory_space<vmem>>
        %dma_start3A_695 = arith.constant 0 : i32
        %dma_start3A_696 = arith.constant 0 : i32
        %dma_start3A_697 = tpu.memref_slice %arg7[%dma_start3A_695, %dma_start3A_696] : memref<10240x128xf32, #tpu.memory_space<vmem_shared>> -> memref<10240x128xf32, #tpu.memory_space<vmem_shared>>
        tpu.enqueue_indirect_dma source(%dma_start3A_694 : memref<128x128xf32, #tpu.memory_space<vmem>>) target(%dma_start3A_697 : memref<10240x128xf32, #tpu.memory_space<vmem_shared>>) offsets(%arg14 : memref<128xi32, #tpu.memory_space<vmem>>) semaphore(%run_scoped3A_690 : memref<!tpu.dma_semaphore, #tpu.memory_space<semaphore_mem>>) {add = true}
        %dma_wait3A_698 = arith.constant 0 : i32
        %dma_wait3A_699 = arith.constant 0 : i32
        %dma_wait3A_700 = tpu.memref_slice %arg16[%run_scoped3A_588, %dma_wait3A_698, %dma_wait3A_699] : memref<2x128x128xf32, #tpu.memory_space<vmem>> -> memref<1x128x128xf32, #tpu.memory_space<vmem>>
        %dma_wait3A_701 = tpu.memref_squeeze %dma_wait3A_700 : memref<1x128x128xf32, #tpu.memory_space<vmem>> -> memref<128x128xf32, #tpu.memory_space<vmem>>
        %dma_wait3A_702 = arith.constant 0 : i32
        %dma_wait3A_703 = arith.constant 0 : i32
        %dma_wait3A_704 = tpu.memref_slice %arg7[%dma_wait3A_702, %dma_wait3A_703] : memref<10240x128xf32, #tpu.memory_space<vmem_shared>> -> memref<10240x128xf32, #tpu.memory_space<vmem_shared>>
        tpu.wait_indirect_dma semaphore(%run_scoped3A_690 : memref<!tpu.dma_semaphore, #tpu.memory_space<semaphore_mem>>) src(%dma_wait3A_701 : memref<128x128xf32, #tpu.memory_space<vmem>>) dst(%dma_wait3A_704 : memref<10240x128xf32, #tpu.memory_space<vmem_shared>>)
        tpu.yield
      }) : () -> ()
      %add3A_589 = arith.constant 4 : i32
      %add3A_590 = arith.addi %add3A_579, %add3A_589 : i32
      %add3A_591 = arith.addi %mul3A_0, %add3A_590 : i32
      %mul3A_592 = arith.constant 128 : i32
      %mul3A_593 = arith.muli %add3A_591, %mul3A_592 : i32
      %dma_start3A_594 = arith.constant 1 : i32
      %dma_start3A_595 = tpu.memref_slice %arg2[%arg0, %dma_start3A_594, %mul3A_593] : memref<2x2x321536xi32, #tpu.memory_space<hbm>> -> memref<1x1x128xi32, #tpu.memory_space<hbm>>
      %dma_start3A_596 = tpu.memref_squeeze %dma_start3A_595 : memref<1x1x128xi32, #tpu.memory_space<hbm>> -> memref<128xi32, #tpu.memory_space<hbm>>
      %dma_start3A_597 = tpu.memref_slice %arg2[%arg0, %dma_start3A_594, %mul3A_593] : memref<2x2x321536xi32, #tpu.memory_space<hbm>> -> memref<1x1x128xi32, #tpu.memory_space<hbm>>
      %dma_start3A_598 = tpu.memref_squeeze %dma_start3A_597 : memref<1x1x128xi32, #tpu.memory_space<hbm>> -> memref<128xi32, #tpu.memory_space<hbm>>
      tpu.enqueue_dma source(%dma_start3A_598 : memref<128xi32, #tpu.memory_space<hbm>>) target(%arg10 : memref<128xi32, #tpu.memory_space<vmem>>) target_semaphore(%arg21 : memref<!tpu.dma_semaphore, #tpu.memory_space<semaphore_mem>>)
      %add3A_599 = arith.addi %mul3A_0, %add3A_590 : i32
      %mul3A_600 = arith.constant 128 : i32
      %mul3A_601 = arith.muli %add3A_599, %mul3A_600 : i32
      %dma_start3A_602 = arith.constant 1 : i32
      %dma_start3A_603 = tpu.memref_slice %arg3[%arg0, %dma_start3A_602, %mul3A_601] : memref<2x2x321536xi32, #tpu.memory_space<hbm>> -> memref<1x1x128xi32, #tpu.memory_space<hbm>>
      %dma_start3A_604 = tpu.memref_squeeze %dma_start3A_603 : memref<1x1x128xi32, #tpu.memory_space<hbm>> -> memref<128xi32, #tpu.memory_space<hbm>>
      %dma_start3A_605 = tpu.memref_slice %arg3[%arg0, %dma_start3A_602, %mul3A_601] : memref<2x2x321536xi32, #tpu.memory_space<hbm>> -> memref<1x1x128xi32, #tpu.memory_space<hbm>>
      %dma_start3A_606 = tpu.memref_squeeze %dma_start3A_605 : memref<1x1x128xi32, #tpu.memory_space<hbm>> -> memref<128xi32, #tpu.memory_space<hbm>>
      tpu.enqueue_dma source(%dma_start3A_606 : memref<128xi32, #tpu.memory_space<hbm>>) target(%arg14 : memref<128xi32, #tpu.memory_space<vmem>>) target_semaphore(%arg21 : memref<!tpu.dma_semaphore, #tpu.memory_space<semaphore_mem>>)
      %add3A_607 = arith.constant 2 : i32
      %add3A_608 = arith.addi %add3A_579, %add3A_607 : i32
      %add3A_609 = arith.addi %mul3A_0, %add3A_608 : i32
      %mul3A_610 = arith.constant 128 : i32
      %mul3A_611 = arith.muli %add3A_609, %mul3A_610 : i32
      %dma_wait3A_612 = arith.constant 1 : i32
      %dma_wait3A_613 = tpu.memref_slice %arg2[%arg0, %dma_wait3A_612, %mul3A_611] : memref<2x2x321536xi32, #tpu.memory_space<hbm>> -> memref<1x1x128xi32, #tpu.memory_space<hbm>>
      %dma_wait3A_614 = tpu.memref_squeeze %dma_wait3A_613 : memref<1x1x128xi32, #tpu.memory_space<hbm>> -> memref<128xi32, #tpu.memory_space<hbm>>
      %dma_wait3A_615 = tpu.memref_slice %arg2[%arg0, %dma_wait3A_612, %mul3A_611] : memref<2x2x321536xi32, #tpu.memory_space<hbm>> -> memref<1x1x128xi32, #tpu.memory_space<hbm>>
      %dma_wait3A_616 = tpu.memref_squeeze %dma_wait3A_615 : memref<1x1x128xi32, #tpu.memory_space<hbm>> -> memref<128xi32, #tpu.memory_space<hbm>>
      tpu.wait_dma2 semaphore(%arg19 : memref<!tpu.dma_semaphore, #tpu.memory_space<semaphore_mem>>) src(%dma_wait3A_616 : memref<128xi32, #tpu.memory_space<hbm>>) dst(%arg8 : memref<128xi32, #tpu.memory_space<vmem>>)
      %add3A_617 = arith.addi %mul3A_0, %add3A_608 : i32
      %mul3A_618 = arith.constant 128 : i32
      %mul3A_619 = arith.muli %add3A_617, %mul3A_618 : i32
      %dma_wait3A_620 = arith.constant 1 : i32
      %dma_wait3A_621 = tpu.memref_slice %arg3[%arg0, %dma_wait3A_620, %mul3A_619] : memref<2x2x321536xi32, #tpu.memory_space<hbm>> -> memref<1x1x128xi32, #tpu.memory_space<hbm>>
      %dma_wait3A_622 = tpu.memref_squeeze %dma_wait3A_621 : memref<1x1x128xi32, #tpu.memory_space<hbm>> -> memref<128xi32, #tpu.memory_space<hbm>>
      %dma_wait3A_623 = tpu.memref_slice %arg3[%arg0, %dma_wait3A_620, %mul3A_619] : memref<2x2x321536xi32, #tpu.memory_space<hbm>> -> memref<1x1x128xi32, #tpu.memory_space<hbm>>
      %dma_wait3A_624 = tpu.memref_squeeze %dma_wait3A_623 : memref<1x1x128xi32, #tpu.memory_space<hbm>> -> memref<128xi32, #tpu.memory_space<hbm>>
      tpu.wait_dma2 semaphore(%arg19 : memref<!tpu.dma_semaphore, #tpu.memory_space<semaphore_mem>>) src(%dma_wait3A_624 : memref<128xi32, #tpu.memory_space<hbm>>) dst(%arg12 : memref<128xi32, #tpu.memory_space<vmem>>)
      %dma_start3A_625 = arith.constant 0 : i32
      %dma_start3A_626 = arith.constant 0 : i32
      %dma_start3A_627 = arith.constant 0 : i32
      %dma_start3A_628 = tpu.memref_slice %arg16[%dma_start3A_625, %dma_start3A_626, %dma_start3A_627] : memref<2x128x128xf32, #tpu.memory_space<vmem>> -> memref<1x128x128xf32, #tpu.memory_space<vmem>>
      %dma_start3A_629 = tpu.memref_squeeze %dma_start3A_628 : memref<1x128x128xf32, #tpu.memory_space<vmem>> -> memref<128x128xf32, #tpu.memory_space<vmem>>
      %dma_start3A_630 = arith.constant 0 : i32
      %dma_start3A_631 = arith.constant 0 : i32
      %dma_start3A_632 = tpu.memref_slice %arg4[%dma_start3A_630, %dma_start3A_631] : memref<40960x128xf32, #tpu.memory_space<hbm>> -> memref<40960x128xf32, #tpu.memory_space<hbm>>
      tpu.enqueue_indirect_dma source(%dma_start3A_632 : memref<40960x128xf32, #tpu.memory_space<hbm>>) target(%dma_start3A_629 : memref<128x128xf32, #tpu.memory_space<vmem>>) offsets(%arg8 : memref<128xi32, #tpu.memory_space<vmem>>) semaphore(%arg17 : memref<!tpu.dma_semaphore, #tpu.memory_space<semaphore_mem>>)
      %mul3A_633 = arith.constant 4 : i32
      %mul3A_634 = arith.muli %mul3A_633, %scan3A_461 : i32
      %add3A_635 = arith.constant 3 : i32
      %add3A_636 = arith.addi %mul3A_634, %add3A_635 : i32
      %dma_wait3A_637 = arith.constant 1 : i32
      %dma_wait3A_638 = arith.constant 0 : i32
      %dma_wait3A_639 = arith.constant 0 : i32
      %dma_wait3A_640 = tpu.memref_slice %arg16[%dma_wait3A_637, %dma_wait3A_638, %dma_wait3A_639] : memref<2x128x128xf32, #tpu.memory_space<vmem>> -> memref<1x128x128xf32, #tpu.memory_space<vmem>>
      %dma_wait3A_641 = tpu.memref_squeeze %dma_wait3A_640 : memref<1x128x128xf32, #tpu.memory_space<vmem>> -> memref<128x128xf32, #tpu.memory_space<vmem>>
      %dma_wait3A_642 = arith.constant 0 : i32
      %dma_wait3A_643 = arith.constant 0 : i32
      %dma_wait3A_644 = tpu.memref_slice %arg4[%dma_wait3A_642, %dma_wait3A_643] : memref<40960x128xf32, #tpu.memory_space<hbm>> -> memref<40960x128xf32, #tpu.memory_space<hbm>>
      tpu.wait_indirect_dma semaphore(%arg18 : memref<!tpu.dma_semaphore, #tpu.memory_space<semaphore_mem>>) src(%dma_wait3A_644 : memref<40960x128xf32, #tpu.memory_space<hbm>>) dst(%dma_wait3A_641 : memref<128x128xf32, #tpu.memory_space<vmem>>)
      %run_scoped3A_645 = arith.constant 1 : i32
      "tpu.region"() ({
        %run_scoped3A_690 = tpu.sem_alloc : memref<!tpu.dma_semaphore, #tpu.memory_space<semaphore_mem>>
        %dma_start3A_691 = arith.constant 0 : i32
        %dma_start3A_692 = arith.constant 0 : i32
        %dma_start3A_693 = tpu.memref_slice %arg16[%run_scoped3A_645, %dma_start3A_691, %dma_start3A_692] : memref<2x128x128xf32, #tpu.memory_space<vmem>> -> memref<1x128x128xf32, #tpu.memory_space<vmem>>
        %dma_start3A_694 = tpu.memref_squeeze %dma_start3A_693 : memref<1x128x128xf32, #tpu.memory_space<vmem>> -> memref<128x128xf32, #tpu.memory_space<vmem>>
        %dma_start3A_695 = arith.constant 0 : i32
        %dma_start3A_696 = arith.constant 0 : i32
        %dma_start3A_697 = tpu.memref_slice %arg7[%dma_start3A_695, %dma_start3A_696] : memref<10240x128xf32, #tpu.memory_space<vmem_shared>> -> memref<10240x128xf32, #tpu.memory_space<vmem_shared>>
        tpu.enqueue_indirect_dma source(%dma_start3A_694 : memref<128x128xf32, #tpu.memory_space<vmem>>) target(%dma_start3A_697 : memref<10240x128xf32, #tpu.memory_space<vmem_shared>>) offsets(%arg15 : memref<128xi32, #tpu.memory_space<vmem>>) semaphore(%run_scoped3A_690 : memref<!tpu.dma_semaphore, #tpu.memory_space<semaphore_mem>>) {add = true}
        %dma_wait3A_698 = arith.constant 0 : i32
        %dma_wait3A_699 = arith.constant 0 : i32
        %dma_wait3A_700 = tpu.memref_slice %arg16[%run_scoped3A_645, %dma_wait3A_698, %dma_wait3A_699] : memref<2x128x128xf32, #tpu.memory_space<vmem>> -> memref<1x128x128xf32, #tpu.memory_space<vmem>>
        %dma_wait3A_701 = tpu.memref_squeeze %dma_wait3A_700 : memref<1x128x128xf32, #tpu.memory_space<vmem>> -> memref<128x128xf32, #tpu.memory_space<vmem>>
        %dma_wait3A_702 = arith.constant 0 : i32
        %dma_wait3A_703 = arith.constant 0 : i32
        %dma_wait3A_704 = tpu.memref_slice %arg7[%dma_wait3A_702, %dma_wait3A_703] : memref<10240x128xf32, #tpu.memory_space<vmem_shared>> -> memref<10240x128xf32, #tpu.memory_space<vmem_shared>>
        tpu.wait_indirect_dma semaphore(%run_scoped3A_690 : memref<!tpu.dma_semaphore, #tpu.memory_space<semaphore_mem>>) src(%dma_wait3A_701 : memref<128x128xf32, #tpu.memory_space<vmem>>) dst(%dma_wait3A_704 : memref<10240x128xf32, #tpu.memory_space<vmem_shared>>)
        tpu.yield
      }) : () -> ()
      %add3A_646 = arith.constant 4 : i32
      %add3A_647 = arith.addi %add3A_636, %add3A_646 : i32
      %add3A_648 = arith.addi %mul3A_0, %add3A_647 : i32
      %mul3A_649 = arith.constant 128 : i32
      %mul3A_650 = arith.muli %add3A_648, %mul3A_649 : i32
      %dma_start3A_651 = arith.constant 1 : i32
      %dma_start3A_652 = tpu.memref_slice %arg2[%arg0, %dma_start3A_651, %mul3A_650] : memref<2x2x321536xi32, #tpu.memory_space<hbm>> -> memref<1x1x128xi32, #tpu.memory_space<hbm>>
      %dma_start3A_653 = tpu.memref_squeeze %dma_start3A_652 : memref<1x1x128xi32, #tpu.memory_space<hbm>> -> memref<128xi32, #tpu.memory_space<hbm>>
      %dma_start3A_654 = tpu.memref_slice %arg2[%arg0, %dma_start3A_651, %mul3A_650] : memref<2x2x321536xi32, #tpu.memory_space<hbm>> -> memref<1x1x128xi32, #tpu.memory_space<hbm>>
      %dma_start3A_655 = tpu.memref_squeeze %dma_start3A_654 : memref<1x1x128xi32, #tpu.memory_space<hbm>> -> memref<128xi32, #tpu.memory_space<hbm>>
      tpu.enqueue_dma source(%dma_start3A_655 : memref<128xi32, #tpu.memory_space<hbm>>) target(%arg11 : memref<128xi32, #tpu.memory_space<vmem>>) target_semaphore(%arg22 : memref<!tpu.dma_semaphore, #tpu.memory_space<semaphore_mem>>)
      %add3A_656 = arith.addi %mul3A_0, %add3A_647 : i32
      %mul3A_657 = arith.constant 128 : i32
      %mul3A_658 = arith.muli %add3A_656, %mul3A_657 : i32
      %dma_start3A_659 = arith.constant 1 : i32
      %dma_start3A_660 = tpu.memref_slice %arg3[%arg0, %dma_start3A_659, %mul3A_658] : memref<2x2x321536xi32, #tpu.memory_space<hbm>> -> memref<1x1x128xi32, #tpu.memory_space<hbm>>
      %dma_start3A_661 = tpu.memref_squeeze %dma_start3A_660 : memref<1x1x128xi32, #tpu.memory_space<hbm>> -> memref<128xi32, #tpu.memory_space<hbm>>
      %dma_start3A_662 = tpu.memref_slice %arg3[%arg0, %dma_start3A_659, %mul3A_658] : memref<2x2x321536xi32, #tpu.memory_space<hbm>> -> memref<1x1x128xi32, #tpu.memory_space<hbm>>
      %dma_start3A_663 = tpu.memref_squeeze %dma_start3A_662 : memref<1x1x128xi32, #tpu.memory_space<hbm>> -> memref<128xi32, #tpu.memory_space<hbm>>
      tpu.enqueue_dma source(%dma_start3A_663 : memref<128xi32, #tpu.memory_space<hbm>>) target(%arg15 : memref<128xi32, #tpu.memory_space<vmem>>) target_semaphore(%arg22 : memref<!tpu.dma_semaphore, #tpu.memory_space<semaphore_mem>>)
      %add3A_664 = arith.constant 2 : i32
      %add3A_665 = arith.addi %add3A_636, %add3A_664 : i32
      %add3A_666 = arith.addi %mul3A_0, %add3A_665 : i32
      %mul3A_667 = arith.constant 128 : i32
      %mul3A_668 = arith.muli %add3A_666, %mul3A_667 : i32
      %dma_wait3A_669 = arith.constant 1 : i32
      %dma_wait3A_670 = tpu.memref_slice %arg2[%arg0, %dma_wait3A_669, %mul3A_668] : memref<2x2x321536xi32, #tpu.memory_space<hbm>> -> memref<1x1x128xi32, #tpu.memory_space<hbm>>
      %dma_wait3A_671 = tpu.memref_squeeze %dma_wait3A_670 : memref<1x1x128xi32, #tpu.memory_space<hbm>> -> memref<128xi32, #tpu.memory_space<hbm>>
      %dma_wait3A_672 = tpu.memref_slice %arg2[%arg0, %dma_wait3A_669, %mul3A_668] : memref<2x2x321536xi32, #tpu.memory_space<hbm>> -> memref<1x1x128xi32, #tpu.memory_space<hbm>>
      %dma_wait3A_673 = tpu.memref_squeeze %dma_wait3A_672 : memref<1x1x128xi32, #tpu.memory_space<hbm>> -> memref<128xi32, #tpu.memory_space<hbm>>
      tpu.wait_dma2 semaphore(%arg20 : memref<!tpu.dma_semaphore, #tpu.memory_space<semaphore_mem>>) src(%dma_wait3A_673 : memref<128xi32, #tpu.memory_space<hbm>>) dst(%arg9 : memref<128xi32, #tpu.memory_space<vmem>>)
      %add3A_674 = arith.addi %mul3A_0, %add3A_665 : i32
      %mul3A_675 = arith.constant 128 : i32
      %mul3A_676 = arith.muli %add3A_674, %mul3A_675 : i32
      %dma_wait3A_677 = arith.constant 1 : i32
      %dma_wait3A_678 = tpu.memref_slice %arg3[%arg0, %dma_wait3A_677, %mul3A_676] : memref<2x2x321536xi32, #tpu.memory_space<hbm>> -> memref<1x1x128xi32, #tpu.memory_space<hbm>>
      %dma_wait3A_679 = tpu.memref_squeeze %dma_wait3A_678 : memref<1x1x128xi32, #tpu.memory_space<hbm>> -> memref<128xi32, #tpu.memory_space<hbm>>
      %dma_wait3A_680 = tpu.memref_slice %arg3[%arg0, %dma_wait3A_677, %mul3A_676] : memref<2x2x321536xi32, #tpu.memory_space<hbm>> -> memref<1x1x128xi32, #tpu.memory_space<hbm>>
      %dma_wait3A_681 = tpu.memref_squeeze %dma_wait3A_680 : memref<1x1x128xi32, #tpu.memory_space<hbm>> -> memref<128xi32, #tpu.memory_space<hbm>>
      tpu.wait_dma2 semaphore(%arg20 : memref<!tpu.dma_semaphore, #tpu.memory_space<semaphore_mem>>) src(%dma_wait3A_681 : memref<128xi32, #tpu.memory_space<hbm>>) dst(%arg13 : memref<128xi32, #tpu.memory_space<vmem>>)
      %dma_start3A_682 = arith.constant 1 : i32
      %dma_start3A_683 = arith.constant 0 : i32
      %dma_start3A_684 = arith.constant 0 : i32
      %dma_start3A_685 = tpu.memref_slice %arg16[%dma_start3A_682, %dma_start3A_683, %dma_start3A_684] : memref<2x128x128xf32, #tpu.memory_space<vmem>> -> memref<1x128x128xf32, #tpu.memory_space<vmem>>
      %dma_start3A_686 = tpu.memref_squeeze %dma_start3A_685 : memref<1x128x128xf32, #tpu.memory_space<vmem>> -> memref<128x128xf32, #tpu.memory_space<vmem>>
      %dma_start3A_687 = arith.constant 0 : i32
      %dma_start3A_688 = arith.constant 0 : i32
      %dma_start3A_689 = tpu.memref_slice %arg4[%dma_start3A_687, %dma_start3A_688] : memref<40960x128xf32, #tpu.memory_space<hbm>> -> memref<40960x128xf32, #tpu.memory_space<hbm>>
      tpu.enqueue_indirect_dma source(%dma_start3A_689 : memref<40960x128xf32, #tpu.memory_space<hbm>>) target(%dma_start3A_686 : memref<128x128xf32, #tpu.memory_space<vmem>>) offsets(%arg9 : memref<128xi32, #tpu.memory_space<vmem>>) semaphore(%arg18 : memref<!tpu.dma_semaphore, #tpu.memory_space<semaphore_mem>>)
    }
    %scan3A_362 = arith.constant 38 : i32
    %dma_wait3A_363 = arith.constant 0 : i32
    %dma_wait3A_364 = arith.constant 0 : i32
    %dma_wait3A_365 = arith.constant 0 : i32
    %dma_wait3A_366 = tpu.memref_slice %arg16[%dma_wait3A_363, %dma_wait3A_364, %dma_wait3A_365] : memref<2x128x128xf32, #tpu.memory_space<vmem>> -> memref<1x128x128xf32, #tpu.memory_space<vmem>>
    %dma_wait3A_367 = tpu.memref_squeeze %dma_wait3A_366 : memref<1x128x128xf32, #tpu.memory_space<vmem>> -> memref<128x128xf32, #tpu.memory_space<vmem>>
    %dma_wait3A_368 = arith.constant 0 : i32
    %dma_wait3A_369 = arith.constant 0 : i32
    %dma_wait3A_370 = tpu.memref_slice %arg4[%dma_wait3A_368, %dma_wait3A_369] : memref<40960x128xf32, #tpu.memory_space<hbm>> -> memref<40960x128xf32, #tpu.memory_space<hbm>>
    tpu.wait_indirect_dma semaphore(%arg17 : memref<!tpu.dma_semaphore, #tpu.memory_space<semaphore_mem>>) src(%dma_wait3A_370 : memref<40960x128xf32, #tpu.memory_space<hbm>>) dst(%dma_wait3A_367 : memref<128x128xf32, #tpu.memory_space<vmem>>)
    %run_scoped3A_371 = arith.constant 0 : i32
    "tpu.region"() ({
      %run_scoped3A_461 = tpu.sem_alloc : memref<!tpu.dma_semaphore, #tpu.memory_space<semaphore_mem>>
      %dma_start3A_462 = arith.constant 0 : i32
      %dma_start3A_463 = arith.constant 0 : i32
      %dma_start3A_464 = tpu.memref_slice %arg16[%run_scoped3A_371, %dma_start3A_462, %dma_start3A_463] : memref<2x128x128xf32, #tpu.memory_space<vmem>> -> memref<1x128x128xf32, #tpu.memory_space<vmem>>
      %dma_start3A_465 = tpu.memref_squeeze %dma_start3A_464 : memref<1x128x128xf32, #tpu.memory_space<vmem>> -> memref<128x128xf32, #tpu.memory_space<vmem>>
      %dma_start3A_466 = arith.constant 0 : i32
      %dma_start3A_467 = arith.constant 0 : i32
      %dma_start3A_468 = tpu.memref_slice %arg7[%dma_start3A_466, %dma_start3A_467] : memref<10240x128xf32, #tpu.memory_space<vmem_shared>> -> memref<10240x128xf32, #tpu.memory_space<vmem_shared>>
      tpu.enqueue_indirect_dma source(%dma_start3A_465 : memref<128x128xf32, #tpu.memory_space<vmem>>) target(%dma_start3A_468 : memref<10240x128xf32, #tpu.memory_space<vmem_shared>>) offsets(%arg12 : memref<128xi32, #tpu.memory_space<vmem>>) semaphore(%run_scoped3A_461 : memref<!tpu.dma_semaphore, #tpu.memory_space<semaphore_mem>>) {add = true}
      %dma_wait3A_469 = arith.constant 0 : i32
      %dma_wait3A_470 = arith.constant 0 : i32
      %dma_wait3A_471 = tpu.memref_slice %arg16[%run_scoped3A_371, %dma_wait3A_469, %dma_wait3A_470] : memref<2x128x128xf32, #tpu.memory_space<vmem>> -> memref<1x128x128xf32, #tpu.memory_space<vmem>>
      %dma_wait3A_472 = tpu.memref_squeeze %dma_wait3A_471 : memref<1x128x128xf32, #tpu.memory_space<vmem>> -> memref<128x128xf32, #tpu.memory_space<vmem>>
      %dma_wait3A_473 = arith.constant 0 : i32
      %dma_wait3A_474 = arith.constant 0 : i32
      %dma_wait3A_475 = tpu.memref_slice %arg7[%dma_wait3A_473, %dma_wait3A_474] : memref<10240x128xf32, #tpu.memory_space<vmem_shared>> -> memref<10240x128xf32, #tpu.memory_space<vmem_shared>>
      tpu.wait_indirect_dma semaphore(%run_scoped3A_461 : memref<!tpu.dma_semaphore, #tpu.memory_space<semaphore_mem>>) src(%dma_wait3A_472 : memref<128x128xf32, #tpu.memory_space<vmem>>) dst(%dma_wait3A_475 : memref<10240x128xf32, #tpu.memory_space<vmem_shared>>)
      tpu.yield
    }) : () -> ()
    %add3A_372 = arith.constant 155 : i32
    %add3A_373 = arith.addi %mul3A_0, %add3A_372 : i32
    %mul3A_374 = arith.constant 128 : i32
    %mul3A_375 = arith.muli %add3A_373, %mul3A_374 : i32
    %dma_wait3A_376 = arith.constant 1 : i32
    %dma_wait3A_377 = tpu.memref_slice %arg2[%arg0, %dma_wait3A_376, %mul3A_375] : memref<2x2x321536xi32, #tpu.memory_space<hbm>> -> memref<1x1x128xi32, #tpu.memory_space<hbm>>
    %dma_wait3A_378 = tpu.memref_squeeze %dma_wait3A_377 : memref<1x1x128xi32, #tpu.memory_space<hbm>> -> memref<128xi32, #tpu.memory_space<hbm>>
    %dma_wait3A_379 = tpu.memref_slice %arg2[%arg0, %dma_wait3A_376, %mul3A_375] : memref<2x2x321536xi32, #tpu.memory_space<hbm>> -> memref<1x1x128xi32, #tpu.memory_space<hbm>>
    %dma_wait3A_380 = tpu.memref_squeeze %dma_wait3A_379 : memref<1x1x128xi32, #tpu.memory_space<hbm>> -> memref<128xi32, #tpu.memory_space<hbm>>
    tpu.wait_dma2 semaphore(%arg21 : memref<!tpu.dma_semaphore, #tpu.memory_space<semaphore_mem>>) src(%dma_wait3A_380 : memref<128xi32, #tpu.memory_space<hbm>>) dst(%arg10 : memref<128xi32, #tpu.memory_space<vmem>>)
    %add3A_381 = arith.constant 155 : i32
    %add3A_382 = arith.addi %mul3A_0, %add3A_381 : i32
    %mul3A_383 = arith.constant 128 : i32
    %mul3A_384 = arith.muli %add3A_382, %mul3A_383 : i32
    %dma_wait3A_385 = arith.constant 1 : i32
    %dma_wait3A_386 = tpu.memref_slice %arg3[%arg0, %dma_wait3A_385, %mul3A_384] : memref<2x2x321536xi32, #tpu.memory_space<hbm>> -> memref<1x1x128xi32, #tpu.memory_space<hbm>>
    %dma_wait3A_387 = tpu.memref_squeeze %dma_wait3A_386 : memref<1x1x128xi32, #tpu.memory_space<hbm>> -> memref<128xi32, #tpu.memory_space<hbm>>
    %dma_wait3A_388 = tpu.memref_slice %arg3[%arg0, %dma_wait3A_385, %mul3A_384] : memref<2x2x321536xi32, #tpu.memory_space<hbm>> -> memref<1x1x128xi32, #tpu.memory_space<hbm>>
    %dma_wait3A_389 = tpu.memref_squeeze %dma_wait3A_388 : memref<1x1x128xi32, #tpu.memory_space<hbm>> -> memref<128xi32, #tpu.memory_space<hbm>>
    tpu.wait_dma2 semaphore(%arg21 : memref<!tpu.dma_semaphore, #tpu.memory_space<semaphore_mem>>) src(%dma_wait3A_389 : memref<128xi32, #tpu.memory_space<hbm>>) dst(%arg14 : memref<128xi32, #tpu.memory_space<vmem>>)
    %dma_start3A_390 = arith.constant 0 : i32
    %dma_start3A_391 = arith.constant 0 : i32
    %dma_start3A_392 = arith.constant 0 : i32
    %dma_start3A_393 = tpu.memref_slice %arg16[%dma_start3A_390, %dma_start3A_391, %dma_start3A_392] : memref<2x128x128xf32, #tpu.memory_space<vmem>> -> memref<1x128x128xf32, #tpu.memory_space<vmem>>
    %dma_start3A_394 = tpu.memref_squeeze %dma_start3A_393 : memref<1x128x128xf32, #tpu.memory_space<vmem>> -> memref<128x128xf32, #tpu.memory_space<vmem>>
    %dma_start3A_395 = arith.constant 0 : i32
    %dma_start3A_396 = arith.constant 0 : i32
    %dma_start3A_397 = tpu.memref_slice %arg4[%dma_start3A_395, %dma_start3A_396] : memref<40960x128xf32, #tpu.memory_space<hbm>> -> memref<40960x128xf32, #tpu.memory_space<hbm>>
    tpu.enqueue_indirect_dma source(%dma_start3A_397 : memref<40960x128xf32, #tpu.memory_space<hbm>>) target(%dma_start3A_394 : memref<128x128xf32, #tpu.memory_space<vmem>>) offsets(%arg10 : memref<128xi32, #tpu.memory_space<vmem>>) semaphore(%arg17 : memref<!tpu.dma_semaphore, #tpu.memory_space<semaphore_mem>>)
    %dma_wait3A_398 = arith.constant 1 : i32
    %dma_wait3A_399 = arith.constant 0 : i32
    %dma_wait3A_400 = arith.constant 0 : i32
    %dma_wait3A_401 = tpu.memref_slice %arg16[%dma_wait3A_398, %dma_wait3A_399, %dma_wait3A_400] : memref<2x128x128xf32, #tpu.memory_space<vmem>> -> memref<1x128x128xf32, #tpu.memory_space<vmem>>
    %dma_wait3A_402 = tpu.memref_squeeze %dma_wait3A_401 : memref<1x128x128xf32, #tpu.memory_space<vmem>> -> memref<128x128xf32, #tpu.memory_space<vmem>>
    %dma_wait3A_403 = arith.constant 0 : i32
    %dma_wait3A_404 = arith.constant 0 : i32
    %dma_wait3A_405 = tpu.memref_slice %arg4[%dma_wait3A_403, %dma_wait3A_404] : memref<40960x128xf32, #tpu.memory_space<hbm>> -> memref<40960x128xf32, #tpu.memory_space<hbm>>
    tpu.wait_indirect_dma semaphore(%arg18 : memref<!tpu.dma_semaphore, #tpu.memory_space<semaphore_mem>>) src(%dma_wait3A_405 : memref<40960x128xf32, #tpu.memory_space<hbm>>) dst(%dma_wait3A_402 : memref<128x128xf32, #tpu.memory_space<vmem>>)
    %run_scoped3A_406 = arith.constant 1 : i32
    "tpu.region"() ({
      %run_scoped3A_461 = tpu.sem_alloc : memref<!tpu.dma_semaphore, #tpu.memory_space<semaphore_mem>>
      %dma_start3A_462 = arith.constant 0 : i32
      %dma_start3A_463 = arith.constant 0 : i32
      %dma_start3A_464 = tpu.memref_slice %arg16[%run_scoped3A_406, %dma_start3A_462, %dma_start3A_463] : memref<2x128x128xf32, #tpu.memory_space<vmem>> -> memref<1x128x128xf32, #tpu.memory_space<vmem>>
      %dma_start3A_465 = tpu.memref_squeeze %dma_start3A_464 : memref<1x128x128xf32, #tpu.memory_space<vmem>> -> memref<128x128xf32, #tpu.memory_space<vmem>>
      %dma_start3A_466 = arith.constant 0 : i32
      %dma_start3A_467 = arith.constant 0 : i32
      %dma_start3A_468 = tpu.memref_slice %arg7[%dma_start3A_466, %dma_start3A_467] : memref<10240x128xf32, #tpu.memory_space<vmem_shared>> -> memref<10240x128xf32, #tpu.memory_space<vmem_shared>>
      tpu.enqueue_indirect_dma source(%dma_start3A_465 : memref<128x128xf32, #tpu.memory_space<vmem>>) target(%dma_start3A_468 : memref<10240x128xf32, #tpu.memory_space<vmem_shared>>) offsets(%arg13 : memref<128xi32, #tpu.memory_space<vmem>>) semaphore(%run_scoped3A_461 : memref<!tpu.dma_semaphore, #tpu.memory_space<semaphore_mem>>) {add = true}
      %dma_wait3A_469 = arith.constant 0 : i32
      %dma_wait3A_470 = arith.constant 0 : i32
      %dma_wait3A_471 = tpu.memref_slice %arg16[%run_scoped3A_406, %dma_wait3A_469, %dma_wait3A_470] : memref<2x128x128xf32, #tpu.memory_space<vmem>> -> memref<1x128x128xf32, #tpu.memory_space<vmem>>
      %dma_wait3A_472 = tpu.memref_squeeze %dma_wait3A_471 : memref<1x128x128xf32, #tpu.memory_space<vmem>> -> memref<128x128xf32, #tpu.memory_space<vmem>>
      %dma_wait3A_473 = arith.constant 0 : i32
      %dma_wait3A_474 = arith.constant 0 : i32
      %dma_wait3A_475 = tpu.memref_slice %arg7[%dma_wait3A_473, %dma_wait3A_474] : memref<10240x128xf32, #tpu.memory_space<vmem_shared>> -> memref<10240x128xf32, #tpu.memory_space<vmem_shared>>
      tpu.wait_indirect_dma semaphore(%run_scoped3A_461 : memref<!tpu.dma_semaphore, #tpu.memory_space<semaphore_mem>>) src(%dma_wait3A_472 : memref<128x128xf32, #tpu.memory_space<vmem>>) dst(%dma_wait3A_475 : memref<10240x128xf32, #tpu.memory_space<vmem_shared>>)
      tpu.yield
    }) : () -> ()
    %add3A_407 = arith.constant 156 : i32
    %add3A_408 = arith.addi %mul3A_0, %add3A_407 : i32
    %mul3A_409 = arith.constant 128 : i32
    %mul3A_410 = arith.muli %add3A_408, %mul3A_409 : i32
    %dma_wait3A_411 = arith.constant 1 : i32
    %dma_wait3A_412 = tpu.memref_slice %arg2[%arg0, %dma_wait3A_411, %mul3A_410] : memref<2x2x321536xi32, #tpu.memory_space<hbm>> -> memref<1x1x128xi32, #tpu.memory_space<hbm>>
    %dma_wait3A_413 = tpu.memref_squeeze %dma_wait3A_412 : memref<1x1x128xi32, #tpu.memory_space<hbm>> -> memref<128xi32, #tpu.memory_space<hbm>>
    %dma_wait3A_414 = tpu.memref_slice %arg2[%arg0, %dma_wait3A_411, %mul3A_410] : memref<2x2x321536xi32, #tpu.memory_space<hbm>> -> memref<1x1x128xi32, #tpu.memory_space<hbm>>
    %dma_wait3A_415 = tpu.memref_squeeze %dma_wait3A_414 : memref<1x1x128xi32, #tpu.memory_space<hbm>> -> memref<128xi32, #tpu.memory_space<hbm>>
    tpu.wait_dma2 semaphore(%arg22 : memref<!tpu.dma_semaphore, #tpu.memory_space<semaphore_mem>>) src(%dma_wait3A_415 : memref<128xi32, #tpu.memory_space<hbm>>) dst(%arg11 : memref<128xi32, #tpu.memory_space<vmem>>)
    %add3A_416 = arith.constant 156 : i32
    %add3A_417 = arith.addi %mul3A_0, %add3A_416 : i32
    %mul3A_418 = arith.constant 128 : i32
    %mul3A_419 = arith.muli %add3A_417, %mul3A_418 : i32
    %dma_wait3A_420 = arith.constant 1 : i32
    %dma_wait3A_421 = tpu.memref_slice %arg3[%arg0, %dma_wait3A_420, %mul3A_419] : memref<2x2x321536xi32, #tpu.memory_space<hbm>> -> memref<1x1x128xi32, #tpu.memory_space<hbm>>
    %dma_wait3A_422 = tpu.memref_squeeze %dma_wait3A_421 : memref<1x1x128xi32, #tpu.memory_space<hbm>> -> memref<128xi32, #tpu.memory_space<hbm>>
    %dma_wait3A_423 = tpu.memref_slice %arg3[%arg0, %dma_wait3A_420, %mul3A_419] : memref<2x2x321536xi32, #tpu.memory_space<hbm>> -> memref<1x1x128xi32, #tpu.memory_space<hbm>>
    %dma_wait3A_424 = tpu.memref_squeeze %dma_wait3A_423 : memref<1x1x128xi32, #tpu.memory_space<hbm>> -> memref<128xi32, #tpu.memory_space<hbm>>
    tpu.wait_dma2 semaphore(%arg22 : memref<!tpu.dma_semaphore, #tpu.memory_space<semaphore_mem>>) src(%dma_wait3A_424 : memref<128xi32, #tpu.memory_space<hbm>>) dst(%arg15 : memref<128xi32, #tpu.memory_space<vmem>>)
    %dma_start3A_425 = arith.constant 1 : i32
    %dma_start3A_426 = arith.constant 0 : i32
    %dma_start3A_427 = arith.constant 0 : i32
    %dma_start3A_428 = tpu.memref_slice %arg16[%dma_start3A_425, %dma_start3A_426, %dma_start3A_427] : memref<2x128x128xf32, #tpu.memory_space<vmem>> -> memref<1x128x128xf32, #tpu.memory_space<vmem>>
    %dma_start3A_429 = tpu.memref_squeeze %dma_start3A_428 : memref<1x128x128xf32, #tpu.memory_space<vmem>> -> memref<128x128xf32, #tpu.memory_space<vmem>>
    %dma_start3A_430 = arith.constant 0 : i32
    %dma_start3A_431 = arith.constant 0 : i32
    %dma_start3A_432 = tpu.memref_slice %arg4[%dma_start3A_430, %dma_start3A_431] : memref<40960x128xf32, #tpu.memory_space<hbm>> -> memref<40960x128xf32, #tpu.memory_space<hbm>>
    tpu.enqueue_indirect_dma source(%dma_start3A_432 : memref<40960x128xf32, #tpu.memory_space<hbm>>) target(%dma_start3A_429 : memref<128x128xf32, #tpu.memory_space<vmem>>) offsets(%arg11 : memref<128xi32, #tpu.memory_space<vmem>>) semaphore(%arg18 : memref<!tpu.dma_semaphore, #tpu.memory_space<semaphore_mem>>)
    %dma_wait3A_433 = arith.constant 0 : i32
    %dma_wait3A_434 = arith.constant 0 : i32
    %dma_wait3A_435 = arith.constant 0 : i32
    %dma_wait3A_436 = tpu.memref_slice %arg16[%dma_wait3A_433, %dma_wait3A_434, %dma_wait3A_435] : memref<2x128x128xf32, #tpu.memory_space<vmem>> -> memref<1x128x128xf32, #tpu.memory_space<vmem>>
    %dma_wait3A_437 = tpu.memref_squeeze %dma_wait3A_436 : memref<1x128x128xf32, #tpu.memory_space<vmem>> -> memref<128x128xf32, #tpu.memory_space<vmem>>
    %dma_wait3A_438 = arith.constant 0 : i32
    %dma_wait3A_439 = arith.constant 0 : i32
    %dma_wait3A_440 = tpu.memref_slice %arg4[%dma_wait3A_438, %dma_wait3A_439] : memref<40960x128xf32, #tpu.memory_space<hbm>> -> memref<40960x128xf32, #tpu.memory_space<hbm>>
    tpu.wait_indirect_dma semaphore(%arg17 : memref<!tpu.dma_semaphore, #tpu.memory_space<semaphore_mem>>) src(%dma_wait3A_440 : memref<40960x128xf32, #tpu.memory_space<hbm>>) dst(%dma_wait3A_437 : memref<128x128xf32, #tpu.memory_space<vmem>>)
    %run_scoped3A_441 = arith.constant 0 : i32
    "tpu.region"() ({
      %run_scoped3A_461 = tpu.sem_alloc : memref<!tpu.dma_semaphore, #tpu.memory_space<semaphore_mem>>
      %dma_start3A_462 = arith.constant 0 : i32
      %dma_start3A_463 = arith.constant 0 : i32
      %dma_start3A_464 = tpu.memref_slice %arg16[%run_scoped3A_441, %dma_start3A_462, %dma_start3A_463] : memref<2x128x128xf32, #tpu.memory_space<vmem>> -> memref<1x128x128xf32, #tpu.memory_space<vmem>>
      %dma_start3A_465 = tpu.memref_squeeze %dma_start3A_464 : memref<1x128x128xf32, #tpu.memory_space<vmem>> -> memref<128x128xf32, #tpu.memory_space<vmem>>
      %dma_start3A_466 = arith.constant 0 : i32
      %dma_start3A_467 = arith.constant 0 : i32
      %dma_start3A_468 = tpu.memref_slice %arg7[%dma_start3A_466, %dma_start3A_467] : memref<10240x128xf32, #tpu.memory_space<vmem_shared>> -> memref<10240x128xf32, #tpu.memory_space<vmem_shared>>
      tpu.enqueue_indirect_dma source(%dma_start3A_465 : memref<128x128xf32, #tpu.memory_space<vmem>>) target(%dma_start3A_468 : memref<10240x128xf32, #tpu.memory_space<vmem_shared>>) offsets(%arg14 : memref<128xi32, #tpu.memory_space<vmem>>) semaphore(%run_scoped3A_461 : memref<!tpu.dma_semaphore, #tpu.memory_space<semaphore_mem>>) {add = true}
      %dma_wait3A_469 = arith.constant 0 : i32
      %dma_wait3A_470 = arith.constant 0 : i32
      %dma_wait3A_471 = tpu.memref_slice %arg16[%run_scoped3A_441, %dma_wait3A_469, %dma_wait3A_470] : memref<2x128x128xf32, #tpu.memory_space<vmem>> -> memref<1x128x128xf32, #tpu.memory_space<vmem>>
      %dma_wait3A_472 = tpu.memref_squeeze %dma_wait3A_471 : memref<1x128x128xf32, #tpu.memory_space<vmem>> -> memref<128x128xf32, #tpu.memory_space<vmem>>
      %dma_wait3A_473 = arith.constant 0 : i32
      %dma_wait3A_474 = arith.constant 0 : i32
      %dma_wait3A_475 = tpu.memref_slice %arg7[%dma_wait3A_473, %dma_wait3A_474] : memref<10240x128xf32, #tpu.memory_space<vmem_shared>> -> memref<10240x128xf32, #tpu.memory_space<vmem_shared>>
      tpu.wait_indirect_dma semaphore(%run_scoped3A_461 : memref<!tpu.dma_semaphore, #tpu.memory_space<semaphore_mem>>) src(%dma_wait3A_472 : memref<128x128xf32, #tpu.memory_space<vmem>>) dst(%dma_wait3A_475 : memref<10240x128xf32, #tpu.memory_space<vmem_shared>>)
      tpu.yield
    }) : () -> ()
    %dma_wait3A_442 = arith.constant 1 : i32
    %dma_wait3A_443 = arith.constant 0 : i32
    %dma_wait3A_444 = arith.constant 0 : i32
    %dma_wait3A_445 = tpu.memref_slice %arg16[%dma_wait3A_442, %dma_wait3A_443, %dma_wait3A_444] : memref<2x128x128xf32, #tpu.memory_space<vmem>> -> memref<1x128x128xf32, #tpu.memory_space<vmem>>
    %dma_wait3A_446 = tpu.memref_squeeze %dma_wait3A_445 : memref<1x128x128xf32, #tpu.memory_space<vmem>> -> memref<128x128xf32, #tpu.memory_space<vmem>>
    %dma_wait3A_447 = arith.constant 0 : i32
    %dma_wait3A_448 = arith.constant 0 : i32
    %dma_wait3A_449 = tpu.memref_slice %arg4[%dma_wait3A_447, %dma_wait3A_448] : memref<40960x128xf32, #tpu.memory_space<hbm>> -> memref<40960x128xf32, #tpu.memory_space<hbm>>
    tpu.wait_indirect_dma semaphore(%arg18 : memref<!tpu.dma_semaphore, #tpu.memory_space<semaphore_mem>>) src(%dma_wait3A_449 : memref<40960x128xf32, #tpu.memory_space<hbm>>) dst(%dma_wait3A_446 : memref<128x128xf32, #tpu.memory_space<vmem>>)
    %run_scoped3A_450 = arith.constant 1 : i32
    "tpu.region"() ({
      %run_scoped3A_461 = tpu.sem_alloc : memref<!tpu.dma_semaphore, #tpu.memory_space<semaphore_mem>>
      %dma_start3A_462 = arith.constant 0 : i32
      %dma_start3A_463 = arith.constant 0 : i32
      %dma_start3A_464 = tpu.memref_slice %arg16[%run_scoped3A_450, %dma_start3A_462, %dma_start3A_463] : memref<2x128x128xf32, #tpu.memory_space<vmem>> -> memref<1x128x128xf32, #tpu.memory_space<vmem>>
      %dma_start3A_465 = tpu.memref_squeeze %dma_start3A_464 : memref<1x128x128xf32, #tpu.memory_space<vmem>> -> memref<128x128xf32, #tpu.memory_space<vmem>>
      %dma_start3A_466 = arith.constant 0 : i32
      %dma_start3A_467 = arith.constant 0 : i32
      %dma_start3A_468 = tpu.memref_slice %arg7[%dma_start3A_466, %dma_start3A_467] : memref<10240x128xf32, #tpu.memory_space<vmem_shared>> -> memref<10240x128xf32, #tpu.memory_space<vmem_shared>>
      tpu.enqueue_indirect_dma source(%dma_start3A_465 : memref<128x128xf32, #tpu.memory_space<vmem>>) target(%dma_start3A_468 : memref<10240x128xf32, #tpu.memory_space<vmem_shared>>) offsets(%arg15 : memref<128xi32, #tpu.memory_space<vmem>>) semaphore(%run_scoped3A_461 : memref<!tpu.dma_semaphore, #tpu.memory_space<semaphore_mem>>) {add = true}
      %dma_wait3A_469 = arith.constant 0 : i32
      %dma_wait3A_470 = arith.constant 0 : i32
      %dma_wait3A_471 = tpu.memref_slice %arg16[%run_scoped3A_450, %dma_wait3A_469, %dma_wait3A_470] : memref<2x128x128xf32, #tpu.memory_space<vmem>> -> memref<1x128x128xf32, #tpu.memory_space<vmem>>
      %dma_wait3A_472 = tpu.memref_squeeze %dma_wait3A_471 : memref<1x128x128xf32, #tpu.memory_space<vmem>> -> memref<128x128xf32, #tpu.memory_space<vmem>>
      %dma_wait3A_473 = arith.constant 0 : i32
      %dma_wait3A_474 = arith.constant 0 : i32
      %dma_wait3A_475 = tpu.memref_slice %arg7[%dma_wait3A_473, %dma_wait3A_474] : memref<10240x128xf32, #tpu.memory_space<vmem_shared>> -> memref<10240x128xf32, #tpu.memory_space<vmem_shared>>
      tpu.wait_indirect_dma semaphore(%run_scoped3A_461 : memref<!tpu.dma_semaphore, #tpu.memory_space<semaphore_mem>>) src(%dma_wait3A_472 : memref<128x128xf32, #tpu.memory_space<vmem>>) dst(%dma_wait3A_475 : memref<10240x128xf32, #tpu.memory_space<vmem_shared>>)
      tpu.yield
    }) : () -> ()
    %barrier3A_451 = arith.constant 0 : index
    tpu.barrier barrier_id(%barrier3A_451)
    %mul3A_452 = arith.constant 640 : i32
    %mul3A_453 = arith.muli %arg1, %mul3A_452 : i32
    %mul3A_454 = arith.constant 2 : i32
    %mul3A_455 = arith.muli %mul3A_454, %arg0 : i32
    %add3A_456 = arith.constant 1 : i32
    %add3A_457 = arith.addi %mul3A_455, %add3A_456 : i32
    %mul3A_458 = arith.constant 640 : i32
    %mul3A_459 = arith.muli %arg1, %mul3A_458 : i32
    "tpu.region"() ({
      %run_scoped3A_461 = tpu.sem_alloc : memref<!tpu.dma_semaphore, #tpu.memory_space<semaphore_mem>>
      %dma_start3A_462 = arith.constant 0 : i32
      %dma_start3A_463 = tpu.memref_slice %arg6[%add3A_457, %mul3A_459, %dma_start3A_462] : memref<4x10240x128xf32, #tpu.memory_space<hbm>> -> memref<1x640x128xf32, #tpu.memory_space<hbm>>
      %dma_start3A_464 = tpu.memref_squeeze %dma_start3A_463 : memref<1x640x128xf32, #tpu.memory_space<hbm>> -> memref<640x128xf32, #tpu.memory_space<hbm>>
      %dma_start3A_465 = arith.constant 0 : i32
      %dma_start3A_466 = tpu.memref_slice %arg7[%mul3A_453, %dma_start3A_465] : memref<10240x128xf32, #tpu.memory_space<vmem_shared>> -> memref<640x128xf32, #tpu.memory_space<vmem_shared>>
      tpu.enqueue_dma source(%dma_start3A_466 : memref<640x128xf32, #tpu.memory_space<vmem_shared>>) target(%dma_start3A_464 : memref<640x128xf32, #tpu.memory_space<hbm>>) target_semaphore(%run_scoped3A_461 : memref<!tpu.dma_semaphore, #tpu.memory_space<semaphore_mem>>)
      %dma_wait3A_467 = arith.constant 0 : i32
      %dma_wait3A_468 = tpu.memref_slice %arg6[%add3A_457, %mul3A_459, %dma_wait3A_467] : memref<4x10240x128xf32, #tpu.memory_space<hbm>> -> memref<1x640x128xf32, #tpu.memory_space<hbm>>
      %dma_wait3A_469 = tpu.memref_squeeze %dma_wait3A_468 : memref<1x640x128xf32, #tpu.memory_space<hbm>> -> memref<640x128xf32, #tpu.memory_space<hbm>>
      %dma_wait3A_470 = arith.constant 0 : i32
      %dma_wait3A_471 = tpu.memref_slice %arg7[%mul3A_453, %dma_wait3A_470] : memref<10240x128xf32, #tpu.memory_space<vmem_shared>> -> memref<640x128xf32, #tpu.memory_space<vmem_shared>>
      tpu.wait_dma2 semaphore(%run_scoped3A_461 : memref<!tpu.dma_semaphore, #tpu.memory_space<semaphore_mem>>) src(%dma_wait3A_471 : memref<640x128xf32, #tpu.memory_space<vmem_shared>>) dst(%dma_wait3A_469 : memref<640x128xf32, #tpu.memory_space<hbm>>)
      tpu.yield
    }) : () -> ()
    %barrier3A_460 = arith.constant 0 : index
    tpu.barrier barrier_id(%barrier3A_460)
    return
  }
}

#map = affine_map<(d0, d1) -> (0, 0)>
#map1 = affine_map<(d0, d1) -> (0)>
module attributes {stable_mosaic.version = 14 : i64} {
  func.func @k(%arg0: i32, %arg1: i32, %arg2: memref<2x641024xi32, #tpu.memory_space<hbm>>, %arg3: memref<20480xf32, #tpu.memory_space<hbm>>, %arg4: memref<4x10240xf32, #tpu.memory_space<hbm>>, %arg5: memref<20480xf32, #tpu.memory_space<vmem_shared>>, %arg6: memref<128xi32, #tpu.memory_space<vmem>>, %arg7: memref<128xi32, #tpu.memory_space<vmem>>, %arg8: memref<128xf32, #tpu.memory_space<vmem>>, %arg9: memref<!tpu.dma_semaphore, #tpu.memory_space<semaphore_mem>>, %arg10: memref<!tpu.dma_semaphore, #tpu.memory_space<semaphore_mem>>) attributes {dimension_semantics = [#tpu.dimension_semantics<core_parallel>, #tpu.dimension_semantics<subcore_parallel>], iteration_bounds = array<i64: 2, 16>, scalar_prefetch = 0 : i64, scratch_operands = 6 : i64, tpu.core_type = #tpu.core_type<sc_vector_subcore>, window_params = [{transform_indices = #map}, {transform_indices = #map1}, {transform_indices = #map}]} {
    %broadcast_in_dim3A = arith.constant 1.000000e+00 : f32
    %broadcast_in_dim3A_0 = vector.broadcast %broadcast_in_dim3A : f32 to vector<16xf32>
    %swap3A = arith.constant 0 : index
    %swap3A_1 = tpu.vector_load %arg8[%swap3A] {strides = array<i32>} : memref<128xf32, #tpu.memory_space<vmem>>, vector<16xf32>,
    %swap3A_2 = vector.shape_cast %swap3A_1 : vector<16xf32> to vector<16xf32>
    %swap3A_3 = vector.shape_cast %broadcast_in_dim3A_0 : vector<16xf32> to vector<16xf32>
    tpu.vector_store %arg8[%swap3A], %swap3A_3 {strides = array<i32>} : memref<128xf32, #tpu.memory_space<vmem>>, vector<16xf32>,
    %broadcast_in_dim3A_4 = arith.constant 1.000000e+00 : f32
    %broadcast_in_dim3A_5 = vector.broadcast %broadcast_in_dim3A_4 : f32 to vector<16xf32>
    %swap3A_6 = arith.constant 16 : index
    %swap3A_7 = tpu.vector_load %arg8[%swap3A_6] {strides = array<i32>} : memref<128xf32, #tpu.memory_space<vmem>>, vector<16xf32>,
    %swap3A_8 = vector.shape_cast %swap3A_7 : vector<16xf32> to vector<16xf32>
    %swap3A_9 = vector.shape_cast %broadcast_in_dim3A_5 : vector<16xf32> to vector<16xf32>
    tpu.vector_store %arg8[%swap3A_6], %swap3A_9 {strides = array<i32>} : memref<128xf32, #tpu.memory_space<vmem>>, vector<16xf32>,
    %broadcast_in_dim3A_10 = arith.constant 1.000000e+00 : f32
    %broadcast_in_dim3A_11 = vector.broadcast %broadcast_in_dim3A_10 : f32 to vector<16xf32>
    %swap3A_12 = arith.constant 32 : index
    %swap3A_13 = tpu.vector_load %arg8[%swap3A_12] {strides = array<i32>} : memref<128xf32, #tpu.memory_space<vmem>>, vector<16xf32>,
    %swap3A_14 = vector.shape_cast %swap3A_13 : vector<16xf32> to vector<16xf32>
    %swap3A_15 = vector.shape_cast %broadcast_in_dim3A_11 : vector<16xf32> to vector<16xf32>
    tpu.vector_store %arg8[%swap3A_12], %swap3A_15 {strides = array<i32>} : memref<128xf32, #tpu.memory_space<vmem>>, vector<16xf32>,
    %broadcast_in_dim3A_16 = arith.constant 1.000000e+00 : f32
    %broadcast_in_dim3A_17 = vector.broadcast %broadcast_in_dim3A_16 : f32 to vector<16xf32>
    %swap3A_18 = arith.constant 48 : index
    %swap3A_19 = tpu.vector_load %arg8[%swap3A_18] {strides = array<i32>} : memref<128xf32, #tpu.memory_space<vmem>>, vector<16xf32>,
    %swap3A_20 = vector.shape_cast %swap3A_19 : vector<16xf32> to vector<16xf32>
    %swap3A_21 = vector.shape_cast %broadcast_in_dim3A_17 : vector<16xf32> to vector<16xf32>
    tpu.vector_store %arg8[%swap3A_18], %swap3A_21 {strides = array<i32>} : memref<128xf32, #tpu.memory_space<vmem>>, vector<16xf32>,
    %broadcast_in_dim3A_22 = arith.constant 1.000000e+00 : f32
    %broadcast_in_dim3A_23 = vector.broadcast %broadcast_in_dim3A_22 : f32 to vector<16xf32>
    %swap3A_24 = arith.constant 64 : index
    %swap3A_25 = tpu.vector_load %arg8[%swap3A_24] {strides = array<i32>} : memref<128xf32, #tpu.memory_space<vmem>>, vector<16xf32>,
    %swap3A_26 = vector.shape_cast %swap3A_25 : vector<16xf32> to vector<16xf32>
    %swap3A_27 = vector.shape_cast %broadcast_in_dim3A_23 : vector<16xf32> to vector<16xf32>
    tpu.vector_store %arg8[%swap3A_24], %swap3A_27 {strides = array<i32>} : memref<128xf32, #tpu.memory_space<vmem>>, vector<16xf32>,
    %broadcast_in_dim3A_28 = arith.constant 1.000000e+00 : f32
    %broadcast_in_dim3A_29 = vector.broadcast %broadcast_in_dim3A_28 : f32 to vector<16xf32>
    %swap3A_30 = arith.constant 80 : index
    %swap3A_31 = tpu.vector_load %arg8[%swap3A_30] {strides = array<i32>} : memref<128xf32, #tpu.memory_space<vmem>>, vector<16xf32>,
    %swap3A_32 = vector.shape_cast %swap3A_31 : vector<16xf32> to vector<16xf32>
    %swap3A_33 = vector.shape_cast %broadcast_in_dim3A_29 : vector<16xf32> to vector<16xf32>
    tpu.vector_store %arg8[%swap3A_30], %swap3A_33 {strides = array<i32>} : memref<128xf32, #tpu.memory_space<vmem>>, vector<16xf32>,
    %broadcast_in_dim3A_34 = arith.constant 1.000000e+00 : f32
    %broadcast_in_dim3A_35 = vector.broadcast %broadcast_in_dim3A_34 : f32 to vector<16xf32>
    %swap3A_36 = arith.constant 96 : index
    %swap3A_37 = tpu.vector_load %arg8[%swap3A_36] {strides = array<i32>} : memref<128xf32, #tpu.memory_space<vmem>>, vector<16xf32>,
    %swap3A_38 = vector.shape_cast %swap3A_37 : vector<16xf32> to vector<16xf32>
    %swap3A_39 = vector.shape_cast %broadcast_in_dim3A_35 : vector<16xf32> to vector<16xf32>
    tpu.vector_store %arg8[%swap3A_36], %swap3A_39 {strides = array<i32>} : memref<128xf32, #tpu.memory_space<vmem>>, vector<16xf32>,
    %broadcast_in_dim3A_40 = arith.constant 1.000000e+00 : f32
    %broadcast_in_dim3A_41 = vector.broadcast %broadcast_in_dim3A_40 : f32 to vector<16xf32>
    %swap3A_42 = arith.constant 112 : index
    %swap3A_43 = tpu.vector_load %arg8[%swap3A_42] {strides = array<i32>} : memref<128xf32, #tpu.memory_space<vmem>>, vector<16xf32>,
    %swap3A_44 = vector.shape_cast %swap3A_43 : vector<16xf32> to vector<16xf32>
    %swap3A_45 = vector.shape_cast %broadcast_in_dim3A_41 : vector<16xf32> to vector<16xf32>
    tpu.vector_store %arg8[%swap3A_42], %swap3A_45 {strides = array<i32>} : memref<128xf32, #tpu.memory_space<vmem>>, vector<16xf32>,
    %mul3A = arith.constant 1280 : i32
    %mul3A_46 = arith.muli %arg1, %mul3A : i32
    %mul3A_47 = arith.constant 1280 : i32
    %mul3A_48 = arith.muli %arg1, %mul3A_47 : i32
    "tpu.region"() ({
      %run_scoped3A = tpu.sem_alloc : memref<!tpu.dma_semaphore, #tpu.memory_space<semaphore_mem>>
      %dma_start3A_109 = tpu.memref_slice %arg5[%mul3A_48] : memref<20480xf32, #tpu.memory_space<vmem_shared>> -> memref<1280xf32, #tpu.memory_space<vmem_shared>>
      %dma_start3A_110 = tpu.memref_slice %arg3[%mul3A_46] : memref<20480xf32, #tpu.memory_space<hbm>> -> memref<1280xf32, #tpu.memory_space<hbm>>
      tpu.enqueue_dma source(%dma_start3A_110 : memref<1280xf32, #tpu.memory_space<hbm>>) target(%dma_start3A_109 : memref<1280xf32, #tpu.memory_space<vmem_shared>>) target_semaphore(%run_scoped3A : memref<!tpu.dma_semaphore, #tpu.memory_space<semaphore_mem>>)
      %dma_wait3A_111 = tpu.memref_slice %arg5[%mul3A_48] : memref<20480xf32, #tpu.memory_space<vmem_shared>> -> memref<1280xf32, #tpu.memory_space<vmem_shared>>
      %dma_wait3A_112 = tpu.memref_slice %arg3[%mul3A_46] : memref<20480xf32, #tpu.memory_space<hbm>> -> memref<1280xf32, #tpu.memory_space<hbm>>
      tpu.wait_dma2 semaphore(%run_scoped3A : memref<!tpu.dma_semaphore, #tpu.memory_space<semaphore_mem>>) src(%dma_wait3A_112 : memref<1280xf32, #tpu.memory_space<hbm>>) dst(%dma_wait3A_111 : memref<1280xf32, #tpu.memory_space<vmem_shared>>)
      tpu.yield
    }) : () -> ()
    %barrier3A = arith.constant 0 : index
    tpu.barrier barrier_id(%barrier3A)
    %mul3A_49 = arith.constant 313 : i32
    %mul3A_50 = arith.muli %arg1, %mul3A_49 : i32
    %mul3A_51 = arith.constant 128 : i32
    %mul3A_52 = arith.muli %mul3A_50, %mul3A_51 : i32
    "tpu.region"() ({
      %run_scoped3A = tpu.sem_alloc : memref<!tpu.dma_semaphore, #tpu.memory_space<semaphore_mem>>
      %dma_start3A_109 = tpu.memref_slice %arg2[%arg0, %mul3A_52] : memref<2x641024xi32, #tpu.memory_space<hbm>> -> memref<1x128xi32, #tpu.memory_space<hbm>>
      %dma_start3A_110 = tpu.memref_squeeze %dma_start3A_109 : memref<1x128xi32, #tpu.memory_space<hbm>> -> memref<128xi32, #tpu.memory_space<hbm>>
      %dma_start3A_111 = tpu.memref_slice %arg2[%arg0, %mul3A_52] : memref<2x641024xi32, #tpu.memory_space<hbm>> -> memref<1x128xi32, #tpu.memory_space<hbm>>
      %dma_start3A_112 = tpu.memref_squeeze %dma_start3A_111 : memref<1x128xi32, #tpu.memory_space<hbm>> -> memref<128xi32, #tpu.memory_space<hbm>>
      tpu.enqueue_dma source(%dma_start3A_112 : memref<128xi32, #tpu.memory_space<hbm>>) target(%arg6 : memref<128xi32, #tpu.memory_space<vmem>>) target_semaphore(%run_scoped3A : memref<!tpu.dma_semaphore, #tpu.memory_space<semaphore_mem>>)
      %dma_wait3A_113 = tpu.memref_slice %arg2[%arg0, %mul3A_52] : memref<2x641024xi32, #tpu.memory_space<hbm>> -> memref<1x128xi32, #tpu.memory_space<hbm>>
      %dma_wait3A_114 = tpu.memref_squeeze %dma_wait3A_113 : memref<1x128xi32, #tpu.memory_space<hbm>> -> memref<128xi32, #tpu.memory_space<hbm>>
      %dma_wait3A_115 = tpu.memref_slice %arg2[%arg0, %mul3A_52] : memref<2x641024xi32, #tpu.memory_space<hbm>> -> memref<1x128xi32, #tpu.memory_space<hbm>>
      %dma_wait3A_116 = tpu.memref_squeeze %dma_wait3A_115 : memref<1x128xi32, #tpu.memory_space<hbm>> -> memref<128xi32, #tpu.memory_space<hbm>>
      tpu.wait_dma2 semaphore(%run_scoped3A : memref<!tpu.dma_semaphore, #tpu.memory_space<semaphore_mem>>) src(%dma_wait3A_116 : memref<128xi32, #tpu.memory_space<hbm>>) dst(%arg6 : memref<128xi32, #tpu.memory_space<vmem>>)
      tpu.yield
    }) : () -> ()
    %scan3A = arith.constant 0 : i32
    %scan3A_53 = arith.constant 0 : i32
    %scan3A_54 = arith.constant 155 : i32
    %scan3A_55 = arith.addi %scan3A_53, %scan3A_54 : i32
    %scan3A_56 = arith.constant 1 : i32
    scf.for %scan3A_109 = %scan3A_53 to %scan3A_55 step %scan3A_56  : i32 {
      %mul3A_110 = arith.constant 2 : i32
      %mul3A_111 = arith.muli %mul3A_110, %scan3A_109 : i32
      %add3A_112 = arith.constant 1 : i32
      %add3A_113 = arith.addi %mul3A_111, %add3A_112 : i32
      %add3A_114 = arith.addi %mul3A_50, %add3A_113 : i32
      %mul3A_115 = arith.constant 128 : i32
      %mul3A_116 = arith.muli %add3A_114, %mul3A_115 : i32
      %dma_start3A_117 = tpu.memref_slice %arg2[%arg0, %mul3A_116] : memref<2x641024xi32, #tpu.memory_space<hbm>> -> memref<1x128xi32, #tpu.memory_space<hbm>>
      %dma_start3A_118 = tpu.memref_squeeze %dma_start3A_117 : memref<1x128xi32, #tpu.memory_space<hbm>> -> memref<128xi32, #tpu.memory_space<hbm>>
      %dma_start3A_119 = tpu.memref_slice %arg2[%arg0, %mul3A_116] : memref<2x641024xi32, #tpu.memory_space<hbm>> -> memref<1x128xi32, #tpu.memory_space<hbm>>
      %dma_start3A_120 = tpu.memref_squeeze %dma_start3A_119 : memref<1x128xi32, #tpu.memory_space<hbm>> -> memref<128xi32, #tpu.memory_space<hbm>>
      tpu.enqueue_dma source(%dma_start3A_120 : memref<128xi32, #tpu.memory_space<hbm>>) target(%arg7 : memref<128xi32, #tpu.memory_space<vmem>>) target_semaphore(%arg10 : memref<!tpu.dma_semaphore, #tpu.memory_space<semaphore_mem>>)
      "tpu.region"() ({
        %run_scoped3A = tpu.sem_alloc : memref<!tpu.dma_semaphore, #tpu.memory_space<semaphore_mem>>
        %dma_start3A_148 = arith.constant 0 : i32
        %dma_start3A_149 = tpu.memref_slice %arg5[%dma_start3A_148] : memref<20480xf32, #tpu.memory_space<vmem_shared>> -> memref<20480xf32, #tpu.memory_space<vmem_shared>>
        tpu.enqueue_indirect_dma source(%arg8 : memref<128xf32, #tpu.memory_space<vmem>>) target(%dma_start3A_149 : memref<20480xf32, #tpu.memory_space<vmem_shared>>) offsets(%arg6 : memref<128xi32, #tpu.memory_space<vmem>>) semaphore(%run_scoped3A : memref<!tpu.dma_semaphore, #tpu.memory_space<semaphore_mem>>) {add = true}
        %dma_wait3A_150 = arith.constant 0 : i32
        %dma_wait3A_151 = tpu.memref_slice %arg5[%dma_wait3A_150] : memref<20480xf32, #tpu.memory_space<vmem_shared>> -> memref<20480xf32, #tpu.memory_space<vmem_shared>>
        tpu.wait_indirect_dma semaphore(%run_scoped3A : memref<!tpu.dma_semaphore, #tpu.memory_space<semaphore_mem>>) src(%arg8 : memref<128xf32, #tpu.memory_space<vmem>>) dst(%dma_wait3A_151 : memref<20480xf32, #tpu.memory_space<vmem_shared>>)
        tpu.yield
      }) : () -> ()
      %add3A_121 = arith.constant 2 : i32
      %add3A_122 = arith.addi %mul3A_111, %add3A_121 : i32
      %add3A_123 = arith.addi %mul3A_50, %add3A_122 : i32
      %mul3A_124 = arith.constant 128 : i32
      %mul3A_125 = arith.muli %add3A_123, %mul3A_124 : i32
      %dma_start3A_126 = tpu.memref_slice %arg2[%arg0, %mul3A_125] : memref<2x641024xi32, #tpu.memory_space<hbm>> -> memref<1x128xi32, #tpu.memory_space<hbm>>
      %dma_start3A_127 = tpu.memref_squeeze %dma_start3A_126 : memref<1x128xi32, #tpu.memory_space<hbm>> -> memref<128xi32, #tpu.memory_space<hbm>>
      %dma_start3A_128 = tpu.memref_slice %arg2[%arg0, %mul3A_125] : memref<2x641024xi32, #tpu.memory_space<hbm>> -> memref<1x128xi32, #tpu.memory_space<hbm>>
      %dma_start3A_129 = tpu.memref_squeeze %dma_start3A_128 : memref<1x128xi32, #tpu.memory_space<hbm>> -> memref<128xi32, #tpu.memory_space<hbm>>
      tpu.enqueue_dma source(%dma_start3A_129 : memref<128xi32, #tpu.memory_space<hbm>>) target(%arg6 : memref<128xi32, #tpu.memory_space<vmem>>) target_semaphore(%arg9 : memref<!tpu.dma_semaphore, #tpu.memory_space<semaphore_mem>>)
      %add3A_130 = arith.constant 1 : i32
      %add3A_131 = arith.addi %mul3A_111, %add3A_130 : i32
      %add3A_132 = arith.addi %mul3A_50, %add3A_131 : i32
      %mul3A_133 = arith.constant 128 : i32
      %mul3A_134 = arith.muli %add3A_132, %mul3A_133 : i32
      %dma_wait3A_135 = tpu.memref_slice %arg2[%arg0, %mul3A_134] : memref<2x641024xi32, #tpu.memory_space<hbm>> -> memref<1x128xi32, #tpu.memory_space<hbm>>
      %dma_wait3A_136 = tpu.memref_squeeze %dma_wait3A_135 : memref<1x128xi32, #tpu.memory_space<hbm>> -> memref<128xi32, #tpu.memory_space<hbm>>
      %dma_wait3A_137 = tpu.memref_slice %arg2[%arg0, %mul3A_134] : memref<2x641024xi32, #tpu.memory_space<hbm>> -> memref<1x128xi32, #tpu.memory_space<hbm>>
      %dma_wait3A_138 = tpu.memref_squeeze %dma_wait3A_137 : memref<1x128xi32, #tpu.memory_space<hbm>> -> memref<128xi32, #tpu.memory_space<hbm>>
      tpu.wait_dma2 semaphore(%arg10 : memref<!tpu.dma_semaphore, #tpu.memory_space<semaphore_mem>>) src(%dma_wait3A_138 : memref<128xi32, #tpu.memory_space<hbm>>) dst(%arg7 : memref<128xi32, #tpu.memory_space<vmem>>)
      "tpu.region"() ({
        %run_scoped3A = tpu.sem_alloc : memref<!tpu.dma_semaphore, #tpu.memory_space<semaphore_mem>>
        %dma_start3A_148 = arith.constant 0 : i32
        %dma_start3A_149 = tpu.memref_slice %arg5[%dma_start3A_148] : memref<20480xf32, #tpu.memory_space<vmem_shared>> -> memref<20480xf32, #tpu.memory_space<vmem_shared>>
        tpu.enqueue_indirect_dma source(%arg8 : memref<128xf32, #tpu.memory_space<vmem>>) target(%dma_start3A_149 : memref<20480xf32, #tpu.memory_space<vmem_shared>>) offsets(%arg7 : memref<128xi32, #tpu.memory_space<vmem>>) semaphore(%run_scoped3A : memref<!tpu.dma_semaphore, #tpu.memory_space<semaphore_mem>>) {add = true}
        %dma_wait3A_150 = arith.constant 0 : i32
        %dma_wait3A_151 = tpu.memref_slice %arg5[%dma_wait3A_150] : memref<20480xf32, #tpu.memory_space<vmem_shared>> -> memref<20480xf32, #tpu.memory_space<vmem_shared>>
        tpu.wait_indirect_dma semaphore(%run_scoped3A : memref<!tpu.dma_semaphore, #tpu.memory_space<semaphore_mem>>) src(%arg8 : memref<128xf32, #tpu.memory_space<vmem>>) dst(%dma_wait3A_151 : memref<20480xf32, #tpu.memory_space<vmem_shared>>)
        tpu.yield
      }) : () -> ()
      %add3A_139 = arith.constant 2 : i32
      %add3A_140 = arith.addi %mul3A_111, %add3A_139 : i32
      %add3A_141 = arith.addi %mul3A_50, %add3A_140 : i32
      %mul3A_142 = arith.constant 128 : i32
      %mul3A_143 = arith.muli %add3A_141, %mul3A_142 : i32
      %dma_wait3A_144 = tpu.memref_slice %arg2[%arg0, %mul3A_143] : memref<2x641024xi32, #tpu.memory_space<hbm>> -> memref<1x128xi32, #tpu.memory_space<hbm>>
      %dma_wait3A_145 = tpu.memref_squeeze %dma_wait3A_144 : memref<1x128xi32, #tpu.memory_space<hbm>> -> memref<128xi32, #tpu.memory_space<hbm>>
      %dma_wait3A_146 = tpu.memref_slice %arg2[%arg0, %mul3A_143] : memref<2x641024xi32, #tpu.memory_space<hbm>> -> memref<1x128xi32, #tpu.memory_space<hbm>>
      %dma_wait3A_147 = tpu.memref_squeeze %dma_wait3A_146 : memref<1x128xi32, #tpu.memory_space<hbm>> -> memref<128xi32, #tpu.memory_space<hbm>>
      tpu.wait_dma2 semaphore(%arg9 : memref<!tpu.dma_semaphore, #tpu.memory_space<semaphore_mem>>) src(%dma_wait3A_147 : memref<128xi32, #tpu.memory_space<hbm>>) dst(%arg6 : memref<128xi32, #tpu.memory_space<vmem>>)
    }
    %scan3A_57 = arith.constant 155 : i32
    %add3A = arith.constant 312 : i32
    %add3A_58 = arith.addi %mul3A_50, %add3A : i32
    %mul3A_59 = arith.constant 128 : i32
    %mul3A_60 = arith.muli %add3A_58, %mul3A_59 : i32
    %dma_start3A = tpu.memref_slice %arg2[%arg0, %mul3A_60] : memref<2x641024xi32, #tpu.memory_space<hbm>> -> memref<1x128xi32, #tpu.memory_space<hbm>>
    %dma_start3A_61 = tpu.memref_squeeze %dma_start3A : memref<1x128xi32, #tpu.memory_space<hbm>> -> memref<128xi32, #tpu.memory_space<hbm>>
    %dma_start3A_62 = tpu.memref_slice %arg2[%arg0, %mul3A_60] : memref<2x641024xi32, #tpu.memory_space<hbm>> -> memref<1x128xi32, #tpu.memory_space<hbm>>
    %dma_start3A_63 = tpu.memref_squeeze %dma_start3A_62 : memref<1x128xi32, #tpu.memory_space<hbm>> -> memref<128xi32, #tpu.memory_space<hbm>>
    tpu.enqueue_dma source(%dma_start3A_63 : memref<128xi32, #tpu.memory_space<hbm>>) target(%arg7 : memref<128xi32, #tpu.memory_space<vmem>>) target_semaphore(%arg10 : memref<!tpu.dma_semaphore, #tpu.memory_space<semaphore_mem>>)
    "tpu.region"() ({
      %run_scoped3A = tpu.sem_alloc : memref<!tpu.dma_semaphore, #tpu.memory_space<semaphore_mem>>
      %dma_start3A_109 = arith.constant 0 : i32
      %dma_start3A_110 = tpu.memref_slice %arg5[%dma_start3A_109] : memref<20480xf32, #tpu.memory_space<vmem_shared>> -> memref<20480xf32, #tpu.memory_space<vmem_shared>>
      tpu.enqueue_indirect_dma source(%arg8 : memref<128xf32, #tpu.memory_space<vmem>>) target(%dma_start3A_110 : memref<20480xf32, #tpu.memory_space<vmem_shared>>) offsets(%arg6 : memref<128xi32, #tpu.memory_space<vmem>>) semaphore(%run_scoped3A : memref<!tpu.dma_semaphore, #tpu.memory_space<semaphore_mem>>) {add = true}
      %dma_wait3A_111 = arith.constant 0 : i32
      %dma_wait3A_112 = tpu.memref_slice %arg5[%dma_wait3A_111] : memref<20480xf32, #tpu.memory_space<vmem_shared>> -> memref<20480xf32, #tpu.memory_space<vmem_shared>>
      tpu.wait_indirect_dma semaphore(%run_scoped3A : memref<!tpu.dma_semaphore, #tpu.memory_space<semaphore_mem>>) src(%arg8 : memref<128xf32, #tpu.memory_space<vmem>>) dst(%dma_wait3A_112 : memref<20480xf32, #tpu.memory_space<vmem_shared>>)
      tpu.yield
    }) : () -> ()
    %add3A_64 = arith.constant 312 : i32
    %add3A_65 = arith.addi %mul3A_50, %add3A_64 : i32
    %mul3A_66 = arith.constant 128 : i32
    %mul3A_67 = arith.muli %add3A_65, %mul3A_66 : i32
    %dma_wait3A = tpu.memref_slice %arg2[%arg0, %mul3A_67] : memref<2x641024xi32, #tpu.memory_space<hbm>> -> memref<1x128xi32, #tpu.memory_space<hbm>>
    %dma_wait3A_68 = tpu.memref_squeeze %dma_wait3A : memref<1x128xi32, #tpu.memory_space<hbm>> -> memref<128xi32, #tpu.memory_space<hbm>>
    %dma_wait3A_69 = tpu.memref_slice %arg2[%arg0, %mul3A_67] : memref<2x641024xi32, #tpu.memory_space<hbm>> -> memref<1x128xi32, #tpu.memory_space<hbm>>
    %dma_wait3A_70 = tpu.memref_squeeze %dma_wait3A_69 : memref<1x128xi32, #tpu.memory_space<hbm>> -> memref<128xi32, #tpu.memory_space<hbm>>
    tpu.wait_dma2 semaphore(%arg10 : memref<!tpu.dma_semaphore, #tpu.memory_space<semaphore_mem>>) src(%dma_wait3A_70 : memref<128xi32, #tpu.memory_space<hbm>>) dst(%arg7 : memref<128xi32, #tpu.memory_space<vmem>>)
    "tpu.region"() ({
      %run_scoped3A = tpu.sem_alloc : memref<!tpu.dma_semaphore, #tpu.memory_space<semaphore_mem>>
      %dma_start3A_109 = arith.constant 0 : i32
      %dma_start3A_110 = tpu.memref_slice %arg5[%dma_start3A_109] : memref<20480xf32, #tpu.memory_space<vmem_shared>> -> memref<20480xf32, #tpu.memory_space<vmem_shared>>
      tpu.enqueue_indirect_dma source(%arg8 : memref<128xf32, #tpu.memory_space<vmem>>) target(%dma_start3A_110 : memref<20480xf32, #tpu.memory_space<vmem_shared>>) offsets(%arg7 : memref<128xi32, #tpu.memory_space<vmem>>) semaphore(%run_scoped3A : memref<!tpu.dma_semaphore, #tpu.memory_space<semaphore_mem>>) {add = true}
      %dma_wait3A_111 = arith.constant 0 : i32
      %dma_wait3A_112 = tpu.memref_slice %arg5[%dma_wait3A_111] : memref<20480xf32, #tpu.memory_space<vmem_shared>> -> memref<20480xf32, #tpu.memory_space<vmem_shared>>
      tpu.wait_indirect_dma semaphore(%run_scoped3A : memref<!tpu.dma_semaphore, #tpu.memory_space<semaphore_mem>>) src(%arg8 : memref<128xf32, #tpu.memory_space<vmem>>) dst(%dma_wait3A_112 : memref<20480xf32, #tpu.memory_space<vmem_shared>>)
      tpu.yield
    }) : () -> ()
    %barrier3A_71 = arith.constant 0 : index
    tpu.barrier barrier_id(%barrier3A_71)
    %jit3A = arith.constant 8 : i32
    %div3A = arith.divsi %arg1, %jit3A : i32
    %sign3A = arith.constant 0 : i32
    %sign3A_72 = arith.cmpi sgt, %arg1, %sign3A : i32
    %sign3A_73 = arith.extui %sign3A_72 : i1 to i32
    %sign3A_74 = arith.constant 0 : i32
    %sign3A_75 = arith.cmpi slt, %arg1, %sign3A_74 : i32
    %sign3A_76 = arith.extui %sign3A_75 : i1 to i32
    %sign3A_77 = arith.subi %sign3A_73, %sign3A_76 : i32
    %sign3A_78 = arith.constant 0 : i32
    %sign3A_79 = arith.cmpi sgt, %jit3A, %sign3A_78 : i32
    %sign3A_80 = arith.extui %sign3A_79 : i1 to i32
    %sign3A_81 = arith.constant 0 : i32
    %sign3A_82 = arith.cmpi slt, %jit3A, %sign3A_81 : i32
    %sign3A_83 = arith.extui %sign3A_82 : i1 to i32
    %sign3A_84 = arith.subi %sign3A_80, %sign3A_83 : i32
    %ne3A = arith.cmpi ne, %sign3A_77, %sign3A_84 : i32
    %rem3A = arith.remsi %arg1, %jit3A : i32
    %ne3A_85 = arith.constant 0 : i32
    %ne3A_86 = arith.cmpi ne, %rem3A, %ne3A_85 : i32
    %and3A = arith.andi %ne3A, %ne3A_86 : i1
    %sub3A = arith.constant 1 : i32
    %sub3A_87 = arith.subi %div3A, %sub3A : i32
    %select_n3A = arith.select %and3A, %sub3A_87, %div3A : i32
    %jit3A_88 = arith.constant 8 : i32
    %eq3A = arith.constant 0 : i32
    %eq3A_89 = arith.cmpi eq, %jit3A_88, %eq3A : i32
    %jit3A_90 = arith.constant 1 : i32
    %select_n3A_91 = arith.select %eq3A_89, %jit3A_90, %jit3A_88 : i32
    %rem3A_92 = arith.remsi %arg1, %select_n3A_91 : i32
    %ne3A_93 = arith.constant 0 : i32
    %ne3A_94 = arith.cmpi ne, %rem3A_92, %ne3A_93 : i32
    %lt3A = arith.constant 0 : i32
    %lt3A_95 = arith.cmpi slt, %rem3A_92, %lt3A : i32
    %lt3A_96 = arith.constant 0 : i32
    %lt3A_97 = arith.cmpi slt, %select_n3A_91, %lt3A_96 : i32
    %ne3A_98 = arith.xori %lt3A_95, %lt3A_97 : i1
    %and3A_99 = arith.andi %ne3A_98, %ne3A_94 : i1
    %add3A_100 = arith.addi %rem3A_92, %select_n3A_91 : i32
    %select_n3A_101 = arith.select %and3A_99, %add3A_100, %rem3A_92 : i32
    %mul3A_102 = arith.constant 1280 : i32
    %mul3A_103 = arith.muli %select_n3A_101, %mul3A_102 : i32
    %mul3A_104 = arith.constant 1280 : i32
    %mul3A_105 = arith.muli %arg1, %mul3A_104 : i32
    %mul3A_106 = arith.constant 2 : i32
    %mul3A_107 = arith.muli %mul3A_106, %arg0 : i32
    %add3A_108 = arith.addi %mul3A_107, %select_n3A : i32
    "tpu.region"() ({
      %run_scoped3A = tpu.sem_alloc : memref<!tpu.dma_semaphore, #tpu.memory_space<semaphore_mem>>
      %dma_start3A_109 = tpu.memref_slice %arg4[%add3A_108, %mul3A_103] : memref<4x10240xf32, #tpu.memory_space<hbm>> -> memref<1x1280xf32, #tpu.memory_space<hbm>>
      %dma_start3A_110 = tpu.memref_squeeze %dma_start3A_109 : memref<1x1280xf32, #tpu.memory_space<hbm>> -> memref<1280xf32, #tpu.memory_space<hbm>>
      %dma_start3A_111 = tpu.memref_slice %arg5[%mul3A_105] : memref<20480xf32, #tpu.memory_space<vmem_shared>> -> memref<1280xf32, #tpu.memory_space<vmem_shared>>
      tpu.enqueue_dma source(%dma_start3A_111 : memref<1280xf32, #tpu.memory_space<vmem_shared>>) target(%dma_start3A_110 : memref<1280xf32, #tpu.memory_space<hbm>>) target_semaphore(%run_scoped3A : memref<!tpu.dma_semaphore, #tpu.memory_space<semaphore_mem>>)
      %dma_wait3A_112 = tpu.memref_slice %arg4[%add3A_108, %mul3A_103] : memref<4x10240xf32, #tpu.memory_space<hbm>> -> memref<1x1280xf32, #tpu.memory_space<hbm>>
      %dma_wait3A_113 = tpu.memref_squeeze %dma_wait3A_112 : memref<1x1280xf32, #tpu.memory_space<hbm>> -> memref<1280xf32, #tpu.memory_space<hbm>>
      %dma_wait3A_114 = tpu.memref_slice %arg5[%mul3A_105] : memref<20480xf32, #tpu.memory_space<vmem_shared>> -> memref<1280xf32, #tpu.memory_space<vmem_shared>>
      tpu.wait_dma2 semaphore(%run_scoped3A : memref<!tpu.dma_semaphore, #tpu.memory_space<semaphore_mem>>) src(%dma_wait3A_114 : memref<1280xf32, #tpu.memory_space<vmem_shared>>) dst(%dma_wait3A_113 : memref<1280xf32, #tpu.memory_space<hbm>>)
      tpu.yield
    }) : () -> ()
    return
  }
}

module attributes {stable_mosaic.version = 14 : i64} {
  func.func @body(%arg0: i32, %arg1: memref<4x2048xf32, #tpu.memory_space<vmem>>, %arg2: memref<4x2048x128xf32, #tpu.memory_space<vmem>>, %arg3: memref<4x2048xf32, #tpu.memory_space<vmem>>, %arg4: memref<4x2048x128xf32, #tpu.memory_space<vmem>>) attributes {dimension_semantics = [#tpu.dimension_semantics<arbitrary>], iteration_bounds = array<i64: 5>, scalar_prefetch = 0 : i64, scratch_operands = 0 : i64, tpu.core_type = #tpu.core_type<tc>, window_params = [{transform_indices = @transform_0, window_bounds = array<i64: 4, 2048>}, {transform_indices = @transform_1, window_bounds = array<i64: 4, 2048, 128>}, {transform_indices = @transform_2, window_bounds = array<i64: 4, 2048>}, {transform_indices = @transform_3, window_bounds = array<i64: 4, 2048, 128>}]} {
    %get3A = arith.constant 0 : index
    %get3A_0 = arith.constant 0 : index
    %get3A_1 = vector.load %arg1[%get3A, %get3A_0] : memref<4x2048xf32, #tpu.memory_space<vmem>>, vector<4x2048xf32>
    %add3A = arith.constant 1.000000e+00 : f32
    %add3A_2 = vector.broadcast %add3A : f32 to vector<4x2048xf32>
    %add3A_3 = arith.addf %get3A_1, %add3A_2 : vector<4x2048xf32>
    %rsqrt3A = math.rsqrt %add3A_3 : vector<4x2048xf32>
    %swap3A = arith.constant 0 : index
    %swap3A_4 = arith.constant 0 : index
    %swap3A_5 = vector.load %arg3[%swap3A, %swap3A_4] : memref<4x2048xf32, #tpu.memory_space<vmem>>, vector<4x2048xf32>
    tpu.vector_store %arg3[%swap3A, %swap3A_4], %rsqrt3A {strides = array<i32>} : memref<4x2048xf32, #tpu.memory_space<vmem>>, vector<4x2048xf32>,
    %broadcast_in_dim3A = vector.shape_cast %rsqrt3A : vector<4x2048xf32> to vector<4x2048x1xf32>
    %get3A_6 = arith.constant 0 : index
    %get3A_7 = arith.constant 0 : index
    %get3A_8 = arith.constant 0 : index
    %get3A_9 = vector.load %arg2[%get3A_6, %get3A_7, %get3A_8] : memref<4x2048x128xf32, #tpu.memory_space<vmem>>, vector<4x2048x128xf32>
    %mul3A = vector.broadcast %broadcast_in_dim3A : vector<4x2048x1xf32> to vector<4x2048x128xf32>
    %mul3A_10 = arith.mulf %mul3A, %get3A_9 : vector<4x2048x128xf32>
    %swap3A_11 = arith.constant 0 : index
    %swap3A_12 = arith.constant 0 : index
    %swap3A_13 = arith.constant 0 : index
    %swap3A_14 = vector.load %arg4[%swap3A_11, %swap3A_12, %swap3A_13] : memref<4x2048x128xf32, #tpu.memory_space<vmem>>, vector<4x2048x128xf32>
    tpu.vector_store %arg4[%swap3A_11, %swap3A_12, %swap3A_13], %mul3A_10 {strides = array<i32>} : memref<4x2048x128xf32, #tpu.memory_space<vmem>>, vector<4x2048x128xf32>,
    return
  }
  func.func @transform_0(%arg0: i32) -> (i32, i32) {
    %c0_i32 = arith.constant 0 : i32
    %c0_i32_0 = arith.constant 0 : i32
    return %c0_i32, %arg0 : i32, i32
  }
  func.func @transform_1(%arg0: i32) -> (i32, i32, i32) {
    %c0_i32 = arith.constant 0 : i32
    %c0_i32_0 = arith.constant 0 : i32
    %c0_i32_1 = arith.constant 0 : i32
    return %c0_i32, %arg0, %c0_i32_0 : i32, i32, i32
  }
  func.func @transform_2(%arg0: i32) -> (i32, i32) {
    %c0_i32 = arith.constant 0 : i32
    %c0_i32_0 = arith.constant 0 : i32
    return %c0_i32, %arg0 : i32, i32
  }
  func.func @transform_3(%arg0: i32) -> (i32, i32, i32) {
    %c0_i32 = arith.constant 0 : i32
    %c0_i32_0 = arith.constant 0 : i32
    %c0_i32_1 = arith.constant 0 : i32
    return %c0_i32, %arg0, %c0_i32_0 : i32, i32, i32
  }
}

module attributes {stable_mosaic.version = 14 : i64} {
  func.func @body(%arg0: i32, %arg1: memref<4x1024x128xf32, #tpu.memory_space<vmem>>, %arg2: memref<4x1024x128xf32, #tpu.memory_space<vmem>>, %arg3: memref<4x1024xf32, #tpu.memory_space<vmem>>, %arg4: memref<128x128xf32, #tpu.memory_space<vmem>>, %arg5: memref<128xf32, #tpu.memory_space<vmem>>, %arg6: memref<256x128xf32, #tpu.memory_space<vmem>>, %arg7: memref<128xf32, #tpu.memory_space<vmem>>, %arg8: memref<128x128xf32, #tpu.memory_space<vmem>>, %arg9: memref<128xf32, #tpu.memory_space<vmem>>, %arg10: memref<256x128xf32, #tpu.memory_space<vmem>>, %arg11: memref<128xf32, #tpu.memory_space<vmem>>, %arg12: memref<128x128xf32, #tpu.memory_space<vmem>>, %arg13: memref<128xf32, #tpu.memory_space<vmem>>, %arg14: memref<256x128xf32, #tpu.memory_space<vmem>>, %arg15: memref<128xf32, #tpu.memory_space<vmem>>, %arg16: memref<128x128xf32, #tpu.memory_space<vmem>>, %arg17: memref<128xf32, #tpu.memory_space<vmem>>, %arg18: memref<128xf32, #tpu.memory_space<vmem>>, %arg19: memref<1x128xf32, #tpu.memory_space<vmem>>) attributes {dimension_semantics = [#tpu.dimension_semantics<arbitrary>], iteration_bounds = array<i64: 10>, scalar_prefetch = 0 : i64, scratch_operands = 1 : i64, tpu.core_type = #tpu.core_type<tc>, window_params = [{transform_indices = @transform_0, window_bounds = array<i64: 4, 1024, 128>}, {transform_indices = @transform_1, window_bounds = array<i64: 4, 1024, 128>}, {transform_indices = @transform_2, window_bounds = array<i64: 4, 1024>}, {pipeline_mode = #tpu.pipeline_mode<synchronous>, transform_indices = @transform_3, window_bounds = array<i64: 128, 128>}, {pipeline_mode = #tpu.pipeline_mode<synchronous>, transform_indices = @transform_4, window_bounds = array<i64: 128>}, {pipeline_mode = #tpu.pipeline_mode<synchronous>, transform_indices = @transform_5, window_bounds = array<i64: 256, 128>}, {pipeline_mode = #tpu.pipeline_mode<synchronous>, transform_indices = @transform_6, window_bounds = array<i64: 128>}, {pipeline_mode = #tpu.pipeline_mode<synchronous>, transform_indices = @transform_7, window_bounds = array<i64: 128, 128>}, {pipeline_mode = #tpu.pipeline_mode<synchronous>, transform_indices = @transform_8, window_bounds = array<i64: 128>}, {pipeline_mode = #tpu.pipeline_mode<synchronous>, transform_indices = @transform_9, window_bounds = array<i64: 256, 128>}, {pipeline_mode = #tpu.pipeline_mode<synchronous>, transform_indices = @transform_10, window_bounds = array<i64: 128>}, {pipeline_mode = #tpu.pipeline_mode<synchronous>, transform_indices = @transform_11, window_bounds = array<i64: 128, 128>}, {pipeline_mode = #tpu.pipeline_mode<synchronous>, transform_indices = @transform_12, window_bounds = array<i64: 128>}, {pipeline_mode = #tpu.pipeline_mode<synchronous>, transform_indices = @transform_13, window_bounds = array<i64: 256, 128>}, {pipeline_mode = #tpu.pipeline_mode<synchronous>, transform_indices = @transform_14, window_bounds = array<i64: 128>}, {pipeline_mode = #tpu.pipeline_mode<synchronous>, transform_indices = @transform_15, window_bounds = array<i64: 128, 128>}, {pipeline_mode = #tpu.pipeline_mode<synchronous>, transform_indices = @transform_16, window_bounds = array<i64: 128>}, {pipeline_mode = #tpu.pipeline_mode<synchronous>, transform_indices = @transform_17, window_bounds = array<i64: 128>}]} {
    %get3A = arith.constant 0 : index
    %get3A_0 = arith.constant 0 : index
    %get3A_1 = vector.load %arg4[%get3A, %get3A_0] : memref<128x128xf32, #tpu.memory_space<vmem>>, vector<128x128xf32>
    %get3A_2 = arith.constant 0 : index
    %get3A_3 = arith.constant 0 : index
    %get3A_4 = vector.load %arg6[%get3A_2, %get3A_3] : memref<256x128xf32, #tpu.memory_space<vmem>>, vector<128x128xf32>
    %dot_general3A = arith.constant dense<0.000000e+00> : vector<128x128xf32>
    %dot_general3A_5 = tpu.matmul %get3A_1, %get3A_4, %dot_general3A {dimension_numbers = #tpu.dot_dimension_numbers<[1], [0], [0], [1], [0, 0, 1, 1], [], []>, transpose_lhs_hint = false} : vector<128x128xf32>, vector<128x128xf32>, vector<128x128xf32> -> vector<128x128xf32>
    %get3A_6 = arith.constant 0 : index
    %get3A_7 = arith.constant 0 : index
    %get3A_8 = vector.load %arg8[%get3A_6, %get3A_7] : memref<128x128xf32, #tpu.memory_space<vmem>>, vector<128x128xf32>
    %get3A_9 = arith.constant 0 : index
    %get3A_10 = arith.constant 0 : index
    %get3A_11 = vector.load %arg10[%get3A_9, %get3A_10] : memref<256x128xf32, #tpu.memory_space<vmem>>, vector<128x128xf32>
    %dot_general3A_12 = arith.constant dense<0.000000e+00> : vector<128x128xf32>
    %dot_general3A_13 = tpu.matmul %get3A_8, %get3A_11, %dot_general3A_12 {dimension_numbers = #tpu.dot_dimension_numbers<[1], [0], [0], [1], [0, 0, 1, 1], [], []>, transpose_lhs_hint = false} : vector<128x128xf32>, vector<128x128xf32>, vector<128x128xf32> -> vector<128x128xf32>
    %get3A_14 = arith.constant 0 : index
    %get3A_15 = arith.constant 0 : index
    %get3A_16 = vector.load %arg12[%get3A_14, %get3A_15] : memref<128x128xf32, #tpu.memory_space<vmem>>, vector<128x128xf32>
    %get3A_17 = arith.constant 0 : index
    %get3A_18 = arith.constant 0 : index
    %get3A_19 = vector.load %arg14[%get3A_17, %get3A_18] : memref<256x128xf32, #tpu.memory_space<vmem>>, vector<128x128xf32>
    %dot_general3A_20 = arith.constant dense<0.000000e+00> : vector<128x128xf32>
    %dot_general3A_21 = tpu.matmul %get3A_16, %get3A_19, %dot_general3A_20 {dimension_numbers = #tpu.dot_dimension_numbers<[1], [0], [0], [1], [0, 0, 1, 1], [], []>, transpose_lhs_hint = false} : vector<128x128xf32>, vector<128x128xf32>, vector<128x128xf32> -> vector<128x128xf32>
    %get3A_22 = arith.constant 0 : index
    %get3A_23 = vector.load %arg5[%get3A_22] : memref<128xf32, #tpu.memory_space<vmem>>, vector<128xf32>
    %reshape3A = vector.shape_cast %get3A_23 : vector<128xf32> to vector<1x128xf32>
    %get3A_24 = arith.constant 0 : index
    %get3A_25 = arith.constant 0 : index
    %get3A_26 = vector.load %arg6[%get3A_24, %get3A_25] : memref<256x128xf32, #tpu.memory_space<vmem>>, vector<128x128xf32>
    %dot_general3A_27 = arith.constant dense<0.000000e+00> : vector<1x128xf32>
    %dot_general3A_28 = tpu.matmul %reshape3A, %get3A_26, %dot_general3A_27 {dimension_numbers = #tpu.dot_dimension_numbers<[1], [0], [0], [1], [0, 0, 1, 1], [], []>, transpose_lhs_hint = false} : vector<1x128xf32>, vector<128x128xf32>, vector<1x128xf32> -> vector<1x128xf32>
    %get3A_29 = arith.constant 0 : index
    %get3A_30 = vector.load %arg7[%get3A_29] : memref<128xf32, #tpu.memory_space<vmem>>, vector<128xf32>
    %broadcast_in_dim3A = vector.shape_cast %get3A_30 : vector<128xf32> to vector<1x128xf32>
    %add3A = arith.addf %dot_general3A_28, %broadcast_in_dim3A : vector<1x128xf32>
    %get3A_31 = arith.constant 0 : index
    %get3A_32 = vector.load %arg9[%get3A_31] : memref<128xf32, #tpu.memory_space<vmem>>, vector<128xf32>
    %reshape3A_33 = vector.shape_cast %get3A_32 : vector<128xf32> to vector<1x128xf32>
    %get3A_34 = arith.constant 0 : index
    %get3A_35 = arith.constant 0 : index
    %get3A_36 = vector.load %arg10[%get3A_34, %get3A_35] : memref<256x128xf32, #tpu.memory_space<vmem>>, vector<128x128xf32>
    %dot_general3A_37 = arith.constant dense<0.000000e+00> : vector<1x128xf32>
    %dot_general3A_38 = tpu.matmul %reshape3A_33, %get3A_36, %dot_general3A_37 {dimension_numbers = #tpu.dot_dimension_numbers<[1], [0], [0], [1], [0, 0, 1, 1], [], []>, transpose_lhs_hint = false} : vector<1x128xf32>, vector<128x128xf32>, vector<1x128xf32> -> vector<1x128xf32>
    %get3A_39 = arith.constant 0 : index
    %get3A_40 = vector.load %arg11[%get3A_39] : memref<128xf32, #tpu.memory_space<vmem>>, vector<128xf32>
    %broadcast_in_dim3A_41 = vector.shape_cast %get3A_40 : vector<128xf32> to vector<1x128xf32>
    %add3A_42 = arith.addf %dot_general3A_38, %broadcast_in_dim3A_41 : vector<1x128xf32>
    %get3A_43 = arith.constant 0 : index
    %get3A_44 = vector.load %arg13[%get3A_43] : memref<128xf32, #tpu.memory_space<vmem>>, vector<128xf32>
    %reshape3A_45 = vector.shape_cast %get3A_44 : vector<128xf32> to vector<1x128xf32>
    %get3A_46 = arith.constant 0 : index
    %get3A_47 = arith.constant 0 : index
    %get3A_48 = vector.load %arg14[%get3A_46, %get3A_47] : memref<256x128xf32, #tpu.memory_space<vmem>>, vector<128x128xf32>
    %dot_general3A_49 = arith.constant dense<0.000000e+00> : vector<1x128xf32>
    %dot_general3A_50 = tpu.matmul %reshape3A_45, %get3A_48, %dot_general3A_49 {dimension_numbers = #tpu.dot_dimension_numbers<[1], [0], [0], [1], [0, 0, 1, 1], [], []>, transpose_lhs_hint = false} : vector<1x128xf32>, vector<128x128xf32>, vector<1x128xf32> -> vector<1x128xf32>
    %get3A_51 = arith.constant 0 : index
    %get3A_52 = vector.load %arg15[%get3A_51] : memref<128xf32, #tpu.memory_space<vmem>>, vector<128xf32>
    %broadcast_in_dim3A_53 = vector.shape_cast %get3A_52 : vector<128xf32> to vector<1x128xf32>
    %add3A_54 = arith.addf %dot_general3A_50, %broadcast_in_dim3A_53 : vector<1x128xf32>
    %get3A_55 = arith.constant 128 : index
    %get3A_56 = arith.constant 0 : index
    %get3A_57 = vector.load %arg6[%get3A_55, %get3A_56] : memref<256x128xf32, #tpu.memory_space<vmem>>, vector<128x128xf32>
    %get3A_58 = arith.constant 128 : index
    %get3A_59 = arith.constant 0 : index
    %get3A_60 = vector.load %arg10[%get3A_58, %get3A_59] : memref<256x128xf32, #tpu.memory_space<vmem>>, vector<128x128xf32>
    %get3A_61 = arith.constant 128 : index
    %get3A_62 = arith.constant 0 : index
    %get3A_63 = vector.load %arg14[%get3A_61, %get3A_62] : memref<256x128xf32, #tpu.memory_space<vmem>>, vector<128x128xf32>
    %broadcast_in_dim3A_64 = arith.constant 0.000000e+00 : f32
    %broadcast_in_dim3A_65 = vector.broadcast %broadcast_in_dim3A_64 : f32 to vector<1024x128xf32>
    %get3A_66 = arith.constant 0 : index
    %get3A_67 = arith.constant 0 : index
    %get3A_68 = vector.load %arg3[%get3A_66, %get3A_67] : memref<4x1024xf32, #tpu.memory_space<vmem>>, vector<1x1024xf32>
    %get3A_69 = vector.shape_cast %get3A_68 : vector<1x1024xf32> to vector<1024xf32>
    %reshape3A_70 = vector.shape_cast %get3A_69 : vector<1024xf32> to vector<1024x1xf32>
    %get3A_71 = arith.constant 0 : index
    %get3A_72 = arith.constant 0 : index
    %get3A_73 = arith.constant 0 : index
    %get3A_74 = vector.load %arg1[%get3A_71, %get3A_72, %get3A_73] : memref<4x1024x128xf32, #tpu.memory_space<vmem>>, vector<1x1024x128xf32>
    %get3A_75 = vector.shape_cast %get3A_74 : vector<1x1024x128xf32> to vector<1024x128xf32>
    %get3A_76 = arith.constant 0 : index
    %get3A_77 = arith.constant 0 : index
    %get3A_78 = arith.constant 0 : index
    %get3A_79 = vector.load %arg2[%get3A_76, %get3A_77, %get3A_78] : memref<4x1024x128xf32, #tpu.memory_space<vmem>>, vector<1x1024x128xf32>
    %get3A_80 = vector.shape_cast %get3A_79 : vector<1x1024x128xf32> to vector<1024x128xf32>
    %add3A_81 = arith.addf %get3A_75, %get3A_80 : vector<1024x128xf32>
    %mul3A = vector.broadcast %reshape3A_70 : vector<1024x1xf32> to vector<1024x128xf32>
    %mul3A_82 = arith.mulf %mul3A, %add3A_81 : vector<1024x128xf32>
    %dot_general3A_83 = arith.constant dense<0.000000e+00> : vector<1024x128xf32>
    %dot_general3A_84 = tpu.matmul %mul3A_82, %dot_general3A_5, %dot_general3A_83 {dimension_numbers = #tpu.dot_dimension_numbers<[1], [0], [0], [1], [0, 0, 1, 1], [], []>, transpose_lhs_hint = false} : vector<1024x128xf32>, vector<128x128xf32>, vector<1024x128xf32> -> vector<1024x128xf32>
    %add3A_85 = vector.broadcast %add3A : vector<1x128xf32> to vector<1024x128xf32>
    %add3A_86 = arith.addf %dot_general3A_84, %add3A_85 : vector<1024x128xf32>
    %dot_general3A_87 = arith.constant dense<0.000000e+00> : vector<1024x128xf32>
    %dot_general3A_88 = tpu.matmul %mul3A_82, %dot_general3A_13, %dot_general3A_87 {dimension_numbers = #tpu.dot_dimension_numbers<[1], [0], [0], [1], [0, 0, 1, 1], [], []>, transpose_lhs_hint = false} : vector<1024x128xf32>, vector<128x128xf32>, vector<1024x128xf32> -> vector<1024x128xf32>
    %add3A_89 = vector.broadcast %add3A_42 : vector<1x128xf32> to vector<1024x128xf32>
    %add3A_90 = arith.addf %dot_general3A_88, %add3A_89 : vector<1024x128xf32>
    %dot_general3A_91 = arith.constant dense<0.000000e+00> : vector<1024x128xf32>
    %dot_general3A_92 = tpu.matmul %mul3A_82, %dot_general3A_21, %dot_general3A_91 {dimension_numbers = #tpu.dot_dimension_numbers<[1], [0], [0], [1], [0, 0, 1, 1], [], []>, transpose_lhs_hint = false} : vector<1024x128xf32>, vector<128x128xf32>, vector<1024x128xf32> -> vector<1024x128xf32>
    %add3A_93 = vector.broadcast %add3A_54 : vector<1x128xf32> to vector<1024x128xf32>
    %add3A_94 = arith.addf %dot_general3A_92, %add3A_93 : vector<1024x128xf32>
    %dot_general3A_95 = arith.constant dense<0.000000e+00> : vector<1024x128xf32>
    %dot_general3A_96 = tpu.matmul %broadcast_in_dim3A_65, %get3A_57, %dot_general3A_95 {dimension_numbers = #tpu.dot_dimension_numbers<[1], [0], [0], [1], [0, 0, 1, 1], [], []>, transpose_lhs_hint = false} : vector<1024x128xf32>, vector<128x128xf32>, vector<1024x128xf32> -> vector<1024x128xf32>
    %add3A_97 = arith.addf %add3A_86, %dot_general3A_96 : vector<1024x128xf32>
    %logistic3A = arith.negf %add3A_97 : vector<1024x128xf32>
    %logistic3A_98 = math.exp %logistic3A : vector<1024x128xf32>
    %logistic3A_99 = arith.constant 1.000000e+00 : f32
    %logistic3A_100 = vector.broadcast %logistic3A_99 : f32 to vector<1024x128xf32>
    %logistic3A_101 = arith.addf %logistic3A_100, %logistic3A_98 : vector<1024x128xf32>
    %logistic3A_102 = arith.divf %logistic3A_100, %logistic3A_101 : vector<1024x128xf32>
    %dot_general3A_103 = arith.constant dense<0.000000e+00> : vector<1024x128xf32>
    %dot_general3A_104 = tpu.matmul %broadcast_in_dim3A_65, %get3A_60, %dot_general3A_103 {dimension_numbers = #tpu.dot_dimension_numbers<[1], [0], [0], [1], [0, 0, 1, 1], [], []>, transpose_lhs_hint = false} : vector<1024x128xf32>, vector<128x128xf32>, vector<1024x128xf32> -> vector<1024x128xf32>
    %add3A_105 = arith.addf %add3A_90, %dot_general3A_104 : vector<1024x128xf32>
    %logistic3A_106 = arith.negf %add3A_105 : vector<1024x128xf32>
    %logistic3A_107 = math.exp %logistic3A_106 : vector<1024x128xf32>
    %logistic3A_108 = arith.constant 1.000000e+00 : f32
    %logistic3A_109 = vector.broadcast %logistic3A_108 : f32 to vector<1024x128xf32>
    %logistic3A_110 = arith.addf %logistic3A_109, %logistic3A_107 : vector<1024x128xf32>
    %logistic3A_111 = arith.divf %logistic3A_109, %logistic3A_110 : vector<1024x128xf32>
    %mul3A_112 = arith.mulf %broadcast_in_dim3A_65, %logistic3A_111 : vector<1024x128xf32>
    %dot_general3A_113 = arith.constant dense<0.000000e+00> : vector<1024x128xf32>
    %dot_general3A_114 = tpu.matmul %mul3A_112, %get3A_63, %dot_general3A_113 {dimension_numbers = #tpu.dot_dimension_numbers<[1], [0], [0], [1], [0, 0, 1, 1], [], []>, transpose_lhs_hint = false} : vector<1024x128xf32>, vector<128x128xf32>, vector<1024x128xf32> -> vector<1024x128xf32>
    %add3A_115 = arith.addf %add3A_94, %dot_general3A_114 : vector<1024x128xf32>
    %tanh3A = math.tanh %add3A_115 : vector<1024x128xf32>
    %mul3A_116 = arith.mulf %logistic3A_102, %broadcast_in_dim3A_65 : vector<1024x128xf32>
    %sub3A = arith.constant 1.000000e+00 : f32
    %sub3A_117 = vector.broadcast %sub3A : f32 to vector<1024x128xf32>
    %sub3A_118 = arith.subf %sub3A_117, %logistic3A_102 : vector<1024x128xf32>
    %mul3A_119 = arith.mulf %sub3A_118, %tanh3A : vector<1024x128xf32>
    %add3A_120 = arith.addf %mul3A_116, %mul3A_119 : vector<1024x128xf32>
    %get3A_121 = arith.constant 1 : index
    %get3A_122 = arith.constant 0 : index
    %get3A_123 = vector.load %arg3[%get3A_121, %get3A_122] : memref<4x1024xf32, #tpu.memory_space<vmem>>, vector<1x1024xf32>
    %get3A_124 = vector.shape_cast %get3A_123 : vector<1x1024xf32> to vector<1024xf32>
    %reshape3A_125 = vector.shape_cast %get3A_124 : vector<1024xf32> to vector<1024x1xf32>
    %get3A_126 = arith.constant 1 : index
    %get3A_127 = arith.constant 0 : index
    %get3A_128 = arith.constant 0 : index
    %get3A_129 = vector.load %arg1[%get3A_126, %get3A_127, %get3A_128] : memref<4x1024x128xf32, #tpu.memory_space<vmem>>, vector<1x1024x128xf32>
    %get3A_130 = vector.shape_cast %get3A_129 : vector<1x1024x128xf32> to vector<1024x128xf32>
    %get3A_131 = arith.constant 1 : index
    %get3A_132 = arith.constant 0 : index
    %get3A_133 = arith.constant 0 : index
    %get3A_134 = vector.load %arg2[%get3A_131, %get3A_132, %get3A_133] : memref<4x1024x128xf32, #tpu.memory_space<vmem>>, vector<1x1024x128xf32>
    %get3A_135 = vector.shape_cast %get3A_134 : vector<1x1024x128xf32> to vector<1024x128xf32>
    %add3A_136 = arith.addf %get3A_130, %get3A_135 : vector<1024x128xf32>
    %mul3A_137 = vector.broadcast %reshape3A_125 : vector<1024x1xf32> to vector<1024x128xf32>
    %mul3A_138 = arith.mulf %mul3A_137, %add3A_136 : vector<1024x128xf32>
    %dot_general3A_139 = arith.constant dense<0.000000e+00> : vector<1024x128xf32>
    %dot_general3A_140 = tpu.matmul %mul3A_138, %dot_general3A_5, %dot_general3A_139 {dimension_numbers = #tpu.dot_dimension_numbers<[1], [0], [0], [1], [0, 0, 1, 1], [], []>, transpose_lhs_hint = false} : vector<1024x128xf32>, vector<128x128xf32>, vector<1024x128xf32> -> vector<1024x128xf32>
    %add3A_141 = vector.broadcast %add3A : vector<1x128xf32> to vector<1024x128xf32>
    %add3A_142 = arith.addf %dot_general3A_140, %add3A_141 : vector<1024x128xf32>
    %dot_general3A_143 = arith.constant dense<0.000000e+00> : vector<1024x128xf32>
    %dot_general3A_144 = tpu.matmul %mul3A_138, %dot_general3A_13, %dot_general3A_143 {dimension_numbers = #tpu.dot_dimension_numbers<[1], [0], [0], [1], [0, 0, 1, 1], [], []>, transpose_lhs_hint = false} : vector<1024x128xf32>, vector<128x128xf32>, vector<1024x128xf32> -> vector<1024x128xf32>
    %add3A_145 = vector.broadcast %add3A_42 : vector<1x128xf32> to vector<1024x128xf32>
    %add3A_146 = arith.addf %dot_general3A_144, %add3A_145 : vector<1024x128xf32>
    %dot_general3A_147 = arith.constant dense<0.000000e+00> : vector<1024x128xf32>
    %dot_general3A_148 = tpu.matmul %mul3A_138, %dot_general3A_21, %dot_general3A_147 {dimension_numbers = #tpu.dot_dimension_numbers<[1], [0], [0], [1], [0, 0, 1, 1], [], []>, transpose_lhs_hint = false} : vector<1024x128xf32>, vector<128x128xf32>, vector<1024x128xf32> -> vector<1024x128xf32>
    %add3A_149 = vector.broadcast %add3A_54 : vector<1x128xf32> to vector<1024x128xf32>
    %add3A_150 = arith.addf %dot_general3A_148, %add3A_149 : vector<1024x128xf32>
    %dot_general3A_151 = arith.constant dense<0.000000e+00> : vector<1024x128xf32>
    %dot_general3A_152 = tpu.matmul %add3A_120, %get3A_57, %dot_general3A_151 {dimension_numbers = #tpu.dot_dimension_numbers<[1], [0], [0], [1], [0, 0, 1, 1], [], []>, transpose_lhs_hint = false} : vector<1024x128xf32>, vector<128x128xf32>, vector<1024x128xf32> -> vector<1024x128xf32>
    %add3A_153 = arith.addf %add3A_142, %dot_general3A_152 : vector<1024x128xf32>
    %logistic3A_154 = arith.negf %add3A_153 : vector<1024x128xf32>
    %logistic3A_155 = math.exp %logistic3A_154 : vector<1024x128xf32>
    %logistic3A_156 = arith.constant 1.000000e+00 : f32
    %logistic3A_157 = vector.broadcast %logistic3A_156 : f32 to vector<1024x128xf32>
    %logistic3A_158 = arith.addf %logistic3A_157, %logistic3A_155 : vector<1024x128xf32>
    %logistic3A_159 = arith.divf %logistic3A_157, %logistic3A_158 : vector<1024x128xf32>
    %dot_general3A_160 = arith.constant dense<0.000000e+00> : vector<1024x128xf32>
    %dot_general3A_161 = tpu.matmul %add3A_120, %get3A_60, %dot_general3A_160 {dimension_numbers = #tpu.dot_dimension_numbers<[1], [0], [0], [1], [0, 0, 1, 1], [], []>, transpose_lhs_hint = false} : vector<1024x128xf32>, vector<128x128xf32>, vector<1024x128xf32> -> vector<1024x128xf32>
    %add3A_162 = arith.addf %add3A_146, %dot_general3A_161 : vector<1024x128xf32>
    %logistic3A_163 = arith.negf %add3A_162 : vector<1024x128xf32>
    %logistic3A_164 = math.exp %logistic3A_163 : vector<1024x128xf32>
    %logistic3A_165 = arith.constant 1.000000e+00 : f32
    %logistic3A_166 = vector.broadcast %logistic3A_165 : f32 to vector<1024x128xf32>
    %logistic3A_167 = arith.addf %logistic3A_166, %logistic3A_164 : vector<1024x128xf32>
    %logistic3A_168 = arith.divf %logistic3A_166, %logistic3A_167 : vector<1024x128xf32>
    %mul3A_169 = arith.mulf %add3A_120, %logistic3A_168 : vector<1024x128xf32>
    %dot_general3A_170 = arith.constant dense<0.000000e+00> : vector<1024x128xf32>
    %dot_general3A_171 = tpu.matmul %mul3A_169, %get3A_63, %dot_general3A_170 {dimension_numbers = #tpu.dot_dimension_numbers<[1], [0], [0], [1], [0, 0, 1, 1], [], []>, transpose_lhs_hint = false} : vector<1024x128xf32>, vector<128x128xf32>, vector<1024x128xf32> -> vector<1024x128xf32>
    %add3A_172 = arith.addf %add3A_150, %dot_general3A_171 : vector<1024x128xf32>
    %tanh3A_173 = math.tanh %add3A_172 : vector<1024x128xf32>
    %mul3A_174 = arith.mulf %logistic3A_159, %add3A_120 : vector<1024x128xf32>
    %sub3A_175 = arith.constant 1.000000e+00 : f32
    %sub3A_176 = vector.broadcast %sub3A_175 : f32 to vector<1024x128xf32>
    %sub3A_177 = arith.subf %sub3A_176, %logistic3A_159 : vector<1024x128xf32>
    %mul3A_178 = arith.mulf %sub3A_177, %tanh3A_173 : vector<1024x128xf32>
    %add3A_179 = arith.addf %mul3A_174, %mul3A_178 : vector<1024x128xf32>
    %get3A_180 = arith.constant 2 : index
    %get3A_181 = arith.constant 0 : index
    %get3A_182 = vector.load %arg3[%get3A_180, %get3A_181] : memref<4x1024xf32, #tpu.memory_space<vmem>>, vector<1x1024xf32>
    %get3A_183 = vector.shape_cast %get3A_182 : vector<1x1024xf32> to vector<1024xf32>
    %reshape3A_184 = vector.shape_cast %get3A_183 : vector<1024xf32> to vector<1024x1xf32>
    %get3A_185 = arith.constant 2 : index
    %get3A_186 = arith.constant 0 : index
    %get3A_187 = arith.constant 0 : index
    %get3A_188 = vector.load %arg1[%get3A_185, %get3A_186, %get3A_187] : memref<4x1024x128xf32, #tpu.memory_space<vmem>>, vector<1x1024x128xf32>
    %get3A_189 = vector.shape_cast %get3A_188 : vector<1x1024x128xf32> to vector<1024x128xf32>
    %get3A_190 = arith.constant 2 : index
    %get3A_191 = arith.constant 0 : index
    %get3A_192 = arith.constant 0 : index
    %get3A_193 = vector.load %arg2[%get3A_190, %get3A_191, %get3A_192] : memref<4x1024x128xf32, #tpu.memory_space<vmem>>, vector<1x1024x128xf32>
    %get3A_194 = vector.shape_cast %get3A_193 : vector<1x1024x128xf32> to vector<1024x128xf32>
    %add3A_195 = arith.addf %get3A_189, %get3A_194 : vector<1024x128xf32>
    %mul3A_196 = vector.broadcast %reshape3A_184 : vector<1024x1xf32> to vector<1024x128xf32>
    %mul3A_197 = arith.mulf %mul3A_196, %add3A_195 : vector<1024x128xf32>
    %dot_general3A_198 = arith.constant dense<0.000000e+00> : vector<1024x128xf32>
    %dot_general3A_199 = tpu.matmul %mul3A_197, %dot_general3A_5, %dot_general3A_198 {dimension_numbers = #tpu.dot_dimension_numbers<[1], [0], [0], [1], [0, 0, 1, 1], [], []>, transpose_lhs_hint = false} : vector<1024x128xf32>, vector<128x128xf32>, vector<1024x128xf32> -> vector<1024x128xf32>
    %add3A_200 = vector.broadcast %add3A : vector<1x128xf32> to vector<1024x128xf32>
    %add3A_201 = arith.addf %dot_general3A_199, %add3A_200 : vector<1024x128xf32>
    %dot_general3A_202 = arith.constant dense<0.000000e+00> : vector<1024x128xf32>
    %dot_general3A_203 = tpu.matmul %mul3A_197, %dot_general3A_13, %dot_general3A_202 {dimension_numbers = #tpu.dot_dimension_numbers<[1], [0], [0], [1], [0, 0, 1, 1], [], []>, transpose_lhs_hint = false} : vector<1024x128xf32>, vector<128x128xf32>, vector<1024x128xf32> -> vector<1024x128xf32>
    %add3A_204 = vector.broadcast %add3A_42 : vector<1x128xf32> to vector<1024x128xf32>
    %add3A_205 = arith.addf %dot_general3A_203, %add3A_204 : vector<1024x128xf32>
    %dot_general3A_206 = arith.constant dense<0.000000e+00> : vector<1024x128xf32>
    %dot_general3A_207 = tpu.matmul %mul3A_197, %dot_general3A_21, %dot_general3A_206 {dimension_numbers = #tpu.dot_dimension_numbers<[1], [0], [0], [1], [0, 0, 1, 1], [], []>, transpose_lhs_hint = false} : vector<1024x128xf32>, vector<128x128xf32>, vector<1024x128xf32> -> vector<1024x128xf32>
    %add3A_208 = vector.broadcast %add3A_54 : vector<1x128xf32> to vector<1024x128xf32>
    %add3A_209 = arith.addf %dot_general3A_207, %add3A_208 : vector<1024x128xf32>
    %dot_general3A_210 = arith.constant dense<0.000000e+00> : vector<1024x128xf32>
    %dot_general3A_211 = tpu.matmul %add3A_179, %get3A_57, %dot_general3A_210 {dimension_numbers = #tpu.dot_dimension_numbers<[1], [0], [0], [1], [0, 0, 1, 1], [], []>, transpose_lhs_hint = false} : vector<1024x128xf32>, vector<128x128xf32>, vector<1024x128xf32> -> vector<1024x128xf32>
    %add3A_212 = arith.addf %add3A_201, %dot_general3A_211 : vector<1024x128xf32>
    %logistic3A_213 = arith.negf %add3A_212 : vector<1024x128xf32>
    %logistic3A_214 = math.exp %logistic3A_213 : vector<1024x128xf32>
    %logistic3A_215 = arith.constant 1.000000e+00 : f32
    %logistic3A_216 = vector.broadcast %logistic3A_215 : f32 to vector<1024x128xf32>
    %logistic3A_217 = arith.addf %logistic3A_216, %logistic3A_214 : vector<1024x128xf32>
    %logistic3A_218 = arith.divf %logistic3A_216, %logistic3A_217 : vector<1024x128xf32>
    %dot_general3A_219 = arith.constant dense<0.000000e+00> : vector<1024x128xf32>
    %dot_general3A_220 = tpu.matmul %add3A_179, %get3A_60, %dot_general3A_219 {dimension_numbers = #tpu.dot_dimension_numbers<[1], [0], [0], [1], [0, 0, 1, 1], [], []>, transpose_lhs_hint = false} : vector<1024x128xf32>, vector<128x128xf32>, vector<1024x128xf32> -> vector<1024x128xf32>
    %add3A_221 = arith.addf %add3A_205, %dot_general3A_220 : vector<1024x128xf32>
    %logistic3A_222 = arith.negf %add3A_221 : vector<1024x128xf32>
    %logistic3A_223 = math.exp %logistic3A_222 : vector<1024x128xf32>
    %logistic3A_224 = arith.constant 1.000000e+00 : f32
    %logistic3A_225 = vector.broadcast %logistic3A_224 : f32 to vector<1024x128xf32>
    %logistic3A_226 = arith.addf %logistic3A_225, %logistic3A_223 : vector<1024x128xf32>
    %logistic3A_227 = arith.divf %logistic3A_225, %logistic3A_226 : vector<1024x128xf32>
    %mul3A_228 = arith.mulf %add3A_179, %logistic3A_227 : vector<1024x128xf32>
    %dot_general3A_229 = arith.constant dense<0.000000e+00> : vector<1024x128xf32>
    %dot_general3A_230 = tpu.matmul %mul3A_228, %get3A_63, %dot_general3A_229 {dimension_numbers = #tpu.dot_dimension_numbers<[1], [0], [0], [1], [0, 0, 1, 1], [], []>, transpose_lhs_hint = false} : vector<1024x128xf32>, vector<128x128xf32>, vector<1024x128xf32> -> vector<1024x128xf32>
    %add3A_231 = arith.addf %add3A_209, %dot_general3A_230 : vector<1024x128xf32>
    %tanh3A_232 = math.tanh %add3A_231 : vector<1024x128xf32>
    %mul3A_233 = arith.mulf %logistic3A_218, %add3A_179 : vector<1024x128xf32>
    %sub3A_234 = arith.constant 1.000000e+00 : f32
    %sub3A_235 = vector.broadcast %sub3A_234 : f32 to vector<1024x128xf32>
    %sub3A_236 = arith.subf %sub3A_235, %logistic3A_218 : vector<1024x128xf32>
    %mul3A_237 = arith.mulf %sub3A_236, %tanh3A_232 : vector<1024x128xf32>
    %add3A_238 = arith.addf %mul3A_233, %mul3A_237 : vector<1024x128xf32>
    %get3A_239 = arith.constant 3 : index
    %get3A_240 = arith.constant 0 : index
    %get3A_241 = vector.load %arg3[%get3A_239, %get3A_240] : memref<4x1024xf32, #tpu.memory_space<vmem>>, vector<1x1024xf32>
    %get3A_242 = vector.shape_cast %get3A_241 : vector<1x1024xf32> to vector<1024xf32>
    %reshape3A_243 = vector.shape_cast %get3A_242 : vector<1024xf32> to vector<1024x1xf32>
    %get3A_244 = arith.constant 3 : index
    %get3A_245 = arith.constant 0 : index
    %get3A_246 = arith.constant 0 : index
    %get3A_247 = vector.load %arg1[%get3A_244, %get3A_245, %get3A_246] : memref<4x1024x128xf32, #tpu.memory_space<vmem>>, vector<1x1024x128xf32>
    %get3A_248 = vector.shape_cast %get3A_247 : vector<1x1024x128xf32> to vector<1024x128xf32>
    %get3A_249 = arith.constant 3 : index
    %get3A_250 = arith.constant 0 : index
    %get3A_251 = arith.constant 0 : index
    %get3A_252 = vector.load %arg2[%get3A_249, %get3A_250, %get3A_251] : memref<4x1024x128xf32, #tpu.memory_space<vmem>>, vector<1x1024x128xf32>
    %get3A_253 = vector.shape_cast %get3A_252 : vector<1x1024x128xf32> to vector<1024x128xf32>
    %add3A_254 = arith.addf %get3A_248, %get3A_253 : vector<1024x128xf32>
    %mul3A_255 = vector.broadcast %reshape3A_243 : vector<1024x1xf32> to vector<1024x128xf32>
    %mul3A_256 = arith.mulf %mul3A_255, %add3A_254 : vector<1024x128xf32>
    %dot_general3A_257 = arith.constant dense<0.000000e+00> : vector<1024x128xf32>
    %dot_general3A_258 = tpu.matmul %mul3A_256, %dot_general3A_5, %dot_general3A_257 {dimension_numbers = #tpu.dot_dimension_numbers<[1], [0], [0], [1], [0, 0, 1, 1], [], []>, transpose_lhs_hint = false} : vector<1024x128xf32>, vector<128x128xf32>, vector<1024x128xf32> -> vector<1024x128xf32>
    %add3A_259 = vector.broadcast %add3A : vector<1x128xf32> to vector<1024x128xf32>
    %add3A_260 = arith.addf %dot_general3A_258, %add3A_259 : vector<1024x128xf32>
    %dot_general3A_261 = arith.constant dense<0.000000e+00> : vector<1024x128xf32>
    %dot_general3A_262 = tpu.matmul %mul3A_256, %dot_general3A_13, %dot_general3A_261 {dimension_numbers = #tpu.dot_dimension_numbers<[1], [0], [0], [1], [0, 0, 1, 1], [], []>, transpose_lhs_hint = false} : vector<1024x128xf32>, vector<128x128xf32>, vector<1024x128xf32> -> vector<1024x128xf32>
    %add3A_263 = vector.broadcast %add3A_42 : vector<1x128xf32> to vector<1024x128xf32>
    %add3A_264 = arith.addf %dot_general3A_262, %add3A_263 : vector<1024x128xf32>
    %dot_general3A_265 = arith.constant dense<0.000000e+00> : vector<1024x128xf32>
    %dot_general3A_266 = tpu.matmul %mul3A_256, %dot_general3A_21, %dot_general3A_265 {dimension_numbers = #tpu.dot_dimension_numbers<[1], [0], [0], [1], [0, 0, 1, 1], [], []>, transpose_lhs_hint = false} : vector<1024x128xf32>, vector<128x128xf32>, vector<1024x128xf32> -> vector<1024x128xf32>
    %add3A_267 = vector.broadcast %add3A_54 : vector<1x128xf32> to vector<1024x128xf32>
    %add3A_268 = arith.addf %dot_general3A_266, %add3A_267 : vector<1024x128xf32>
    %dot_general3A_269 = arith.constant dense<0.000000e+00> : vector<1024x128xf32>
    %dot_general3A_270 = tpu.matmul %add3A_238, %get3A_57, %dot_general3A_269 {dimension_numbers = #tpu.dot_dimension_numbers<[1], [0], [0], [1], [0, 0, 1, 1], [], []>, transpose_lhs_hint = false} : vector<1024x128xf32>, vector<128x128xf32>, vector<1024x128xf32> -> vector<1024x128xf32>
    %add3A_271 = arith.addf %add3A_260, %dot_general3A_270 : vector<1024x128xf32>
    %logistic3A_272 = arith.negf %add3A_271 : vector<1024x128xf32>
    %logistic3A_273 = math.exp %logistic3A_272 : vector<1024x128xf32>
    %logistic3A_274 = arith.constant 1.000000e+00 : f32
    %logistic3A_275 = vector.broadcast %logistic3A_274 : f32 to vector<1024x128xf32>
    %logistic3A_276 = arith.addf %logistic3A_275, %logistic3A_273 : vector<1024x128xf32>
    %logistic3A_277 = arith.divf %logistic3A_275, %logistic3A_276 : vector<1024x128xf32>
    %dot_general3A_278 = arith.constant dense<0.000000e+00> : vector<1024x128xf32>
    %dot_general3A_279 = tpu.matmul %add3A_238, %get3A_60, %dot_general3A_278 {dimension_numbers = #tpu.dot_dimension_numbers<[1], [0], [0], [1], [0, 0, 1, 1], [], []>, transpose_lhs_hint = false} : vector<1024x128xf32>, vector<128x128xf32>, vector<1024x128xf32> -> vector<1024x128xf32>
    %add3A_280 = arith.addf %add3A_264, %dot_general3A_279 : vector<1024x128xf32>
    %logistic3A_281 = arith.negf %add3A_280 : vector<1024x128xf32>
    %logistic3A_282 = math.exp %logistic3A_281 : vector<1024x128xf32>
    %logistic3A_283 = arith.constant 1.000000e+00 : f32
    %logistic3A_284 = vector.broadcast %logistic3A_283 : f32 to vector<1024x128xf32>
    %logistic3A_285 = arith.addf %logistic3A_284, %logistic3A_282 : vector<1024x128xf32>
    %logistic3A_286 = arith.divf %logistic3A_284, %logistic3A_285 : vector<1024x128xf32>
    %mul3A_287 = arith.mulf %add3A_238, %logistic3A_286 : vector<1024x128xf32>
    %dot_general3A_288 = arith.constant dense<0.000000e+00> : vector<1024x128xf32>
    %dot_general3A_289 = tpu.matmul %mul3A_287, %get3A_63, %dot_general3A_288 {dimension_numbers = #tpu.dot_dimension_numbers<[1], [0], [0], [1], [0, 0, 1, 1], [], []>, transpose_lhs_hint = false} : vector<1024x128xf32>, vector<128x128xf32>, vector<1024x128xf32> -> vector<1024x128xf32>
    %add3A_290 = arith.addf %add3A_268, %dot_general3A_289 : vector<1024x128xf32>
    %tanh3A_291 = math.tanh %add3A_290 : vector<1024x128xf32>
    %mul3A_292 = arith.mulf %logistic3A_277, %add3A_238 : vector<1024x128xf32>
    %sub3A_293 = arith.constant 1.000000e+00 : f32
    %sub3A_294 = vector.broadcast %sub3A_293 : f32 to vector<1024x128xf32>
    %sub3A_295 = arith.subf %sub3A_294, %logistic3A_277 : vector<1024x128xf32>
    %mul3A_296 = arith.mulf %sub3A_295, %tanh3A_291 : vector<1024x128xf32>
    %add3A_297 = arith.addf %mul3A_292, %mul3A_296 : vector<1024x128xf32>
    %iota3A = tpu.iota {dimensions = array<i32: 0>} : vector<1024x128xi32>
    %mul3A_298 = arith.constant 1024 : i32
    %mul3A_299 = arith.muli %arg0, %mul3A_298 : i32
    %add3A_300 = vector.broadcast %mul3A_299 : i32 to vector<1024x128xi32>
    %add3A_301 = arith.addi %add3A_300, %iota3A : vector<1024x128xi32>
    %lt3A = arith.constant 10000 : i32
    %lt3A_302 = vector.broadcast %lt3A : i32 to vector<1024x128xi32>
    %lt3A_303 = arith.cmpi slt, %add3A_301, %lt3A_302 : vector<1024x128xi32>
    %jit3A = arith.constant 0.000000e+00 : f32
    %broadcast_in_dim3A_304 = vector.broadcast %jit3A : f32 to vector<1024x128xf32>
    %select_n3A = arith.select %lt3A_303, %add3A_297, %broadcast_in_dim3A_304 : vector<1024x128xi1>, vector<1024x128xf32>
    %reduce_sum3A = arith.constant dense<0.000000e+00> : vector<128xf32>
    %reduce_sum3A_305 = vector.multi_reduction <add>, %select_n3A, %reduce_sum3A [0] : vector<1024x128xf32> to vector<128xf32>
    %broadcast_in_dim3A_306 = vector.shape_cast %reduce_sum3A_305 : vector<128xf32> to vector<1x128xf32>
    %eq3A = arith.constant 0 : i32
    %eq3A_307 = arith.cmpi eq, %arg0, %eq3A : i32
    %convert_element_type3A = arith.extui %eq3A_307 : i1 to i32
    %cond3A = arith.constant 0 : i32
    %cond3A_308 = arith.cmpi ne, %convert_element_type3A, %cond3A : i32
    scf.if %cond3A_308 {
      %broadcast_in_dim3A_320 = arith.constant 0.000000e+00 : f32
      %broadcast_in_dim3A_321 = vector.broadcast %broadcast_in_dim3A_320 : f32 to vector<1x128xf32>
      %swap3A_322 = arith.constant 0 : index
      %swap3A_323 = arith.constant 0 : index
      %swap3A_324 = vector.load %arg19[%swap3A_322, %swap3A_323] : memref<1x128xf32, #tpu.memory_space<vmem>>, vector<1x128xf32>
      tpu.vector_store %arg19[%swap3A_322, %swap3A_323], %broadcast_in_dim3A_321 {strides = array<i32>} : memref<1x128xf32, #tpu.memory_space<vmem>>, vector<1x128xf32>,
    } else {
    }
    %get3A_309 = arith.constant 0 : index
    %get3A_310 = arith.constant 0 : index
    %get3A_311 = vector.load %arg19[%get3A_309, %get3A_310] : memref<1x128xf32, #tpu.memory_space<vmem>>, vector<1x128xf32>
    %add3A_312 = arith.addf %get3A_311, %broadcast_in_dim3A_306 : vector<1x128xf32>
    %swap3A = arith.constant 0 : index
    %swap3A_313 = arith.constant 0 : index
    %swap3A_314 = vector.load %arg19[%swap3A, %swap3A_313] : memref<1x128xf32, #tpu.memory_space<vmem>>, vector<1x128xf32>
    tpu.vector_store %arg19[%swap3A, %swap3A_313], %add3A_312 {strides = array<i32>} : memref<1x128xf32, #tpu.memory_space<vmem>>, vector<1x128xf32>,
    %eq3A_315 = arith.constant 9 : i32
    %eq3A_316 = arith.cmpi eq, %arg0, %eq3A_315 : i32
    %convert_element_type3A_317 = arith.extui %eq3A_316 : i1 to i32
    %cond3A_318 = arith.constant 0 : i32
    %cond3A_319 = arith.cmpi ne, %convert_element_type3A_317, %cond3A_318 : i32
    scf.if %cond3A_319 {
      %get3A_320 = arith.constant 0 : index
      %get3A_321 = arith.constant 0 : index
      %get3A_322 = vector.load %arg19[%get3A_320, %get3A_321] : memref<1x128xf32, #tpu.memory_space<vmem>>, vector<1x128xf32>
      %mul3A_323 = arith.constant 9.99999974E-5 : f32
      %mul3A_324 = vector.broadcast %mul3A_323 : f32 to vector<1x128xf32>
      %mul3A_325 = arith.mulf %get3A_322, %mul3A_324 : vector<1x128xf32>
      %get3A_326 = arith.constant 0 : index
      %get3A_327 = arith.constant 0 : index
      %get3A_328 = vector.load %arg16[%get3A_326, %get3A_327] : memref<128x128xf32, #tpu.memory_space<vmem>>, vector<128x128xf32>
      %dot_general3A_329 = arith.constant dense<0.000000e+00> : vector<1x128xf32>
      %dot_general3A_330 = tpu.matmul %mul3A_325, %get3A_328, %dot_general3A_329 {dimension_numbers = #tpu.dot_dimension_numbers<[1], [0], [0], [1], [0, 0, 1, 1], [], []>, transpose_lhs_hint = false} : vector<1x128xf32>, vector<128x128xf32>, vector<1x128xf32> -> vector<1x128xf32>
      %get3A_331 = arith.constant 0 : index
      %get3A_332 = vector.load %arg17[%get3A_331] : memref<128xf32, #tpu.memory_space<vmem>>, vector<128xf32>
      %reshape3A_333 = vector.shape_cast %get3A_332 : vector<128xf32> to vector<1x128xf32>
      %add3A_334 = arith.addf %dot_general3A_330, %reshape3A_333 : vector<1x128xf32>
      %reshape3A_335 = vector.shape_cast %add3A_334 : vector<1x128xf32> to vector<128xf32>
      %swap3A_336 = arith.constant 0 : index
      %swap3A_337 = vector.load %arg18[%swap3A_336] : memref<128xf32, #tpu.memory_space<vmem>>, vector<128xf32>
      tpu.vector_store %arg18[%swap3A_336], %reshape3A_335 {strides = array<i32>} : memref<128xf32, #tpu.memory_space<vmem>>, vector<128xf32>,
    } else {
    }
    return
  }
  func.func @transform_0(%arg0: i32) -> (i32, i32, i32) {
    %c0_i32 = arith.constant 0 : i32
    %c0_i32_0 = arith.constant 0 : i32
    %c0_i32_1 = arith.constant 0 : i32
    return %c0_i32, %arg0, %c0_i32_0 : i32, i32, i32
  }
  func.func @transform_1(%arg0: i32) -> (i32, i32, i32) {
    %c0_i32 = arith.constant 0 : i32
    %c0_i32_0 = arith.constant 0 : i32
    %c0_i32_1 = arith.constant 0 : i32
    return %c0_i32, %arg0, %c0_i32_0 : i32, i32, i32
  }
  func.func @transform_2(%arg0: i32) -> (i32, i32) {
    %c0_i32 = arith.constant 0 : i32
    %c0_i32_0 = arith.constant 0 : i32
    return %c0_i32, %arg0 : i32, i32
  }
  func.func @transform_3(%arg0: i32) -> (i32, i32) {
    %c0_i32 = arith.constant 0 : i32
    %c0_i32_0 = arith.constant 0 : i32
    %c0_i32_1 = arith.constant 0 : i32
    return %c0_i32, %c0_i32_0 : i32, i32
  }
  func.func @transform_4(%arg0: i32) -> i32 {
    %c0_i32 = arith.constant 0 : i32
    %c0_i32_0 = arith.constant 0 : i32
    return %c0_i32 : i32
  }
  func.func @transform_5(%arg0: i32) -> (i32, i32) {
    %c0_i32 = arith.constant 0 : i32
    %c0_i32_0 = arith.constant 0 : i32
    %c0_i32_1 = arith.constant 0 : i32
    return %c0_i32, %c0_i32_0 : i32, i32
  }
  func.func @transform_6(%arg0: i32) -> i32 {
    %c0_i32 = arith.constant 0 : i32
    %c0_i32_0 = arith.constant 0 : i32
    return %c0_i32 : i32
  }
  func.func @transform_7(%arg0: i32) -> (i32, i32) {
    %c0_i32 = arith.constant 0 : i32
    %c0_i32_0 = arith.constant 0 : i32
    %c0_i32_1 = arith.constant 0 : i32
    return %c0_i32, %c0_i32_0 : i32, i32
  }
  func.func @transform_8(%arg0: i32) -> i32 {
    %c0_i32 = arith.constant 0 : i32
    %c0_i32_0 = arith.constant 0 : i32
    return %c0_i32 : i32
  }
  func.func @transform_9(%arg0: i32) -> (i32, i32) {
    %c0_i32 = arith.constant 0 : i32
    %c0_i32_0 = arith.constant 0 : i32
    %c0_i32_1 = arith.constant 0 : i32
    return %c0_i32, %c0_i32_0 : i32, i32
  }
  func.func @transform_10(%arg0: i32) -> i32 {
    %c0_i32 = arith.constant 0 : i32
    %c0_i32_0 = arith.constant 0 : i32
    return %c0_i32 : i32
  }
  func.func @transform_11(%arg0: i32) -> (i32, i32) {
    %c0_i32 = arith.constant 0 : i32
    %c0_i32_0 = arith.constant 0 : i32
    %c0_i32_1 = arith.constant 0 : i32
    return %c0_i32, %c0_i32_0 : i32, i32
  }
  func.func @transform_12(%arg0: i32) -> i32 {
    %c0_i32 = arith.constant 0 : i32
    %c0_i32_0 = arith.constant 0 : i32
    return %c0_i32 : i32
  }
  func.func @transform_13(%arg0: i32) -> (i32, i32) {
    %c0_i32 = arith.constant 0 : i32
    %c0_i32_0 = arith.constant 0 : i32
    %c0_i32_1 = arith.constant 0 : i32
    return %c0_i32, %c0_i32_0 : i32, i32
  }
  func.func @transform_14(%arg0: i32) -> i32 {
    %c0_i32 = arith.constant 0 : i32
    %c0_i32_0 = arith.constant 0 : i32
    return %c0_i32 : i32
  }
  func.func @transform_15(%arg0: i32) -> (i32, i32) {
    %c0_i32 = arith.constant 0 : i32
    %c0_i32_0 = arith.constant 0 : i32
    %c0_i32_1 = arith.constant 0 : i32
    return %c0_i32, %c0_i32_0 : i32, i32
  }
  func.func @transform_16(%arg0: i32) -> i32 {
    %c0_i32 = arith.constant 0 : i32
    %c0_i32_0 = arith.constant 0 : i32
    return %c0_i32 : i32
  }
  func.func @transform_17(%arg0: i32) -> i32 {
    %c0_i32 = arith.constant 0 : i32
    %c0_i32_0 = arith.constant 0 : i32
    return %c0_i32 : i32
  }
}

</mosaic_0001>

<sc_bundles>
// kernel: kernel.6.cloned.1.call-start
scs
__scs_entry_jumppad:
0x0: {  	(pc) =	sbr.rel $0x88, $3  }
0x1: {  	(tag) =	ssettag $0x0;
	lr =	simm.s32 $0x1  }
0x2: {  	[smem:$0x3F91] =	sst lr;
	_ =	strace $0xD0000000  }
0x3: {  	_ = 	snop  }
0x4: {  	_ = 	snop  }
0x5: {  	_ = 	snop  }
0x6: {  	_ = 	snop  }
0x7: {  	_ = 	snop  }
__scs_overlays_trampoline_lowered:
0x8: {  	[smem:$0x3FA0] =	sst s0  }
0x9: {  	[smem:$0x3FA1] =	sst s1  }
0xa: {  	[smem:$0x3FA2] =	sst s2  }
0xb: {  	[smem:$0x3FA3] =	sst s3  }
0xc: {  	[smem:$0x3FA4] =	sst s4  }
0xd: {  	[smem:$0x3FA5] =	sst s5  }
0xe: {  	[smem:$0x3FA6] =	sst s6  }
0xf: {  	[smem:$0x3FA7] =	sst s7  }
0x10: {  	[smem:$0x3FA8] =	sst s8  }
0x11: {  	[smem:$0x3FA9] =	sst s9;
	s0 =	simm.s32 @!p0 $0x0  }
0x12: {  	s1 =	sld [smem:$0x3F8F];
	s0 =	simm.s32 @p0 $0x1  }
0x13: {  	[smem:$0x3FAA] =	sst s0;
	s0 =	simm.s32 @!p1 $0x0  }
0x14: {  	s2 =	sld [smem:$0x3F8E];
	s0 =	simm.s32 @p1 $0x1  }
0x15: {  	[smem:$0x3FAB] =	sst s0;
	s0 =	simm.s32 @!p2 $0x0  }
0x16: {  	s3 =	sld [smem:$0x3FDB];
	s0 =	simm.s32 @p2 $0x1  }
0x17: {  	s4 =	simm.s32 $0x1BF5;
	[smem:$0x3FAD] =	sst s0  }
0x18: {  	s0 =	sld [smem:$0x3F90];
	_ =	swait.ge [sflag:s4], $0x0  }
0x19: {  	s7 =	sld [smem:$0x3F91]  }
0x1a: {  	s8 =	sadd.s32 $0xFFFFE003, lr  }
0x1b: {  	s9 =	sadd.s32 $0xFFFFFEF7, lr;
	s5 =	simm.s32 $0xFFFFFFFF;
	p2 =	slt.u32 s8, $0xFFFFF086  }
0x1c: {  	p1 =	slt.u32 s9, $0xF7A;
	s5 =	simm.s32 @!p2 $0x0  }
0x1d: {  	s5 =	simm.s32 @p1 $0x1;
	p0 =	seq.s32 s7, s2  }
0x1e: {  	s7 =	smul.u32 @!p0 $0xF7A, s2;
	p2 =	seq.s32 @!p0 s5, $0x0  }
0x1f: {  	s9 =	smul.u32 $0xF7A, s1;
	s8 =	simm.s32 @!p0 $0x1BF5;
	p2 =	por !p2, p0  }
0x20: {  	[sflag:s8] =	ssyncset.s32 @!p0 $0xFFFFF086;
	s6 =	sadd.s32 @!p0 s3, s7;
	s7 =	simm.s32 @!p0 $0x108  }
0x21: {  	s3 =	sadd.s32 s3, s9;
	s6 =	sadd.s32 @!p0 $0x88, s6;
	s7 =	simm.s32 @p2 $0x1082  }
0x22: {  	[simem:s7], [sflag:s8] =	dma.local @!p0 [hbm:s6], $0xF7A  }
0x23: {  	s9 =	sor.u32 $0xD0000000, s2;
	s6 =	simm.s32 $0x108;
	_ =	swait.ge @!p0 [sflag:s8], $0x0  }
0x24: {  	s3 =	sadd.s32 $0x88, s3;
	s6 =	simm.s32 @!p1 $0x1082;
	[sflag:s4] =	ssyncset.s32 $0xFFFFF086  }
0x25: {  	[simem:s6], [sflag:s4] =	dma.local [hbm:s3], $0xF7A  }
0x26: {  	[smem:$0x3F91] =	sst s1;
	(tag) =	ssettag s2;
	_ =	strace s9  }
0x27: {  	s1 =	sld [smem:$0x3FA1]  }
0x28: {  	s2 =	sld [smem:$0x3FA2]  }
0x29: {  	s4 =	sld [smem:$0x3FA4]  }
0x2a: {  	p0 =	seq.s32 s5, $0x0;
	s5 =	sld [smem:$0x3FA5]  }
0x2b: {  	s6 =	sld [smem:$0x3FA6]  }
0x2c: {  	s7 =	sld [smem:$0x3FA7]  }
0x2d: {  	s3 =	simm.s32 $0x108;
	s8 =	sld [smem:$0x3FA8]  }
0x2e: {  	s3 =	simm.s32 @!p0 $0x1082;
	s9 =	sld [smem:$0x3FA9]  }
0x2f: {  	lr =	sadd.s32 s0, s3;
	s0 =	sld [smem:$0x3FA0]  }
0x30: {  	s3 =	sld [smem:$0x3FA3]  }
0x31: {  	[smem:$0x3FAC] =	sst s10  }
0x32: {  	s10 =	sld [smem:$0x3FAA];
	_ =	sdelay $0x3  }
0x33: {  	p0 =	seq.s32 s10, $0x1;
	s10 =	sld [smem:$0x3FAC];
	_ =	sdelay $0x3  }
0x34: {  	[smem:$0x3FAC] =	sst s10  }
0x35: {  	s10 =	sld [smem:$0x3FAB];
	_ =	sdelay $0x3  }
0x36: {  	p1 =	seq.s32 s10, $0x1;
	s10 =	sld [smem:$0x3FAC];
	_ =	sdelay $0x3  }
0x37: {  	[smem:$0x3FAC] =	sst s10  }
0x38: {  	s10 =	sld [smem:$0x3FAD]  }
0x39: {  	_ = 	snop;
	(pc) =	sbr.ind lr, $3  }
0x3a: {  	_ = 	snop  }
0x3b: {  	_ = 	snop  }
0x3c: {  	p2 =	seq.s32 s10, $0x1;
	s10 =	sld [smem:$0x3FAC]  }
0x3d: {  	_ =	shalt  }
0x3e: {  	_ =	shalt  }
0x3f: {  	_ =	shalt  }
0x40: {  	_ =	shalt  }
0x41: {  	_ =	shalt  }
0x42: {  	_ =	shalt  }
0x43: {  	_ =	shalt  }
0x44: {  	_ =	shalt  }
0x45: {  	_ =	shalt  }
0x46: {  	_ =	shalt  }
0x47: {  	_ =	shalt  }
0x48: {  	_ =	shalt  }
0x49: {  	_ =	shalt  }
0x4a: {  	_ =	shalt  }
0x4b: {  	_ =	shalt  }
0x4c: {  	_ =	shalt  }
0x4d: {  	_ =	shalt  }
0x4e: {  	_ =	shalt  }
0x4f: {  	_ =	shalt  }
0x50: {  	_ =	shalt  }
0x51: {  	_ =	shalt  }
0x52: {  	_ =	shalt  }
0x53: {  	_ =	shalt  }
0x54: {  	_ =	shalt  }
0x55: {  	_ =	shalt  }
0x56: {  	_ =	shalt  }
0x57: {  	_ =	shalt  }
0x58: {  	_ =	shalt  }
0x59: {  	_ =	shalt  }
0x5a: {  	_ =	shalt  }
0x5b: {  	_ =	shalt  }
0x5c: {  	_ =	shalt  }
0x5d: {  	_ =	shalt  }
0x5e: {  	_ =	shalt  }
0x5f: {  	_ =	shalt  }
0x60: {  	_ =	shalt  }
0x61: {  	_ =	shalt  }
0x62: {  	_ =	shalt  }
0x63: {  	_ =	shalt  }
0x64: {  	_ =	shalt  }
0x65: {  	_ =	shalt  }
0x66: {  	_ =	shalt  }
0x67: {  	_ =	shalt  }
0x68: {  	_ =	shalt  }
0x69: {  	_ =	shalt  }
0x6a: {  	_ =	shalt  }
0x6b: {  	_ =	shalt  }
0x6c: {  	_ =	shalt  }
0x6d: {  	_ =	shalt  }
0x6e: {  	_ =	shalt  }
0x6f: {  	_ =	shalt  }
0x70: {  	_ =	shalt  }
0x71: {  	_ =	shalt  }
0x72: {  	_ =	shalt  }
0x73: {  	_ =	shalt  }
0x74: {  	_ =	shalt  }
0x75: {  	_ =	shalt  }
0x76: {  	_ =	shalt  }
0x77: {  	_ =	shalt  }
0x78: {  	_ =	shalt  }
0x79: {  	_ =	shalt  }
0x7a: {  	_ =	shalt  }
0x7b: {  	_ =	shalt  }
0x7c: {  	_ =	shalt  }
0x7d: {  	_ =	shalt  }
0x7e: {  	_ =	shalt  }
0x7f: {  	_ =	shalt  }
0x80: {  	_ =	shalt  }
0x81: {  	_ =	shalt  }
0x82: {  	_ =	shalt  }
0x83: {  	_ =	shalt  }
0x84: {  	_ =	shalt  }
0x85: {  	_ =	shalt  }
0x86: {  	_ =	shalt  }
0x87: {  	_ =	shalt  }
.Lfunc_end0:
.L_simem_size_0:
called_computation_lowered:
.L_overlay_start_0:
0x88: {  	s2 =	sld [smem:$0x3FD9]  }
0x89: {  	s3 =	sld [smem:$0x3FFE];
	_ =	sdelay $0x1  }
0x8a: {  	s1 =	srdreg.scid  }
0x8b: {  	s0 =	sand.u32 $0x1, s1  }
0x8c: {  	s16 =	sshll.u32 s0, $0xA;
	s2 =	sadd.s32 s3, s2  }
0x8d: {  	s2 =	sadd.s32 s2, s16  }
0x8e: {  	[smem:$0x3FB8] =	sst s2  }
0x8f: {  	_ = 	snop  }
0x90: {  	(tm) =	ssettm $0x1  }
0x91: {  	s17 =	sld [smem:$0x3FFB];
	_ =	sdelay $0x3  }
0x92: {  	_ =	strace s17  }
0x93: {  	s2 =	sld [smem:$0x3FFC];
	_ =	sdelay $0x3  }
0x94: {  	_ =	strace s2  }
0x95: {  	s2 =	sld [smem:$0x3FFD];
	_ =	sdelay $0x3  }
0x96: {  	_ =	strace s2  }
0x97: {  	_ =	strace $0x8FFFFFFF  }
0x98: {  	s18 =	sld [smem:$0x3FDB];
	_ =	sdelay $0x1  }
0x99: {  	s19 =	simm.s32 $_scs_section_size  }
0x9a: {  	s4 =	simm.s32 $_size__tile_overlayer_lowered;
	s5 =	simm.s32 $_tile_overlayer_lowered  }
0x9b: {  	s22 =	simm.s32 $0x1BFF;
	s21 =	sshll.u32 s5, $0x1;
	s2 =	sadd.s32 s19, s18  }
0x9c: {  	s6 =	simm.s32 $0x0;
	s20 =	sshll.u32 s4, $0x1;
	s4 =	sadd.s32 s21, s2  }
0x9d: {  	[timem:s6], [sflag:s22] =	dma.local [hbm:s4], s20  }
0x9e: {  	_ =	swait.ge [sflag:s22], s20  }
0x9f: {  	s3 =	ssub.s32 $0x0, s20;
	[sflag:s22] =	ssyncset.done $0x0  }
0xa0: {  	[sflag:s22] =	ssyncadd.s32 s3;
	_ =	sdelay $0x1  }
0xa1: {  	s23 =	simm.s32 $0x1B8B  }
0xa2: {  	_ =	swait.ge [sflag:s23], $0x1  }
0xa3: {  	[sflag:s23] =	ssyncset.done $0x0  }
0xa4: {  	s25 =	simm.s32 $0x1B8E;
	s24 =	sld [smem:$0x3FFE];
	[sflag:s23] =	ssyncadd.s32 $0xFFFFFFFF  }
0xa5: {  	s26 =	simm.s32 $execute0_lowered;
	[smem:$0x3FD2] =	sst s25  }
0xa6: {  	s4 =	sshll.u32 s26, $0x1;
	_ =	strace $0x80000046;
	[dreg:$0x1] =	wrdreg $0xFFFFFFFF  }
0xa7: {  	s28 =	simm.s32 $_size_execute0_lowered;
	s2 =	sadd.s32 s2, s4;
	[dreg:$0x0] =	wrdreg $0x0  }
0xa8: {  	s4 =	sshll.u32 s28, $0x1;
	[dreg:$0x2] =	wrdreg s2  }
0xa9: {  	[dreg:$0x3] =	wrdreg s4  }
0xaa: {  	[dreg:$0x4] =	wrdreg $0xC0  }
0xab: {  	_ =	task [dreg:s6], $0x5FFFF  }
0xac: {  	[dreg:$0x1] =	wrdreg $0xFFFFFFFF  }
0xad: {  	[dreg:$0x0] =	wrdreg $0x60  }
0xae: {  	[dreg:$0x2] =	wrdreg s24  }
0xaf: {  	[dreg:$0x3] =	wrdreg $0x0  }
0xb0: {  	[dreg:$0x4] =	wrdreg $0x9  }
0xb1: {  	_ =	task.clear_ibuf [dreg:s6], $0x5FFFF;
	_ =	strace $0x90000046  }
0xb2: {  	s29 =	simm.s32 $0x9;
	_ =	strace $0x80000048  }
0xb3: {  	_ =	swait.ge [sflag:s29], $0x1  }
0xb4: {  	[sflag:s29] =	ssyncadd.s32 $0xFFFFFFFF  }
0xb5: {  	_ =	strace $0x90000048  }
0xb6: {  	_ =	sfence  }
0xb7: {  	s30 =	sld [smem:$0x0];
	_ =	sdelay $0x2  }
0xb8: {  	s31 =	sshll.u32 s1, $0xD;
	s1 =	sshrl.u32 s1, $0x2  }
0xb9: {  	s3 =	sand.u32 $0x4000, s31;
	s1 =	sadd.s32 s1, s30  }
0xba: {  	s0 =	sor.u32 s3, s0;
	s1 =	sshll.u32 s1, $0x11  }
0xbb: {  	s0 =	sor.u32 s1, s0  }
0xbc: {  	s0 =	sadd.s32 $0x8F2B, s0  }
0xbd: {  	[sflag:s0] =	ssyncadd.remote.s32 $0x1  }
0xbe: {  	_ =	sfence.sel $0xFFFF  }
0xbf: {  	[dreg:$0x0] =	wrdreg $0xFFFFFFFF;
	(pc) =	sbr.abs _section_cstart, $3  }
0xc0: {  	[dreg:$0x1] =	wrdreg $0xFFFFFFFF  }
0xc1: {  	_ =	task.clear_ibuf [dreg:s6], $0x2FFFF;
	_ =	strace $0x9FFFFFFF  }
0xc2: {  	(tm) =	ssettm $0x7FFFFFFF  }
0xc3: {  	_ =	shalt  }
tec
execute0_lowered:
.L_overlay_start_1:
0x0: {  	(tag) =	ssettag $0x1  }
0x1: {  	s5 =	rddreg [dreg:$0x0]  }
0x2: {  	s2 =	rddreg [dreg:$0x1]  }
0x3: {  	s0 =	rddreg [dreg:$0x2]  }
0x4: {  	s3 =	simm.s32 $0x0;
	s1 =	stileid.u32;
	s4 =	srdreg.scid  }
0x5: {  	s15 =	simm.s32 $0x500;
	s16 =	simm.s32 $0x580;
	s17 =	simm.s32 $0x80  }
0x6: {  	s18 =	simm.s32 $0x600;
	s19 =	simm.s32 $0x2;
	s20 =	simm.s32 $0x1  }
0x7: {  	s21 =	simm.s32 $0x40;
	s22 =	simm.s32 $0x10;
	[smem:$0x7FF] =	sst s3  }
0x8: {  	s6 =	smul.u32 $0x500, s1;
	s7 =	sand.u32 $0x1, s4;
	s23 =	sand.u32 $0x7, s1  }
0x9: {  	s8 =	sshll.u32 s1, $0x4;
	s4 =	sadd.s32 $0x3800, s5;
	s12 =	smul.u32 $0x13900, s1  }
0xa: {  	s28 =	sshll.u32 s1, $0x6;
	_ =	strace $0x80000047;
	s9 =	smul.u32 $0x1400, s23  }
0xb: {  	s10 =	sshll.u32 s7, $0x8;
	s8 =	sand.u32 $0x80, s8;
	s25 =	ssub.s32 $0x2, s7  }
0xc: {  	s7 =	sshll.u32 s7, $0x7;
	s23 =	simm.s32 $0x0;
	s11 =	sshrl.u32 s6, $0x3  }
0xd: {  	s8 =	sor.u32 s10, s8;
	s26 =	sshrl.u32 s25, $0x1;
	s14 =	sadd.s32 s6, s2  }
0xe: {  	s12 =	sor.u32 s7, s12;
	s6 =	sor.u32 $0x1C03, s28;
	s24 =	sadd.s32 s11, s5  }
0xf: {  	s8 =	sor.u32 s9, s8;
	s11 =	ssub.s32 s25, s26;
	s7 =	sshrl.u32 s12, $0x3  }
0x10: {  	s29 =	sadd.s32 $0x13800, s12;
	s30 =	sadd.s32 $0x100, s12;
	s8 =	sshrl.u32 s8, $0x3  }
0x11: {  	s7 =	sadd.s32 s4, s7;
	s10 =	smax.u32 s11, $0x1;
	s11 =	sadd.s32 $0x200, s12  }
0x12: {  	s31 =	sshrl.u32 s30, $0x3;
	s13 =	sadd.s32 s8, s5;
	s8 =	sshrl.u32 s29, $0x3  }
0x13: {  	s5 =	sadd.s32 $0x2AA00, s24;
	s12 =	sadd.s32 s31, s4;
	s8 =	sadd.s32 s4, s8  }
0x14: {  	v0 =	vimm.f32 $1.000000000e+00;
	s9 =	sadd.s32 $0x2B400, s13;
	s13 =	sshrl.u32 s14, $0x3;
	s14 =	simm.s32 $0x3  }
.LBB2_1:
0x15: {  	[tilespmem:$0x600] =	vst v0  }
0x16: {  	[tilespmem:$0x610] =	vst v0  }
0x17: {  	[tilespmem:$0x620] =	vst v0  }
0x18: {  	[tilespmem:$0x630] =	vst v0  }
0x19: {  	[tilespmem:$0x640] =	vst v0  }
0x1a: {  	[tilespmem:$0x650] =	vst v0  }
0x1b: {  	[tilespmem:$0x660] =	vst v0  }
0x1c: {  	[tilespmem:$0x670] =	vst v0  }
0x1d: {  	[spmem:s13], [sflag:s6] =	dma.local [hbm:s5], $0xA0  }
0x1e: {  	_ =	swait.ge [sflag:s14], $0xA0  }
0x1f: {  	[sflag:s14] =	ssyncset.done $0x0  }
0x20: {  	[sflag:s14] =	ssyncadd.s32 $0xFFFFFF60  }
0x21: {  	[bflag:$0x0] =	sbarrier.arrive $0xFFFF  }
0x22: {  	[tilespmem:s15], [sflag:$0x3] =	stream.linear.gather [hbm4b:s7+s3], $0x80, $0x38;
	[tilespmem:$0x680] =	vst v63  }
0x23: {  	_ =	swait.ge [sflag:s14], $0x80  }
0x24: {  	[sflag:s14] =	ssyncset.done $0x0  }
0x25: {  	s24 =	sadd.s32 $0x0, s12;
	[sflag:s14] =	ssyncadd.s32 $0xFFFFFF80  }
0x26: {  	[tilespmem:s16], [sflag:$0x2] =	stream.linear.gather [hbm4b:s24+s3], $0x80, $0x38;
	[tilespmem:$0x680] =	vst v63  }
0x27: {  	_ = 	snop  }
0x28: {  	[spmem:s2] =	stream.indirect.scatter.add.f32 [tilespmem:s18], [sflag:$0x3], $0x1, s15, s17, $0xb8;
	[tilespmem:$0x680] =	vst v63  }
0x29: {  	_ =	swait.ge [sflag:s14], $0x80  }
0x2a: {  	s31 =	sshrl.u32 s11, $0x3;
	[sflag:s14] =	ssyncset.done $0x0  }
0x2b: {  	s24 =	sadd.s32 s4, s31;
	[sflag:s14] =	ssyncadd.s32 $0xFFFFFF80  }
0x2c: {  	[tilespmem:s15], [sflag:$0x1] =	stream.linear.gather [hbm4b:s24+s3], $0x80, $0x38;
	[tilespmem:$0x680] =	vst v63  }
0x2d: {  	_ =	swait.ge [sflag:s19], $0x80  }
0x2e: {  	[sflag:s19] =	ssyncset.done $0x0  }
0x2f: {  	[sflag:s19] =	ssyncadd.s32 $0xFFFFFF80  }
0x30: {  	[spmem:s2] =	stream.indirect.scatter.add.f32 [tilespmem:s18], [sflag:$0x3], $0x1, s16, s17, $0xb8;
	[tilespmem:$0x680] =	vst v63  }
0x31: {  	_ =	swait.ge [sflag:s14], $0x80  }
0x32: {  	[sflag:s14] =	ssyncset.done $0x0  }
0x33: {  	[sflag:s14] =	ssyncadd.s32 $0xFFFFFF80  }
0x34: {  	s25 =	simm.s32 $0x40;
	_ =	swait.ge [sflag:s20], $0x80  }
0x35: {  	s26 =	simm.s32 $0x80;
	s24 =	sadd.s32 $0x200, s11;
	[sflag:s20] =	ssyncset.done $0x0  }
.LBB2_2:
0x36: {  	s28 =	sadd.s32 s25, s12  }
0x37: {  	[sflag:s20] =	ssyncadd.s32 $0xFFFFFF80;
	s25 =	smov.u32 s26;
	s29 =	sadd.s32 $0x40, s26  }
0x38: {  	[tilespmem:s16], [sflag:$0x2] =	stream.linear.gather [hbm4b:s28+s3], $0x80, $0x38;
	[tilespmem:$0x680] =	vst v63  }
0x39: {  	p0 =	sne.s32 s26, $0x2680  }
0x3a: {  	[spmem:s2] =	stream.indirect.scatter.add.f32 [tilespmem:s18], [sflag:$0x3], $0x1, s15, s17, $0xb8;
	[tilespmem:$0x680] =	vst v63  }
0x3b: {  	_ =	swait.ge [sflag:s14], $0x80  }
0x3c: {  	s26 =	sshrl.u32 s24, $0x3;
	[sflag:s14] =	ssyncset.done $0x0  }
0x3d: {  	s26 =	sadd.s32 s4, s26;
	[sflag:s14] =	ssyncadd.s32 $0xFFFFFF80  }
0x3e: {  	[tilespmem:s15], [sflag:$0x1] =	stream.linear.gather [hbm4b:s26+s3], $0x80, $0x38;
	[tilespmem:$0x680] =	vst v63  }
0x3f: {  	_ =	swait.ge [sflag:s19], $0x80  }
0x40: {  	[sflag:s19] =	ssyncset.done $0x0  }
0x41: {  	[sflag:s19] =	ssyncadd.s32 $0xFFFFFF80  }
0x42: {  	[spmem:s2] =	stream.indirect.scatter.add.f32 [tilespmem:s18], [sflag:$0x3], $0x1, s16, s17, $0xb8;
	[tilespmem:$0x680] =	vst v63  }
.Ltmp0:
0x43: {  	_ =	swait.ge [sflag:s14], $0x80;
	(pc) =	sbr.rel @p0 .LBB2_2-.Ltmp0, $4  }
0x44: {  	[sflag:s14] =	ssyncset.done $0x0  }
0x45: {  	[sflag:s14] =	ssyncadd.s32 $0xFFFFFF80  }
0x46: {  	_ =	swait.ge [sflag:s20], $0x80  }
0x47: {  	s24 =	sadd.s32 $0x200, s24;
	s26 =	smov.u32 s29;
	[sflag:s20] =	ssyncset.done $0x0  }
0x48: {  	s25 =	sadd.s32 s25, s12;
	[sflag:s20] =	ssyncadd.s32 $0xFFFFFF80  }
0x49: {  	[tilespmem:s16], [sflag:$0x2] =	stream.linear.gather [hbm4b:s25+s3], $0x80, $0x38;
	[tilespmem:$0x680] =	vst v63  }
0x4a: {  	_ = 	snop  }
0x4b: {  	[spmem:s2] =	stream.indirect.scatter.add.f32 [tilespmem:s18], [sflag:$0x3], $0x1, s15, s17, $0xb8;
	[tilespmem:$0x680] =	vst v63  }
0x4c: {  	_ =	swait.ge [sflag:s14], $0x80  }
0x4d: {  	s24 =	sshrl.u32 s24, $0x3;
	[sflag:s14] =	ssyncset.done $0x0  }
0x4e: {  	s24 =	sadd.s32 s4, s24;
	[sflag:s14] =	ssyncadd.s32 $0xFFFFFF80  }
0x4f: {  	[tilespmem:s15], [sflag:$0x1] =	stream.linear.gather [hbm4b:s24+s3], $0x80, $0x38;
	[tilespmem:$0x680] =	vst v63  }
0x50: {  	_ =	swait.ge [sflag:s19], $0x80  }
0x51: {  	[sflag:s19] =	ssyncset.done $0x0  }
0x52: {  	[sflag:s19] =	ssyncadd.s32 $0xFFFFFF80  }
0x53: {  	[spmem:s2] =	stream.indirect.scatter.add.f32 [tilespmem:s18], [sflag:$0x3], $0x1, s16, s17, $0xb8;
	[tilespmem:$0x680] =	vst v63  }
0x54: {  	_ =	swait.ge [sflag:s14], $0x80  }
0x55: {  	[sflag:s14] =	ssyncset.done $0x0  }
0x56: {  	[sflag:s14] =	ssyncadd.s32 $0xFFFFFF80  }
0x57: {  	_ =	swait.ge [sflag:s20], $0x80  }
0x58: {  	[sflag:s20] =	ssyncset.done $0x0  }
0x59: {  	[sflag:s20] =	ssyncadd.s32 $0xFFFFFF80  }
0x5a: {  	[tilespmem:s16], [sflag:$0x2] =	stream.linear.gather [hbm4b:s8+s3], $0x80, $0x38;
	[tilespmem:$0x680] =	vst v63  }
0x5b: {  	_ = 	snop  }
0x5c: {  	[spmem:s2] =	stream.indirect.scatter.add.f32 [tilespmem:s18], [sflag:$0x3], $0x1, s15, s17, $0xb8;
	[tilespmem:$0x680] =	vst v63  }
0x5d: {  	_ =	swait.ge [sflag:s14], $0x80  }
0x5e: {  	[sflag:s14] =	ssyncset.done $0x0  }
0x5f: {  	[sflag:s14] =	ssyncadd.s32 $0xFFFFFF80  }
0x60: {  	_ =	swait.ge [sflag:s19], $0x80  }
0x61: {  	[sflag:s19] =	ssyncset.done $0x0  }
0x62: {  	[sflag:s19] =	ssyncadd.s32 $0xFFFFFF80  }
0x63: {  	[spmem:s2] =	stream.indirect.scatter.add.f32 [tilespmem:s18], [sflag:$0x3], $0x1, s16, s17, $0xb8;
	[tilespmem:$0x680] =	vst v63  }
0x64: {  	_ =	swait.ge [sflag:s14], $0x80  }
0x65: {  	s23 =	sadd.s32 $0x1, s23;
	[sflag:s14] =	ssyncset.done $0x0  }
0x66: {  	p0 =	sne.s32 s23, s10;
	[sflag:s14] =	ssyncadd.s32 $0xFFFFFF80  }
.Ltmp1:
0x67: {  	[bflag:$0x0] =	sbarrier.arrive $0xFFFF;
	(pc) =	sbr.rel @p0 .LBB2_1-.Ltmp1, $4  }
0x68: {  	[hbm:s9@s21], [sflag:s6] =	dma.strided [spmem:s13@s22], $0xA0, s20, $0x10   }
0x69: {  	_ =	swait.ge [sflag:s14], $0xA0  }
0x6a: {  	[sflag:s14] =	ssyncset.done $0x0  }
0x6b: {  	[sflag:s14] =	ssyncadd.s32 $0xFFFFFF60  }
0x6c: {  	_ =	sfence.sel $0x180000  }
0x6d: {  	[bflag:$0x0] =	sbarrier.arrive $0xFFFF  }
0x6e: {  	p0 =	sne.s32 s1, $0x0;
	_ =	strace $0x90000047  }
0x6f: {  	s0 =	sadd.s32 @!p0 $0x100000, s0;
	[bflag:$0x2] =	sbarrier.arrive $0xFFFF  }
0x70: {  	[sflag:s0] =	ssyncadd.tile.s32 @!p0 $0x1;
	_ =	shalt  }
.Lfunc_end2:
_tile_overlayer_lowered:
.L_overlay_start_2:
0x71: {  	(tag) =	ssettag $0x2  }
0x72: {  	s0 =	rddreg [dreg:$0x0];
	s2 =	stileid.u32  }
0x73: {  	s1 =	rddreg [dreg:$0x1];
	p0 =	sne.s32 s2, $0x0  }
0x74: {  	s3 =	rddreg [dreg:$0x2];
	[bflag:$0x3] =	sbarrier.arrive $0xFFFF;
	s2 =	simm.s32 @!p0 $0x1C03  }
0x75: {  	[timem:s3], [sflag:s2] =	dma.local @!p0 [hbm:s0], s1  }
0x76: {  	s0 =	simm.s32 @!p0 $0x3  }
0x77: {  	_ =	swait.ge @!p0 [sflag:s0], s1  }
0x78: {  	s1 =	ssub.s32 @!p0 $0x0, s1;
	[sflag:s0] =	ssyncset.done @!p0 $0x0  }
0x79: {  	[sflag:s0] =	ssyncadd.s32 @!p0 s1  }
0x7a: {  	[bflag:$0x3] =	sbarrier.arrive $0xFFFF  }
0x7b: {  	_ =	shalt  }

// kernel: kernel.9.cloned.1.call-start
scs
__scs_entry_jumppad:
0x0: {  	(pc) =	sbr.rel $0x88, $3  }
0x1: {  	(tag) =	ssettag $0x0;
	lr =	simm.s32 $0x1  }
0x2: {  	[smem:$0x3F91] =	sst lr;
	_ =	strace $0xD0000000  }
0x3: {  	_ = 	snop  }
0x4: {  	_ = 	snop  }
0x5: {  	_ = 	snop  }
0x6: {  	_ = 	snop  }
0x7: {  	_ = 	snop  }
__scs_overlays_trampoline_lowered:
0x8: {  	[smem:$0x3FA0] =	sst s0  }
0x9: {  	[smem:$0x3FA1] =	sst s1  }
0xa: {  	[smem:$0x3FA2] =	sst s2  }
0xb: {  	[smem:$0x3FA3] =	sst s3  }
0xc: {  	[smem:$0x3FA4] =	sst s4  }
0xd: {  	[smem:$0x3FA5] =	sst s5  }
0xe: {  	[smem:$0x3FA6] =	sst s6  }
0xf: {  	[smem:$0x3FA7] =	sst s7  }
0x10: {  	[smem:$0x3FA8] =	sst s8  }
0x11: {  	[smem:$0x3FA9] =	sst s9;
	s0 =	simm.s32 @!p0 $0x0  }
0x12: {  	s1 =	sld [smem:$0x3F8F];
	s0 =	simm.s32 @p0 $0x1  }
0x13: {  	[smem:$0x3FAA] =	sst s0;
	s0 =	simm.s32 @!p1 $0x0  }
0x14: {  	s2 =	sld [smem:$0x3F8E];
	s0 =	simm.s32 @p1 $0x1  }
0x15: {  	[smem:$0x3FAB] =	sst s0;
	s0 =	simm.s32 @!p2 $0x0  }
0x16: {  	s3 =	sld [smem:$0x3FDB];
	s0 =	simm.s32 @p2 $0x1  }
0x17: {  	s4 =	simm.s32 $0x1BF5;
	[smem:$0x3FAD] =	sst s0  }
0x18: {  	s0 =	sld [smem:$0x3F90];
	_ =	swait.ge [sflag:s4], $0x0  }
0x19: {  	s7 =	sld [smem:$0x3F91]  }
0x1a: {  	s8 =	sadd.s32 $0xFFFFE003, lr  }
0x1b: {  	s9 =	sadd.s32 $0xFFFFFEF7, lr;
	s5 =	simm.s32 $0xFFFFFFFF;
	p2 =	slt.u32 s8, $0xFFFFF086  }
0x1c: {  	p1 =	slt.u32 s9, $0xF7A;
	s5 =	simm.s32 @!p2 $0x0  }
0x1d: {  	s5 =	simm.s32 @p1 $0x1;
	p0 =	seq.s32 s7, s2  }
0x1e: {  	s7 =	smul.u32 @!p0 $0xF7A, s2;
	p2 =	seq.s32 @!p0 s5, $0x0  }
0x1f: {  	s9 =	smul.u32 $0xF7A, s1;
	s8 =	simm.s32 @!p0 $0x1BF5;
	p2 =	por !p2, p0  }
0x20: {  	[sflag:s8] =	ssyncset.s32 @!p0 $0xFFFFF086;
	s6 =	sadd.s32 @!p0 s3, s7;
	s7 =	simm.s32 @!p0 $0x108  }
0x21: {  	s3 =	sadd.s32 s3, s9;
	s6 =	sadd.s32 @!p0 $0x88, s6;
	s7 =	simm.s32 @p2 $0x1082  }
0x22: {  	[simem:s7], [sflag:s8] =	dma.local @!p0 [hbm:s6], $0xF7A  }
0x23: {  	s9 =	sor.u32 $0xD0000000, s2;
	s6 =	simm.s32 $0x108;
	_ =	swait.ge @!p0 [sflag:s8], $0x0  }
0x24: {  	s3 =	sadd.s32 $0x88, s3;
	s6 =	simm.s32 @!p1 $0x1082;
	[sflag:s4] =	ssyncset.s32 $0xFFFFF086  }
0x25: {  	[simem:s6], [sflag:s4] =	dma.local [hbm:s3], $0xF7A  }
0x26: {  	[smem:$0x3F91] =	sst s1;
	(tag) =	ssettag s2;
	_ =	strace s9  }
0x27: {  	s1 =	sld [smem:$0x3FA1]  }
0x28: {  	s2 =	sld [smem:$0x3FA2]  }
0x29: {  	s4 =	sld [smem:$0x3FA4]  }
0x2a: {  	p0 =	seq.s32 s5, $0x0;
	s5 =	sld [smem:$0x3FA5]  }
0x2b: {  	s6 =	sld [smem:$0x3FA6]  }
0x2c: {  	s7 =	sld [smem:$0x3FA7]  }
0x2d: {  	s3 =	simm.s32 $0x108;
	s8 =	sld [smem:$0x3FA8]  }
0x2e: {  	s3 =	simm.s32 @!p0 $0x1082;
	s9 =	sld [smem:$0x3FA9]  }
0x2f: {  	lr =	sadd.s32 s0, s3;
	s0 =	sld [smem:$0x3FA0]  }
0x30: {  	s3 =	sld [smem:$0x3FA3]  }
0x31: {  	[smem:$0x3FAC] =	sst s10  }
0x32: {  	s10 =	sld [smem:$0x3FAA];
	_ =	sdelay $0x3  }
0x33: {  	p0 =	seq.s32 s10, $0x1;
	s10 =	sld [smem:$0x3FAC];
	_ =	sdelay $0x3  }
0x34: {  	[smem:$0x3FAC] =	sst s10  }
0x35: {  	s10 =	sld [smem:$0x3FAB];
	_ =	sdelay $0x3  }
0x36: {  	p1 =	seq.s32 s10, $0x1;
	s10 =	sld [smem:$0x3FAC];
	_ =	sdelay $0x3  }
0x37: {  	[smem:$0x3FAC] =	sst s10  }
0x38: {  	s10 =	sld [smem:$0x3FAD]  }
0x39: {  	_ = 	snop;
	(pc) =	sbr.ind lr, $3  }
0x3a: {  	_ = 	snop  }
0x3b: {  	_ = 	snop  }
0x3c: {  	p2 =	seq.s32 s10, $0x1;
	s10 =	sld [smem:$0x3FAC]  }
0x3d: {  	_ =	shalt  }
0x3e: {  	_ =	shalt  }
0x3f: {  	_ =	shalt  }
0x40: {  	_ =	shalt  }
0x41: {  	_ =	shalt  }
0x42: {  	_ =	shalt  }
0x43: {  	_ =	shalt  }
0x44: {  	_ =	shalt  }
0x45: {  	_ =	shalt  }
0x46: {  	_ =	shalt  }
0x47: {  	_ =	shalt  }
0x48: {  	_ =	shalt  }
0x49: {  	_ =	shalt  }
0x4a: {  	_ =	shalt  }
0x4b: {  	_ =	shalt  }
0x4c: {  	_ =	shalt  }
0x4d: {  	_ =	shalt  }
0x4e: {  	_ =	shalt  }
0x4f: {  	_ =	shalt  }
0x50: {  	_ =	shalt  }
0x51: {  	_ =	shalt  }
0x52: {  	_ =	shalt  }
0x53: {  	_ =	shalt  }
0x54: {  	_ =	shalt  }
0x55: {  	_ =	shalt  }
0x56: {  	_ =	shalt  }
0x57: {  	_ =	shalt  }
0x58: {  	_ =	shalt  }
0x59: {  	_ =	shalt  }
0x5a: {  	_ =	shalt  }
0x5b: {  	_ =	shalt  }
0x5c: {  	_ =	shalt  }
0x5d: {  	_ =	shalt  }
0x5e: {  	_ =	shalt  }
0x5f: {  	_ =	shalt  }
0x60: {  	_ =	shalt  }
0x61: {  	_ =	shalt  }
0x62: {  	_ =	shalt  }
0x63: {  	_ =	shalt  }
0x64: {  	_ =	shalt  }
0x65: {  	_ =	shalt  }
0x66: {  	_ =	shalt  }
0x67: {  	_ =	shalt  }
0x68: {  	_ =	shalt  }
0x69: {  	_ =	shalt  }
0x6a: {  	_ =	shalt  }
0x6b: {  	_ =	shalt  }
0x6c: {  	_ =	shalt  }
0x6d: {  	_ =	shalt  }
0x6e: {  	_ =	shalt  }
0x6f: {  	_ =	shalt  }
0x70: {  	_ =	shalt  }
0x71: {  	_ =	shalt  }
0x72: {  	_ =	shalt  }
0x73: {  	_ =	shalt  }
0x74: {  	_ =	shalt  }
0x75: {  	_ =	shalt  }
0x76: {  	_ =	shalt  }
0x77: {  	_ =	shalt  }
0x78: {  	_ =	shalt  }
0x79: {  	_ =	shalt  }
0x7a: {  	_ =	shalt  }
0x7b: {  	_ =	shalt  }
0x7c: {  	_ =	shalt  }
0x7d: {  	_ =	shalt  }
0x7e: {  	_ =	shalt  }
0x7f: {  	_ =	shalt  }
0x80: {  	_ =	shalt  }
0x81: {  	_ =	shalt  }
0x82: {  	_ =	shalt  }
0x83: {  	_ =	shalt  }
0x84: {  	_ =	shalt  }
0x85: {  	_ =	shalt  }
0x86: {  	_ =	shalt  }
0x87: {  	_ =	shalt  }
.Lfunc_end0:
.L_simem_size_0:
called_computation.1_lowered:
.L_overlay_start_0:
0x88: {  	s2 =	sld [smem:$0x3FD9]  }
0x89: {  	s3 =	sld [smem:$0x3FFE];
	_ =	sdelay $0x1  }
0x8a: {  	s1 =	srdreg.scid  }
0x8b: {  	s0 =	sand.u32 $0x1, s1  }
0x8c: {  	s16 =	sshll.u32 s0, $0xA;
	s2 =	sadd.s32 s3, s2  }
0x8d: {  	s2 =	sadd.s32 s2, s16  }
0x8e: {  	[smem:$0x3FB8] =	sst s2  }
0x8f: {  	_ = 	snop  }
0x90: {  	(tm) =	ssettm $0x1  }
0x91: {  	s17 =	sld [smem:$0x3FFB];
	_ =	sdelay $0x3  }
0x92: {  	_ =	strace s17  }
0x93: {  	s2 =	sld [smem:$0x3FFC];
	_ =	sdelay $0x3  }
0x94: {  	_ =	strace s2  }
0x95: {  	s2 =	sld [smem:$0x3FFD];
	_ =	sdelay $0x3  }
0x96: {  	_ =	strace s2  }
0x97: {  	_ =	strace $0x8FFFFFFF  }
0x98: {  	s18 =	sld [smem:$0x3FDB];
	_ =	sdelay $0x1  }
0x99: {  	s19 =	simm.s32 $_scs_section_size  }
0x9a: {  	s4 =	simm.s32 $_size__tile_overlayer_lowered;
	s5 =	simm.s32 $_tile_overlayer_lowered  }
0x9b: {  	s22 =	simm.s32 $0x1BFF;
	s21 =	sshll.u32 s5, $0x1;
	s2 =	sadd.s32 s19, s18  }
0x9c: {  	s6 =	simm.s32 $0x0;
	s20 =	sshll.u32 s4, $0x1;
	s4 =	sadd.s32 s21, s2  }
0x9d: {  	[timem:s6], [sflag:s22] =	dma.local [hbm:s4], s20  }
0x9e: {  	_ =	swait.ge [sflag:s22], s20  }
0x9f: {  	s3 =	ssub.s32 $0x0, s20;
	[sflag:s22] =	ssyncset.done $0x0  }
0xa0: {  	[sflag:s22] =	ssyncadd.s32 s3;
	_ =	sdelay $0x1  }
0xa1: {  	s23 =	simm.s32 $0x1B8B  }
0xa2: {  	_ =	swait.ge [sflag:s23], $0x1  }
0xa3: {  	[sflag:s23] =	ssyncset.done $0x0  }
0xa4: {  	s25 =	simm.s32 $0x1B8E;
	s24 =	sld [smem:$0x3FFE];
	[sflag:s23] =	ssyncadd.s32 $0xFFFFFFFF  }
0xa5: {  	s26 =	simm.s32 $execute0_lowered;
	[smem:$0x3FD2] =	sst s25  }
0xa6: {  	s4 =	sshll.u32 s26, $0x1;
	_ =	strace $0x80000049;
	[dreg:$0x1] =	wrdreg $0xFFFFFFFF  }
0xa7: {  	s28 =	simm.s32 $_size_execute0_lowered;
	s2 =	sadd.s32 s2, s4;
	[dreg:$0x0] =	wrdreg $0x0  }
0xa8: {  	s4 =	sshll.u32 s28, $0x1;
	[dreg:$0x2] =	wrdreg s2  }
0xa9: {  	[dreg:$0x3] =	wrdreg s4  }
0xaa: {  	[dreg:$0x4] =	wrdreg $0xC0  }
0xab: {  	_ =	task [dreg:s6], $0x5FFFF  }
0xac: {  	[dreg:$0x1] =	wrdreg $0xFFFFFFFF  }
0xad: {  	[dreg:$0x0] =	wrdreg $0x60  }
0xae: {  	[dreg:$0x2] =	wrdreg s24  }
0xaf: {  	[dreg:$0x3] =	wrdreg $0x0  }
0xb0: {  	[dreg:$0x4] =	wrdreg $0x9  }
0xb1: {  	_ =	task.clear_ibuf [dreg:s6], $0x5FFFF;
	_ =	strace $0x90000049  }
0xb2: {  	s29 =	simm.s32 $0x9;
	_ =	strace $0x8000004B  }
0xb3: {  	_ =	swait.ge [sflag:s29], $0x1  }
0xb4: {  	[sflag:s29] =	ssyncadd.s32 $0xFFFFFFFF  }
0xb5: {  	_ =	strace $0x9000004B  }
0xb6: {  	_ =	sfence  }
0xb7: {  	s30 =	sld [smem:$0x0];
	_ =	sdelay $0x2  }
0xb8: {  	s31 =	sshll.u32 s1, $0xD;
	s1 =	sshrl.u32 s1, $0x2  }
0xb9: {  	s3 =	sand.u32 $0x4000, s31;
	s1 =	sadd.s32 s1, s30  }
0xba: {  	s0 =	sor.u32 s3, s0;
	s1 =	sshll.u32 s1, $0x11  }
0xbb: {  	s0 =	sor.u32 s1, s0  }
0xbc: {  	s0 =	sadd.s32 $0x8F2B, s0  }
0xbd: {  	[sflag:s0] =	ssyncadd.remote.s32 $0x1  }
0xbe: {  	_ =	sfence.sel $0xFFFF  }
0xbf: {  	[dreg:$0x0] =	wrdreg $0xFFFFFFFF;
	(pc) =	sbr.abs _section_cstart, $3  }
0xc0: {  	[dreg:$0x1] =	wrdreg $0xFFFFFFFF  }
0xc1: {  	_ =	task.clear_ibuf [dreg:s6], $0x2FFFF;
	_ =	strace $0x9FFFFFFF  }
0xc2: {  	(tm) =	ssettm $0x7FFFFFFF  }
0xc3: {  	_ =	shalt  }
tec
execute0_lowered:
.L_overlay_start_1:
0x0: {  	(tag) =	ssettag $0x1  }
0x1: {  	s0 =	rddreg [dreg:$0x0]  }
0x2: {  	s2 =	rddreg [dreg:$0x1];
	s12 =	stileid.u32  }
0x3: {  	s3 =	simm.s32 $0x0;
	s1 =	srdreg.scid;
	s7 =	smul.u32 $0x14000, s12  }
0x4: {  	[smem:$0x7FF] =	sst s3;
	s1 =	sand.u32 $0x1, s1;
	s9 =	smul.u32 $0x50000, s12  }
0x5: {  	s4 =	sadd.s32 $0xF3C00, s0;
	s5 =	sadd.s32 $0xCC800, s0;
	s11 =	smul.u32 $0x9D00, s12  }
0x6: {  	s6 =	sadd.s32 $0x3800, s0;
	s15 =	sshll.u32 s12, $0x6;
	s8 =	smul.u32 $0x280000, s1  }
0x7: {  	_ =	strace $0x8000004A;
	s26 =	smul.u32 $0x9D000, s1;
	s1 =	ssub.s32 $0x2, s1  }
0x8: {  	s12 =	sor.u32 $0x1C07, s15;
	s10 =	sshrl.u32 s7, $0x3;
	s13 =	sshrl.u32 s1, $0x1  }
0x9: {  	s14 =	sshrl.u32 s9, $0x2;
	[dreg:$0xb] =	wrdreg s12;
	s7 =	sadd.s32 s7, s8  }
0xa: {  	s10 =	sadd.s32 s10, s0;
	s8 =	sadd.s32 s11, s26;
	s7 =	sshrl.u32 s7, $0x3  }
0xb: {  	s9 =	sshrl.u32 s8, $0x3;
	s10 =	sadd.s32 $0xA3800, s10;
	s0 =	sadd.s32 s7, s0  }
0xc: {  	s7 =	sadd.s32 s14, s2;
	[dreg:$0xa] =	wrdreg s10;
	s16 =	sadd.s32 $0x20, s9  }
0xd: {  	s1 =	ssub.s32 s1, s13;
	[dreg:$0x9] =	wrdreg s7;
	s17 =	sadd.s32 s4, s16  }
0xe: {  	s10 =	sadd.s32 $0x40, s9;
	s7 =	sadd.s32 s5, s16;
	[dreg:$0xc] =	wrdreg s17  }
0xf: {  	s11 =	sadd.s32 $0x600, s8;
	s13 =	sadd.s32 s4, s10;
	[dreg:$0xd] =	wrdreg s7  }
0x10: {  	s19 =	sshrl.u32 s11, $0x3;
	s10 =	sadd.s32 s5, s10;
	[dreg:$0x14] =	wrdreg s13  }
0x11: {  	s21 =	sadd.s32 $0x500, s8;
	s15 =	sadd.s32 s19, s5;
	[dreg:$0x15] =	wrdreg s10  }
0x12: {  	s11 =	sshrl.u32 s21, $0x3;
	s16 =	sadd.s32 s19, s4;
	[dreg:$0x10] =	wrdreg s15  }
0x13: {  	s21 =	sadd.s32 s11, s5;
	[dreg:$0x11] =	wrdreg s16  }
0x14: {  	s23 =	sadd.s32 $0x10, s16;
	[dreg:$0x13] =	wrdreg s21  }
0x15: {  	s18 =	sadd.s32 $0x700, s8;
	s25 =	sadd.s32 $0x10, s15;
	[dreg:$0x5] =	wrdreg s23  }
0x16: {  	s7 =	sshrl.u32 s18, $0x3;
	s18 =	sadd.s32 $0x10, s21;
	[dreg:$0x6] =	wrdreg s25  }
0x17: {  	s13 =	sadd.s32 s4, s9;
	[dreg:$0x8] =	wrdreg s18  }
0x18: {  	s17 =	sadd.s32 s11, s4;
	[dreg:$0x1c] =	wrdreg s13  }
0x19: {  	s26 =	sadd.s32 $0x10, s17;
	[dreg:$0x12] =	wrdreg s17  }
0x1a: {  	s18 =	sadd.s32 s5, s9;
	[dreg:$0x7] =	wrdreg s26  }
0x1b: {  	s28 =	simm.s32 $0x3;
	s24 =	sadd.s32 s7, s5;
	[dreg:$0x1d] =	wrdreg s18  }
0x1c: {  	s29 =	simm.s32 $0x80;
	s14 =	sadd.s32 s7, s4;
	[dreg:$0xe] =	wrdreg s24  }
0x1d: {  	s30 =	simm.s32 $0x14400;
	s20 =	sadd.s32 $0x10, s14;
	[dreg:$0xf] =	wrdreg s14  }
0x1e: {  	s23 =	sor.u32 $0x10, s9;
	s22 =	sadd.s32 $0x10, s24;
	[dreg:$0x3] =	wrdreg s20  }
0x1f: {  	s31 =	simm.s32 $0x4;
	s25 =	sadd.s32 s4, s23;
	[dreg:$0x4] =	wrdreg s22  }
0x20: {  	s19 =	sadd.s32 $0x60, s9;
	s7 =	sadd.s32 s5, s23;
	[dreg:$0x18] =	wrdreg s25  }
0x21: {  	s10 =	simm.s32 $0x2;
	s20 =	sadd.s32 s4, s19;
	[dreg:$0x19] =	wrdreg s7  }
0x22: {  	s26 =	sadd.s32 $0x30, s9;
	s22 =	sadd.s32 s5, s19;
	[dreg:$0x16] =	wrdreg s20  }
0x23: {  	s18 =	simm.s32 $0x7;
	s11 =	sadd.s32 s4, s26;
	[dreg:$0x17] =	wrdreg s22  }
0x24: {  	s7 =	sadd.s32 s5, s26;
	s19 =	sadd.s32 $0x50, s9;
	[dreg:$0x1a] =	wrdreg s11  }
0x25: {  	s9 =	sadd.s32 $0x70, s9;
	s25 =	sadd.s32 $0x11B000, s0;
	[dreg:$0x1b] =	wrdreg s7  }
0x26: {  	s0 =	sadd.s32 $0x143000, s0;
	s26 =	smax.u32 s1, $0x1;
	[smem:$0x7FA] =	sst s25  }
0x27: {  	s1 =	simm.s32 $0x1;
	s20 =	sadd.s32 s4, s19;
	[smem:$0x7FB] =	sst s0  }
0x28: {  	s7 =	sadd.s32 s5, s19;
	s22 =	sadd.s32 s4, s9;
	[smem:$0x7FC] =	sst s26  }
0x29: {  	s23 =	sadd.s32 s5, s9;
	s19 =	simm.s32 $0x14000;
	[dreg:$0x1e] =	wrdreg s20  }
0x2a: {  	s25 =	simm.s32 $0x14180;
	s26 =	simm.s32 $0x14380;
	[dreg:$0x1f] =	wrdreg s7  }
0x2b: {  	s0 =	simm.s32 $0x18400;
	s11 =	simm.s32 $0x0;
	[smem:$0x7F8] =	sst s22  }
0x2c: {  	[smem:$0x7F9] =	sst s23;
	s20 =	sadd.s32 $0x400, s8;
	s23 =	simm.s32 $0x14080  }
0x2d: {  	s7 =	simm.s32 $0x5;
	s8 =	simm.s32 $0x6;
	[smem:$0x7FD] =	sst s20  }
.LBB2_1:
0x2e: {  	[smem:$0x7F5] =	sst s11  }
0x2f: {  	s9 =	rddreg [dreg:$0x9]  }
0x30: {  	s22 =	rddreg [dreg:$0xa];
	s13 =	sshrl.u32 s9, $0x3  }
0x31: {  	[smem:$0x7F6] =	sst s13  }
0x32: {  	[spmem:s13], [sflag:s12] =	dma.local [hbm:s22], $0x2800  }
0x33: {  	_ =	swait.ge [sflag:s18], $0x2800  }
0x34: {  	[sflag:s18] =	ssyncset.done $0x0  }
0x35: {  	[sflag:s18] =	ssyncadd.s32 $0xFFFFD800  }
0x36: {  	[bflag:$0x0] =	sbarrier.arrive $0xFFFF  }
0x37: {  	s11 =	rddreg [dreg:$0x1c]  }
0x38: {  	[tilespmem:s19], [sflag:$0x3] =	stream.linear.gather [hbm4b:s11+s3], $0x80, $0x38;
	[tilespmem:$0x1C400] =	vst v63  }
0x39: {  	s12 =	rddreg [dreg:$0x1d];
	s11 =	simm.s32 $0x14200  }
0x3a: {  	[tilespmem:s11], [sflag:$0x3] =	stream.linear.gather [hbm4b:s12+s3], $0x80, $0x38;
	[tilespmem:$0x1C400] =	vst v63  }
0x3b: {  	s13 =	rddreg [dreg:$0xc]  }
0x3c: {  	[tilespmem:s23], [sflag:$0x4] =	stream.linear.gather [hbm4b:s13+s3], $0x80, $0x38;
	[tilespmem:$0x1C400] =	vst v63  }
0x3d: {  	s22 =	rddreg [dreg:$0xd];
	s12 =	simm.s32 $0x14280  }
0x3e: {  	[tilespmem:s12], [sflag:$0x4] =	stream.linear.gather [hbm4b:s22+s3], $0x80, $0x38;
	[tilespmem:$0x1C400] =	vst v63  }
0x3f: {  	s13 =	rddreg [dreg:$0x14];
	s22 =	simm.s32 $0x14100  }
0x40: {  	[tilespmem:s22], [sflag:$0x5] =	stream.linear.gather [hbm4b:s13+s3], $0x80, $0x38;
	[tilespmem:$0x1C400] =	vst v63  }
0x41: {  	s9 =	rddreg [dreg:$0x15];
	s13 =	simm.s32 $0x14300  }
0x42: {  	[tilespmem:s13], [sflag:$0x5] =	stream.linear.gather [hbm4b:s9+s3], $0x80, $0x38;
	[tilespmem:$0x1C400] =	vst v63  }
0x43: {  	s13 =	rddreg [dreg:$0x16]  }
0x44: {  	[tilespmem:s25], [sflag:$0x6] =	stream.linear.gather [hbm4b:s13+s3], $0x80, $0x38;
	[tilespmem:$0x1C400] =	vst v63  }
0x45: {  	s13 =	rddreg [dreg:$0x17]  }
0x46: {  	[tilespmem:s26], [sflag:$0x6] =	stream.linear.gather [hbm4b:s13+s3], $0x80, $0x38;
	[tilespmem:$0x1C400] =	vst v63  }
0x47: {  	_ =	swait.ge [sflag:s28], $0x80  }
0x48: {  	[sflag:s28] =	ssyncset.done $0x0  }
0x49: {  	[sflag:s28] =	ssyncadd.s32 $0xFFFFFF80  }
0x4a: {  	_ =	swait.ge [sflag:s28], $0x80  }
0x4b: {  	[sflag:s28] =	ssyncset.done $0x0  }
0x4c: {  	[sflag:s28] =	ssyncadd.s32 $0xFFFFFF80  }
0x4d: {  	[tilespmem:s30], [sflag:$0x1] =	stream.indirect.gather [hbm4b:s6+s29], $0x80, s19, s29, $0xb8;
	[tilespmem:$0x1C400] =	vst v63  }
0x4e: {  	_ =	swait.ge [sflag:s31], $0x80  }
0x4f: {  	[sflag:s31] =	ssyncset.done $0x0  }
0x50: {  	[sflag:s31] =	ssyncadd.s32 $0xFFFFFF80  }
0x51: {  	_ =	swait.ge [sflag:s31], $0x80  }
0x52: {  	[sflag:s31] =	ssyncset.done $0x0  }
0x53: {  	[sflag:s31] =	ssyncadd.s32 $0xFFFFFF80  }
0x54: {  	[tilespmem:s0], [sflag:$0x2] =	stream.indirect.gather [hbm4b:s6+s29], $0x80, s23, s29, $0xb8;
	[tilespmem:$0x1C400] =	vst v63  }
0x55: {  	_ =	swait.ge [sflag:s1], $0x4000  }
0x56: {  	[sflag:s1] =	ssyncset.done $0x0  }
0x57: {  	[sflag:s1] =	ssyncadd.s32 $0xFFFFC000  }
0x58: {  	[spmem:s2] =	stream.indirect.scatter.add.f32 [tilespmem:s30], [sflag:$0x7], $0x80, s11, s29, $0xb8;
	[tilespmem:$0x1C400] =	vst v63  }
0x59: {  	_ =	swait.ge [sflag:s18], $0x4000  }
0x5a: {  	s13 =	smov.u32 s20;
	s20 =	sshrl.u32 s20, $0x3;
	[sflag:s18] =	ssyncset.done $0x0  }
0x5b: {  	s9 =	sadd.s32 s4, s20;
	[sflag:s18] =	ssyncadd.s32 $0xFFFFC000  }
0x5c: {  	[tilespmem:s19], [sflag:$0x3] =	stream.linear.gather [hbm4b:s9+s3], $0x80, $0x38;
	[tilespmem:$0x1C400] =	vst v63  }
0x5d: {  	[smem:$0x7F7] =	sst s20;
	s20 =	sadd.s32 s5, s20  }
0x5e: {  	[tilespmem:s11], [sflag:$0x3] =	stream.linear.gather [hbm4b:s20+s3], $0x80, $0x38;
	[tilespmem:$0x1C400] =	vst v63  }
0x5f: {  	_ =	swait.ge [sflag:s7], $0x80  }
0x60: {  	[sflag:s7] =	ssyncset.done $0x0  }
0x61: {  	[sflag:s7] =	ssyncadd.s32 $0xFFFFFF80  }
0x62: {  	_ =	swait.ge [sflag:s7], $0x80  }
0x63: {  	[sflag:s7] =	ssyncset.done $0x0  }
0x64: {  	[sflag:s7] =	ssyncadd.s32 $0xFFFFFF80  }
0x65: {  	[tilespmem:s30], [sflag:$0x1] =	stream.indirect.gather [hbm4b:s6+s29], $0x80, s22, s29, $0xb8;
	[tilespmem:$0x1C400] =	vst v63  }
0x66: {  	_ =	swait.ge [sflag:s10], $0x4000  }
0x67: {  	[sflag:s10] =	ssyncset.done $0x0  }
0x68: {  	[sflag:s10] =	ssyncadd.s32 $0xFFFFC000  }
0x69: {  	[spmem:s2] =	stream.indirect.scatter.add.f32 [tilespmem:s0], [sflag:$0x7], $0x80, s12, s29, $0xb8;
	[tilespmem:$0x1C400] =	vst v63  }
0x6a: {  	_ =	swait.ge [sflag:s18], $0x4000  }
0x6b: {  	[sflag:s18] =	ssyncset.done $0x0  }
0x6c: {  	s20 =	sadd.s32 $0x0, s17;
	[sflag:s18] =	ssyncadd.s32 $0xFFFFC000  }
0x6d: {  	[tilespmem:s23], [sflag:$0x4] =	stream.linear.gather [hbm4b:s20+s3], $0x80, $0x38;
	[tilespmem:$0x1C400] =	vst v63  }
0x6e: {  	s11 =	sadd.s32 $0x0, s21  }
0x6f: {  	[tilespmem:s12], [sflag:$0x4] =	stream.linear.gather [hbm4b:s11+s3], $0x80, $0x38;
	[tilespmem:$0x1C400] =	vst v63  }
0x70: {  	_ =	swait.ge [sflag:s8], $0x80  }
0x71: {  	[sflag:s8] =	ssyncset.done $0x0  }
0x72: {  	[sflag:s8] =	ssyncadd.s32 $0xFFFFFF80  }
0x73: {  	_ =	swait.ge [sflag:s8], $0x80  }
0x74: {  	[sflag:s8] =	ssyncset.done $0x0  }
0x75: {  	[sflag:s8] =	ssyncadd.s32 $0xFFFFFF80  }
0x76: {  	[tilespmem:s0], [sflag:$0x2] =	stream.indirect.gather [hbm4b:s6+s29], $0x80, s25, s29, $0xb8;
	[tilespmem:$0x1C400] =	vst v63  }
0x77: {  	_ =	swait.ge [sflag:s1], $0x4000  }
0x78: {  	[sflag:s1] =	ssyncset.done $0x0  }
0x79: {  	s11 =	simm.s32 $0x14300;
	[sflag:s1] =	ssyncadd.s32 $0xFFFFC000  }
0x7a: {  	[spmem:s2] =	stream.indirect.scatter.add.f32 [tilespmem:s30], [sflag:$0x7], $0x80, s11, s29, $0xb8;
	[tilespmem:$0x1C400] =	vst v63  }
0x7b: {  	_ =	swait.ge [sflag:s18], $0x4000  }
0x7c: {  	[sflag:s18] =	ssyncset.done $0x0  }
0x7d: {  	s20 =	sadd.s32 $0x0, s16;
	[sflag:s18] =	ssyncadd.s32 $0xFFFFC000  }
0x7e: {  	[tilespmem:s22], [sflag:$0x5] =	stream.linear.gather [hbm4b:s20+s3], $0x80, $0x38;
	[tilespmem:$0x1C400] =	vst v63  }
0x7f: {  	s12 =	sadd.s32 $0x0, s15  }
0x80: {  	[tilespmem:s11], [sflag:$0x5] =	stream.linear.gather [hbm4b:s12+s3], $0x80, $0x38;
	[tilespmem:$0x1C400] =	vst v63  }
0x81: {  	_ =	swait.ge [sflag:s28], $0x80  }
0x82: {  	[sflag:s28] =	ssyncset.done $0x0  }
0x83: {  	[sflag:s28] =	ssyncadd.s32 $0xFFFFFF80  }
0x84: {  	_ =	swait.ge [sflag:s28], $0x80  }
0x85: {  	[sflag:s28] =	ssyncset.done $0x0  }
0x86: {  	[sflag:s28] =	ssyncadd.s32 $0xFFFFFF80  }
0x87: {  	[tilespmem:s30], [sflag:$0x1] =	stream.indirect.gather [hbm4b:s6+s29], $0x80, s19, s29, $0xb8;
	[tilespmem:$0x1C400] =	vst v63  }
0x88: {  	_ =	swait.ge [sflag:s10], $0x4000  }
0x89: {  	[sflag:s10] =	ssyncset.done $0x0  }
0x8a: {  	[sflag:s10] =	ssyncadd.s32 $0xFFFFC000  }
0x8b: {  	[spmem:s2] =	stream.indirect.scatter.add.f32 [tilespmem:s0], [sflag:$0x7], $0x80, s26, s29, $0xb8;
	[tilespmem:$0x1C400] =	vst v63  }
0x8c: {  	_ =	swait.ge [sflag:s18], $0x4000  }
0x8d: {  	[sflag:s18] =	ssyncset.done $0x0  }
0x8e: {  	s20 =	sadd.s32 $0x0, s14;
	[sflag:s18] =	ssyncadd.s32 $0xFFFFC000  }
0x8f: {  	[tilespmem:s25], [sflag:$0x6] =	stream.linear.gather [hbm4b:s20+s3], $0x80, $0x38;
	[tilespmem:$0x1C400] =	vst v63  }
0x90: {  	s22 =	sadd.s32 $0x0, s24  }
0x91: {  	[tilespmem:s26], [sflag:$0x6] =	stream.linear.gather [hbm4b:s22+s3], $0x80, $0x38;
	[tilespmem:$0x1C400] =	vst v63  }
0x92: {  	_ =	swait.ge [sflag:s31], $0x80  }
0x93: {  	[sflag:s31] =	ssyncset.done $0x0  }
0x94: {  	s9 =	sadd.s32 $0x400, s13;
	s11 =	simm.s32 $0x80;
	[sflag:s31] =	ssyncadd.s32 $0xFFFFFF80  }
0x95: {  	s19 =	smov.u32 s5;
	s5 =	smov.u32 s4;
	_ =	swait.ge [sflag:s31], $0x80  }
0x96: {  	s4 =	smov.u32 s14;
	s20 =	smov.u32 s15;
	[sflag:s31] =	ssyncset.done $0x0  }
0x97: {  	s15 =	smov.u32 s24;
	s22 =	simm.s32 $0x14000;
	[sflag:s31] =	ssyncadd.s32 $0xFFFFFF80  }
.LBB2_2:
0x98: {  	[tilespmem:s0], [sflag:$0x2] =	stream.indirect.gather [hbm4b:s6+s29], $0x80, s23, s29, $0xb8;
	[tilespmem:$0x1C400] =	vst v63  }
0x99: {  	s12 =	smov.u32 s11  }
0x9a: {  	p0 =	sne.s32 s11, $0x1280;
	s11 =	sadd.s32 $0x80, s11;
	_ =	swait.ge [sflag:s1], $0x4000  }
0x9b: {  	[sflag:s1] =	ssyncset.done $0x0  }
0x9c: {  	s23 =	simm.s32 $0x14200;
	[sflag:s1] =	ssyncadd.s32 $0xFFFFC000  }
0x9d: {  	[spmem:s2] =	stream.indirect.scatter.add.f32 [tilespmem:s30], [sflag:$0x7], $0x80, s23, s29, $0xb8;
	[tilespmem:$0x1C400] =	vst v63  }
0x9e: {  	_ =	swait.ge [sflag:s18], $0x4000  }
0x9f: {  	s13 =	sshrl.u32 s9, $0x3;
	[sflag:s18] =	ssyncset.done $0x0  }
0xa0: {  	s14 =	sadd.s32 s5, s13;
	[sflag:s18] =	ssyncadd.s32 $0xFFFFC000  }
0xa1: {  	[tilespmem:s22], [sflag:$0x3] =	stream.linear.gather [hbm4b:s14+s3], $0x80, $0x38;
	[tilespmem:$0x1C400] =	vst v63  }
0xa2: {  	s13 =	sadd.s32 s19, s13  }
0xa3: {  	[tilespmem:s23], [sflag:$0x3] =	stream.linear.gather [hbm4b:s13+s3], $0x80, $0x38;
	[tilespmem:$0x1C400] =	vst v63  }
0xa4: {  	s23 =	simm.s32 $0x14080  }
0xa5: {  	_ =	swait.ge [sflag:s7], $0x80  }
0xa6: {  	[sflag:s7] =	ssyncset.done $0x0  }
0xa7: {  	[sflag:s7] =	ssyncadd.s32 $0xFFFFFF80  }
0xa8: {  	_ =	swait.ge [sflag:s7], $0x80  }
0xa9: {  	[sflag:s7] =	ssyncset.done $0x0  }
0xaa: {  	s24 =	simm.s32 $0x14100;
	[sflag:s7] =	ssyncadd.s32 $0xFFFFFF80  }
0xab: {  	[tilespmem:s30], [sflag:$0x1] =	stream.indirect.gather [hbm4b:s6+s29], $0x80, s24, s29, $0xb8;
	[tilespmem:$0x1C400] =	vst v63  }
0xac: {  	_ =	swait.ge [sflag:s10], $0x4000  }
0xad: {  	[sflag:s10] =	ssyncset.done $0x0  }
0xae: {  	s14 =	simm.s32 $0x14280;
	[sflag:s10] =	ssyncadd.s32 $0xFFFFC000  }
0xaf: {  	[spmem:s2] =	stream.indirect.scatter.add.f32 [tilespmem:s0], [sflag:$0x7], $0x80, s14, s29, $0xb8;
	[tilespmem:$0x1C400] =	vst v63  }
0xb0: {  	_ =	swait.ge [sflag:s18], $0x4000  }
0xb1: {  	[sflag:s18] =	ssyncset.done $0x0  }
0xb2: {  	s13 =	sadd.s32 s12, s17;
	[sflag:s18] =	ssyncadd.s32 $0xFFFFC000  }
0xb3: {  	[tilespmem:s23], [sflag:$0x4] =	stream.linear.gather [hbm4b:s13+s3], $0x80, $0x38;
	[tilespmem:$0x1C400] =	vst v63  }
0xb4: {  	s13 =	sadd.s32 s12, s21  }
0xb5: {  	[tilespmem:s14], [sflag:$0x4] =	stream.linear.gather [hbm4b:s13+s3], $0x80, $0x38;
	[tilespmem:$0x1C400] =	vst v63  }
0xb6: {  	_ =	swait.ge [sflag:s8], $0x80  }
0xb7: {  	[sflag:s8] =	ssyncset.done $0x0  }
0xb8: {  	[sflag:s8] =	ssyncadd.s32 $0xFFFFFF80  }
0xb9: {  	_ =	swait.ge [sflag:s8], $0x80  }
0xba: {  	[sflag:s8] =	ssyncset.done $0x0  }
0xbb: {  	[sflag:s8] =	ssyncadd.s32 $0xFFFFFF80  }
0xbc: {  	[tilespmem:s0], [sflag:$0x2] =	stream.indirect.gather [hbm4b:s6+s29], $0x80, s25, s29, $0xb8;
	[tilespmem:$0x1C400] =	vst v63  }
0xbd: {  	_ =	swait.ge [sflag:s1], $0x4000  }
0xbe: {  	[sflag:s1] =	ssyncset.done $0x0  }
0xbf: {  	s14 =	simm.s32 $0x14300;
	[sflag:s1] =	ssyncadd.s32 $0xFFFFC000  }
0xc0: {  	[spmem:s2] =	stream.indirect.scatter.add.f32 [tilespmem:s30], [sflag:$0x7], $0x80, s14, s29, $0xb8;
	[tilespmem:$0x1C400] =	vst v63  }
0xc1: {  	_ =	swait.ge [sflag:s18], $0x4000  }
0xc2: {  	[sflag:s18] =	ssyncset.done $0x0  }
0xc3: {  	s13 =	sadd.s32 s12, s16;
	[sflag:s18] =	ssyncadd.s32 $0xFFFFC000  }
0xc4: {  	[tilespmem:s24], [sflag:$0x5] =	stream.linear.gather [hbm4b:s13+s3], $0x80, $0x38;
	[tilespmem:$0x1C400] =	vst v63  }
0xc5: {  	s13 =	sadd.s32 s12, s20  }
0xc6: {  	[tilespmem:s14], [sflag:$0x5] =	stream.linear.gather [hbm4b:s13+s3], $0x80, $0x38;
	[tilespmem:$0x1C400] =	vst v63  }
0xc7: {  	_ =	swait.ge [sflag:s28], $0x80  }
0xc8: {  	[sflag:s28] =	ssyncset.done $0x0  }
0xc9: {  	[sflag:s28] =	ssyncadd.s32 $0xFFFFFF80  }
0xca: {  	_ =	swait.ge [sflag:s28], $0x80  }
0xcb: {  	[sflag:s28] =	ssyncset.done $0x0  }
0xcc: {  	[sflag:s28] =	ssyncadd.s32 $0xFFFFFF80  }
0xcd: {  	[tilespmem:s30], [sflag:$0x1] =	stream.indirect.gather [hbm4b:s6+s29], $0x80, s22, s29, $0xb8;
	[tilespmem:$0x1C400] =	vst v63  }
0xce: {  	_ =	swait.ge [sflag:s10], $0x4000  }
0xcf: {  	[sflag:s10] =	ssyncset.done $0x0  }
0xd0: {  	[sflag:s10] =	ssyncadd.s32 $0xFFFFC000  }
0xd1: {  	[spmem:s2] =	stream.indirect.scatter.add.f32 [tilespmem:s0], [sflag:$0x7], $0x80, s26, s29, $0xb8;
	[tilespmem:$0x1C400] =	vst v63  }
0xd2: {  	_ =	swait.ge [sflag:s18], $0x4000  }
0xd3: {  	[sflag:s18] =	ssyncset.done $0x0  }
0xd4: {  	s13 =	sadd.s32 s12, s4;
	[sflag:s18] =	ssyncadd.s32 $0xFFFFC000  }
0xd5: {  	[tilespmem:s25], [sflag:$0x6] =	stream.linear.gather [hbm4b:s13+s3], $0x80, $0x38;
	[tilespmem:$0x1C400] =	vst v63  }
0xd6: {  	s12 =	sadd.s32 s12, s15  }
0xd7: {  	[tilespmem:s26], [sflag:$0x6] =	stream.linear.gather [hbm4b:s12+s3], $0x80, $0x38;
	[tilespmem:$0x1C400] =	vst v63  }
0xd8: {  	_ =	swait.ge [sflag:s31], $0x80  }
.Ltmp0:
0xd9: {  	[sflag:s31] =	ssyncset.done $0x0;
	(pc) =	sbr.rel @p0 .LBB2_2-.Ltmp0, $4  }
0xda: {  	[sflag:s31] =	ssyncadd.s32 $0xFFFFFF80  }
0xdb: {  	_ =	swait.ge [sflag:s31], $0x80  }
0xdc: {  	[sflag:s31] =	ssyncset.done $0x0  }
0xdd: {  	s9 =	sadd.s32 $0x400, s9;
	[sflag:s31] =	ssyncadd.s32 $0xFFFFFF80  }
0xde: {  	[tilespmem:s0], [sflag:$0x2] =	stream.indirect.gather [hbm4b:s6+s29], $0x80, s23, s29, $0xb8;
	[tilespmem:$0x1C400] =	vst v63  }
0xdf: {  	_ =	swait.ge [sflag:s1], $0x4000  }
0xe0: {  	[sflag:s1] =	ssyncset.done $0x0  }
0xe1: {  	s12 =	simm.s32 $0x14200;
	[sflag:s1] =	ssyncadd.s32 $0xFFFFC000  }
0xe2: {  	[spmem:s2] =	stream.indirect.scatter.add.f32 [tilespmem:s30], [sflag:$0x7], $0x80, s12, s29, $0xb8;
	[tilespmem:$0x1C400] =	vst v63  }
0xe3: {  	_ =	swait.ge [sflag:s18], $0x4000  }
0xe4: {  	[sflag:s18] =	ssyncset.done $0x0  }
0xe5: {  	[sflag:s18] =	ssyncadd.s32 $0xFFFFC000  }
0xe6: {  	_ =	swait.ge [sflag:s7], $0x80  }
0xe7: {  	[sflag:s7] =	ssyncset.done $0x0  }
0xe8: {  	[sflag:s7] =	ssyncadd.s32 $0xFFFFFF80  }
0xe9: {  	_ =	swait.ge [sflag:s7], $0x80  }
0xea: {  	[sflag:s7] =	ssyncset.done $0x0  }
0xeb: {  	s14 =	simm.s32 $0x14100;
	[sflag:s7] =	ssyncadd.s32 $0xFFFFFF80  }
0xec: {  	[tilespmem:s30], [sflag:$0x1] =	stream.indirect.gather [hbm4b:s6+s29], $0x80, s14, s29, $0xb8;
	[tilespmem:$0x1C400] =	vst v63  }
0xed: {  	_ =	swait.ge [sflag:s10], $0x4000  }
0xee: {  	[sflag:s10] =	ssyncset.done $0x0  }
0xef: {  	s13 =	simm.s32 $0x14280;
	[sflag:s10] =	ssyncadd.s32 $0xFFFFC000  }
0xf0: {  	[spmem:s2] =	stream.indirect.scatter.add.f32 [tilespmem:s0], [sflag:$0x7], $0x80, s13, s29, $0xb8;
	[tilespmem:$0x1C400] =	vst v63  }
0xf1: {  	_ =	swait.ge [sflag:s18], $0x4000  }
0xf2: {  	[sflag:s18] =	ssyncset.done $0x0  }
0xf3: {  	[sflag:s18] =	ssyncadd.s32 $0xFFFFC000  }
0xf4: {  	_ =	swait.ge [sflag:s8], $0x80  }
0xf5: {  	[sflag:s8] =	ssyncset.done $0x0  }
0xf6: {  	[sflag:s8] =	ssyncadd.s32 $0xFFFFFF80  }
0xf7: {  	_ =	swait.ge [sflag:s8], $0x80  }
0xf8: {  	[sflag:s8] =	ssyncset.done $0x0  }
0xf9: {  	[sflag:s8] =	ssyncadd.s32 $0xFFFFFF80  }
0xfa: {  	[tilespmem:s0], [sflag:$0x2] =	stream.indirect.gather [hbm4b:s6+s29], $0x80, s25, s29, $0xb8;
	[tilespmem:$0x1C400] =	vst v63  }
0xfb: {  	_ =	swait.ge [sflag:s1], $0x4000  }
0xfc: {  	[sflag:s1] =	ssyncset.done $0x0  }
0xfd: {  	s15 =	simm.s32 $0x14300;
	[sflag:s1] =	ssyncadd.s32 $0xFFFFC000  }
0xfe: {  	[spmem:s2] =	stream.indirect.scatter.add.f32 [tilespmem:s30], [sflag:$0x7], $0x80, s15, s29, $0xb8;
	[tilespmem:$0x1C400] =	vst v63  }
0xff: {  	_ =	swait.ge [sflag:s18], $0x4000  }
0x100: {  	[sflag:s18] =	ssyncset.done $0x0  }
0x101: {  	[sflag:s18] =	ssyncadd.s32 $0xFFFFC000  }
0x102: {  	_ =	swait.ge [sflag:s10], $0x4000  }
0x103: {  	[sflag:s10] =	ssyncset.done $0x0  }
0x104: {  	[sflag:s10] =	ssyncadd.s32 $0xFFFFC000  }
0x105: {  	[spmem:s2] =	stream.indirect.scatter.add.f32 [tilespmem:s0], [sflag:$0x7], $0x80, s26, s29, $0xb8;
	[tilespmem:$0x1C400] =	vst v63  }
0x106: {  	_ =	swait.ge [sflag:s18], $0x4000  }
0x107: {  	[sflag:s18] =	ssyncset.done $0x0  }
0x108: {  	[sflag:s18] =	ssyncadd.s32 $0xFFFFC000  }
0x109: {  	[bflag:$0x0] =	sbarrier.arrive $0xFFFF  }
0x10a: {  	s4 =	sld [smem:$0x7FA]  }
0x10b: {  	s24 =	sld [smem:$0x7F6];
	_ =	sdelay $0x1  }
0x10c: {  	s11 =	rddreg [dreg:$0xb]  }
0x10d: {  	[hbm:s4], [sflag:s11] =	dma.local [spmem:s24], $0x2800  }
0x10e: {  	_ =	swait.ge [sflag:s18], $0x2800  }
0x10f: {  	[sflag:s18] =	ssyncset.done $0x0  }
0x110: {  	[sflag:s18] =	ssyncadd.s32 $0xFFFFD800  }
0x111: {  	[bflag:$0x0] =	sbarrier.arrive $0xFFFF  }
0x112: {  	s9 =	rddreg [dreg:$0xa]  }
0x113: {  	[spmem:s24], [sflag:s11] =	dma.local [hbm:s9], $0x2800  }
0x114: {  	_ =	swait.ge [sflag:s18], $0x2800  }
0x115: {  	[sflag:s18] =	ssyncset.done $0x0  }
0x116: {  	[sflag:s18] =	ssyncadd.s32 $0xFFFFD800  }
0x117: {  	[bflag:$0x0] =	sbarrier.arrive $0xFFFF  }
0x118: {  	s20 =	rddreg [dreg:$0x18]  }
0x119: {  	s9 =	simm.s32 $0x0;
	s21 =	rddreg [dreg:$0x19]  }
0x11a: {  	[tilespmem:s22], [sflag:$0x3] =	stream.linear.gather [hbm4b:s20+s9], $0x80, $0x38;
	[tilespmem:$0x1C400] =	vst v63  }
0x11b: {  	s11 =	rddreg [dreg:$0x1a]  }
0x11c: {  	[tilespmem:s12], [sflag:$0x3] =	stream.linear.gather [hbm4b:s21+s9], $0x80, $0x38;
	[tilespmem:$0x1C400] =	vst v63  }
0x11d: {  	s16 =	rddreg [dreg:$0x1b]  }
0x11e: {  	[tilespmem:s23], [sflag:$0x4] =	stream.linear.gather [hbm4b:s11+s9], $0x80, $0x38;
	[tilespmem:$0x1C400] =	vst v63  }
0x11f: {  	s17 =	rddreg [dreg:$0x1e]  }
0x120: {  	[tilespmem:s13], [sflag:$0x4] =	stream.linear.gather [hbm4b:s16+s9], $0x80, $0x38;
	[tilespmem:$0x1C400] =	vst v63  }
0x121: {  	s20 =	rddreg [dreg:$0x1f]  }
0x122: {  	[tilespmem:s14], [sflag:$0x5] =	stream.linear.gather [hbm4b:s17+s9], $0x80, $0x38;
	[tilespmem:$0x1C400] =	vst v63  }
0x123: {  	s21 =	sld [smem:$0x7F8]  }
0x124: {  	[tilespmem:s15], [sflag:$0x5] =	stream.linear.gather [hbm4b:s20+s9], $0x80, $0x38;
	[tilespmem:$0x1C400] =	vst v63  }
0x125: {  	s11 =	sld [smem:$0x7F9]  }
0x126: {  	[tilespmem:s25], [sflag:$0x6] =	stream.linear.gather [hbm4b:s21+s9], $0x80, $0x38;
	[tilespmem:$0x1C400] =	vst v63  }
0x127: {  	_ = 	snop  }
0x128: {  	[tilespmem:s26], [sflag:$0x6] =	stream.linear.gather [hbm4b:s11+s9], $0x80, $0x38;
	[tilespmem:$0x1C400] =	vst v63  }
0x129: {  	_ =	swait.ge [sflag:s28], $0x80  }
0x12a: {  	[sflag:s28] =	ssyncset.done $0x0  }
0x12b: {  	[sflag:s28] =	ssyncadd.s32 $0xFFFFFF80  }
0x12c: {  	_ =	swait.ge [sflag:s28], $0x80  }
0x12d: {  	[sflag:s28] =	ssyncset.done $0x0  }
0x12e: {  	[sflag:s28] =	ssyncadd.s32 $0xFFFFFF80  }
0x12f: {  	[tilespmem:s30], [sflag:$0x1] =	stream.indirect.gather [hbm4b:s6+s29], $0x80, s22, s29, $0xb8;
	[tilespmem:$0x1C400] =	vst v63  }
0x130: {  	_ =	swait.ge [sflag:s31], $0x80  }
0x131: {  	[sflag:s31] =	ssyncset.done $0x0  }
0x132: {  	[sflag:s31] =	ssyncadd.s32 $0xFFFFFF80  }
0x133: {  	_ =	swait.ge [sflag:s31], $0x80  }
0x134: {  	[sflag:s31] =	ssyncset.done $0x0  }
0x135: {  	[sflag:s31] =	ssyncadd.s32 $0xFFFFFF80  }
0x136: {  	[tilespmem:s0], [sflag:$0x2] =	stream.indirect.gather [hbm4b:s6+s29], $0x80, s23, s29, $0xb8;
	[tilespmem:$0x1C400] =	vst v63  }
0x137: {  	_ =	swait.ge [sflag:s1], $0x4000  }
0x138: {  	[sflag:s1] =	ssyncset.done $0x0  }
0x139: {  	[sflag:s1] =	ssyncadd.s32 $0xFFFFC000  }
0x13a: {  	[spmem:s2] =	stream.indirect.scatter.add.f32 [tilespmem:s30], [sflag:$0x7], $0x80, s12, s29, $0xb8;
	[tilespmem:$0x1C400] =	vst v63  }
0x13b: {  	_ =	swait.ge [sflag:s18], $0x4000  }
0x13c: {  	s16 =	sld [smem:$0x7F7];
	_ =	sdelay $0x2  }
0x13d: {  	[sflag:s18] =	ssyncset.done $0x0;
	s17 =	sor.u32 $0x10, s16  }
0x13e: {  	[sflag:s18] =	ssyncadd.s32 $0xFFFFC000;
	s20 =	sadd.s32 s5, s17  }
0x13f: {  	[tilespmem:s22], [sflag:$0x3] =	stream.linear.gather [hbm4b:s20+s3], $0x80, $0x38;
	[tilespmem:$0x1C400] =	vst v63  }
0x140: {  	s9 =	sadd.s32 s19, s17  }
0x141: {  	[tilespmem:s12], [sflag:$0x3] =	stream.linear.gather [hbm4b:s9+s3], $0x80, $0x38;
	[tilespmem:$0x1C400] =	vst v63  }
0x142: {  	_ =	swait.ge [sflag:s7], $0x80  }
0x143: {  	[sflag:s7] =	ssyncset.done $0x0  }
0x144: {  	[sflag:s7] =	ssyncadd.s32 $0xFFFFFF80  }
0x145: {  	_ =	swait.ge [sflag:s7], $0x80  }
0x146: {  	[sflag:s7] =	ssyncset.done $0x0  }
0x147: {  	[sflag:s7] =	ssyncadd.s32 $0xFFFFFF80  }
0x148: {  	[tilespmem:s30], [sflag:$0x1] =	stream.indirect.gather [hbm4b:s6+s29], $0x80, s14, s29, $0xb8;
	[tilespmem:$0x1C400] =	vst v63  }
0x149: {  	_ =	swait.ge [sflag:s10], $0x4000  }
0x14a: {  	[sflag:s10] =	ssyncset.done $0x0  }
0x14b: {  	[sflag:s10] =	ssyncadd.s32 $0xFFFFC000  }
0x14c: {  	[spmem:s2] =	stream.indirect.scatter.add.f32 [tilespmem:s0], [sflag:$0x7], $0x80, s13, s29, $0xb8;
	[tilespmem:$0x1C400] =	vst v63  }
0x14d: {  	_ =	swait.ge [sflag:s18], $0x4000  }
0x14e: {  	s21 =	rddreg [dreg:$0x7];
	[sflag:s18] =	ssyncset.done $0x0  }
0x14f: {  	s4 =	rddreg [dreg:$0x8];
	[sflag:s18] =	ssyncadd.s32 $0xFFFFC000;
	s9 =	sadd.s32 $0x0, s21  }
0x150: {  	[tilespmem:s23], [sflag:$0x4] =	stream.linear.gather [hbm4b:s9+s3], $0x80, $0x38;
	[tilespmem:$0x1C400] =	vst v63  }
0x151: {  	s12 =	sadd.s32 $0x0, s4  }
0x152: {  	[tilespmem:s13], [sflag:$0x4] =	stream.linear.gather [hbm4b:s12+s3], $0x80, $0x38;
	[tilespmem:$0x1C400] =	vst v63  }
0x153: {  	_ =	swait.ge [sflag:s8], $0x80  }
0x154: {  	[sflag:s8] =	ssyncset.done $0x0  }
0x155: {  	[sflag:s8] =	ssyncadd.s32 $0xFFFFFF80  }
0x156: {  	_ =	swait.ge [sflag:s8], $0x80  }
0x157: {  	[sflag:s8] =	ssyncset.done $0x0  }
0x158: {  	[sflag:s8] =	ssyncadd.s32 $0xFFFFFF80  }
0x159: {  	[tilespmem:s0], [sflag:$0x2] =	stream.indirect.gather [hbm4b:s6+s29], $0x80, s25, s29, $0xb8;
	[tilespmem:$0x1C400] =	vst v63  }
0x15a: {  	_ =	swait.ge [sflag:s1], $0x4000  }
0x15b: {  	[sflag:s1] =	ssyncset.done $0x0  }
0x15c: {  	[sflag:s1] =	ssyncadd.s32 $0xFFFFC000  }
0x15d: {  	[spmem:s2] =	stream.indirect.scatter.add.f32 [tilespmem:s30], [sflag:$0x7], $0x80, s15, s29, $0xb8;
	[tilespmem:$0x1C400] =	vst v63  }
0x15e: {  	_ =	swait.ge [sflag:s18], $0x4000  }
0x15f: {  	s13 =	rddreg [dreg:$0x5];
	[sflag:s18] =	ssyncset.done $0x0  }
0x160: {  	s16 =	rddreg [dreg:$0x6];
	[sflag:s18] =	ssyncadd.s32 $0xFFFFC000;
	s9 =	sadd.s32 $0x0, s13  }
0x161: {  	[tilespmem:s14], [sflag:$0x5] =	stream.linear.gather [hbm4b:s9+s3], $0x80, $0x38;
	[tilespmem:$0x1C400] =	vst v63  }
0x162: {  	s17 =	sadd.s32 $0x0, s16  }
0x163: {  	[tilespmem:s15], [sflag:$0x5] =	stream.linear.gather [hbm4b:s17+s3], $0x80, $0x38;
	[tilespmem:$0x1C400] =	vst v63  }
0x164: {  	_ =	swait.ge [sflag:s28], $0x80  }
0x165: {  	[sflag:s28] =	ssyncset.done $0x0  }
0x166: {  	[sflag:s28] =	ssyncadd.s32 $0xFFFFFF80  }
0x167: {  	_ =	swait.ge [sflag:s28], $0x80  }
0x168: {  	[sflag:s28] =	ssyncset.done $0x0  }
0x169: {  	[sflag:s28] =	ssyncadd.s32 $0xFFFFFF80  }
0x16a: {  	[tilespmem:s30], [sflag:$0x1] =	stream.indirect.gather [hbm4b:s6+s29], $0x80, s22, s29, $0xb8;
	[tilespmem:$0x1C400] =	vst v63  }
0x16b: {  	_ =	swait.ge [sflag:s10], $0x4000  }
0x16c: {  	[sflag:s10] =	ssyncset.done $0x0  }
0x16d: {  	[sflag:s10] =	ssyncadd.s32 $0xFFFFC000  }
0x16e: {  	[spmem:s2] =	stream.indirect.scatter.add.f32 [tilespmem:s0], [sflag:$0x7], $0x80, s26, s29, $0xb8;
	[tilespmem:$0x1C400] =	vst v63  }
0x16f: {  	_ =	swait.ge [sflag:s18], $0x4000  }
0x170: {  	s20 =	rddreg [dreg:$0x3];
	[sflag:s18] =	ssyncset.done $0x0  }
0x171: {  	s21 =	rddreg [dreg:$0x4];
	[sflag:s18] =	ssyncadd.s32 $0xFFFFC000;
	s9 =	sadd.s32 $0x0, s20  }
0x172: {  	[tilespmem:s25], [sflag:$0x6] =	stream.linear.gather [hbm4b:s9+s3], $0x80, $0x38;
	[tilespmem:$0x1C400] =	vst v63  }
0x173: {  	s22 =	sadd.s32 $0x0, s21  }
0x174: {  	[tilespmem:s26], [sflag:$0x6] =	stream.linear.gather [hbm4b:s22+s3], $0x80, $0x38;
	[tilespmem:$0x1C400] =	vst v63  }
0x175: {  	_ =	swait.ge [sflag:s31], $0x80  }
0x176: {  	[sflag:s31] =	ssyncset.done $0x0  }
0x177: {  	[sflag:s31] =	ssyncadd.s32 $0xFFFFFF80  }
0x178: {  	_ =	swait.ge [sflag:s31], $0x80  }
0x179: {  	s20 =	sld [smem:$0x7FD]  }
0x17a: {  	s4 =	smov.u32 s5  }
0x17b: {  	s5 =	smov.u32 s19;
	s19 =	simm.s32 $0x14000;
	[sflag:s31] =	ssyncset.done $0x0  }
0x17c: {  	s9 =	simm.s32 $0x80;
	[sflag:s31] =	ssyncadd.s32 $0xFFFFFF80;
	s11 =	sadd.s32 $0x400, s20  }
.LBB2_4:
0x17d: {  	[tilespmem:s0], [sflag:$0x2] =	stream.indirect.gather [hbm4b:s6+s29], $0x80, s23, s29, $0xb8;
	[tilespmem:$0x1C400] =	vst v63  }
0x17e: {  	_ =	swait.ge [sflag:s1], $0x4000  }
0x17f: {  	[sflag:s1] =	ssyncset.done $0x0  }
0x180: {  	s16 =	simm.s32 $0x14200;
	[sflag:s1] =	ssyncadd.s32 $0xFFFFC000  }
0x181: {  	[spmem:s2] =	stream.indirect.scatter.add.f32 [tilespmem:s30], [sflag:$0x7], $0x80, s16, s29, $0xb8;
	[tilespmem:$0x1C400] =	vst v63  }
0x182: {  	s13 =	sshrl.u32 s11, $0x3;
	_ =	swait.ge [sflag:s18], $0x4000  }
0x183: {  	s13 =	sor.u32 $0x10, s13;
	[sflag:s18] =	ssyncset.done $0x0  }
0x184: {  	s14 =	sadd.s32 s4, s13;
	[sflag:s18] =	ssyncadd.s32 $0xFFFFC000  }
0x185: {  	[tilespmem:s19], [sflag:$0x3] =	stream.linear.gather [hbm4b:s14+s3], $0x80, $0x38;
	[tilespmem:$0x1C400] =	vst v63  }
0x186: {  	s13 =	sadd.s32 s5, s13  }
0x187: {  	[tilespmem:s16], [sflag:$0x3] =	stream.linear.gather [hbm4b:s13+s3], $0x80, $0x38;
	[tilespmem:$0x1C400] =	vst v63  }
0x188: {  	_ =	swait.ge [sflag:s7], $0x80  }
0x189: {  	[sflag:s7] =	ssyncset.done $0x0  }
0x18a: {  	[sflag:s7] =	ssyncadd.s32 $0xFFFFFF80  }
0x18b: {  	_ =	swait.ge [sflag:s7], $0x80  }
0x18c: {  	[sflag:s7] =	ssyncset.done $0x0  }
0x18d: {  	s21 =	simm.s32 $0x14100;
	[sflag:s7] =	ssyncadd.s32 $0xFFFFFF80  }
0x18e: {  	[tilespmem:s30], [sflag:$0x1] =	stream.indirect.gather [hbm4b:s6+s29], $0x80, s21, s29, $0xb8;
	[tilespmem:$0x1C400] =	vst v63  }
0x18f: {  	_ =	swait.ge [sflag:s10], $0x4000  }
0x190: {  	[sflag:s10] =	ssyncset.done $0x0  }
0x191: {  	s17 =	simm.s32 $0x14280;
	[sflag:s10] =	ssyncadd.s32 $0xFFFFC000  }
0x192: {  	[spmem:s2] =	stream.indirect.scatter.add.f32 [tilespmem:s0], [sflag:$0x7], $0x80, s17, s29, $0xb8;
	[tilespmem:$0x1C400] =	vst v63  }
0x193: {  	_ =	swait.ge [sflag:s18], $0x4000  }
0x194: {  	s12 =	smov.u32 s9;
	s16 =	rddreg [dreg:$0x7];
	[sflag:s18] =	ssyncset.done $0x0  }
0x195: {  	s22 =	rddreg [dreg:$0x8];
	[sflag:s18] =	ssyncadd.s32 $0xFFFFC000;
	s13 =	sadd.s32 s12, s16  }
0x196: {  	[tilespmem:s23], [sflag:$0x4] =	stream.linear.gather [hbm4b:s13+s3], $0x80, $0x38;
	[tilespmem:$0x1C400] =	vst v63  }
0x197: {  	s14 =	sadd.s32 s12, s22  }
0x198: {  	[tilespmem:s17], [sflag:$0x4] =	stream.linear.gather [hbm4b:s14+s3], $0x80, $0x38;
	[tilespmem:$0x1C400] =	vst v63  }
0x199: {  	_ =	swait.ge [sflag:s8], $0x80  }
0x19a: {  	[sflag:s8] =	ssyncset.done $0x0  }
0x19b: {  	[sflag:s8] =	ssyncadd.s32 $0xFFFFFF80  }
0x19c: {  	_ =	swait.ge [sflag:s8], $0x80  }
0x19d: {  	[sflag:s8] =	ssyncset.done $0x0  }
0x19e: {  	[sflag:s8] =	ssyncadd.s32 $0xFFFFFF80  }
0x19f: {  	[tilespmem:s0], [sflag:$0x2] =	stream.indirect.gather [hbm4b:s6+s29], $0x80, s25, s29, $0xb8;
	[tilespmem:$0x1C400] =	vst v63  }
0x1a0: {  	_ =	swait.ge [sflag:s1], $0x4000  }
0x1a1: {  	[sflag:s1] =	ssyncset.done $0x0  }
0x1a2: {  	s22 =	simm.s32 $0x14300;
	[sflag:s1] =	ssyncadd.s32 $0xFFFFC000  }
0x1a3: {  	[spmem:s2] =	stream.indirect.scatter.add.f32 [tilespmem:s30], [sflag:$0x7], $0x80, s22, s29, $0xb8;
	[tilespmem:$0x1C400] =	vst v63  }
0x1a4: {  	_ =	swait.ge [sflag:s18], $0x4000  }
0x1a5: {  	s17 =	rddreg [dreg:$0x5];
	[sflag:s18] =	ssyncset.done $0x0  }
0x1a6: {  	s14 =	rddreg [dreg:$0x6];
	[sflag:s18] =	ssyncadd.s32 $0xFFFFC000;
	s13 =	sadd.s32 s12, s17  }
0x1a7: {  	[tilespmem:s21], [sflag:$0x5] =	stream.linear.gather [hbm4b:s13+s3], $0x80, $0x38;
	[tilespmem:$0x1C400] =	vst v63  }
0x1a8: {  	s14 =	sadd.s32 s12, s14  }
0x1a9: {  	[tilespmem:s22], [sflag:$0x5] =	stream.linear.gather [hbm4b:s14+s3], $0x80, $0x38;
	[tilespmem:$0x1C400] =	vst v63  }
0x1aa: {  	_ =	swait.ge [sflag:s28], $0x80  }
0x1ab: {  	[sflag:s28] =	ssyncset.done $0x0  }
0x1ac: {  	[sflag:s28] =	ssyncadd.s32 $0xFFFFFF80  }
0x1ad: {  	_ =	swait.ge [sflag:s28], $0x80  }
0x1ae: {  	[sflag:s28] =	ssyncset.done $0x0  }
0x1af: {  	[sflag:s28] =	ssyncadd.s32 $0xFFFFFF80  }
0x1b0: {  	[tilespmem:s30], [sflag:$0x1] =	stream.indirect.gather [hbm4b:s6+s29], $0x80, s19, s29, $0xb8;
	[tilespmem:$0x1C400] =	vst v63  }
0x1b1: {  	_ =	swait.ge [sflag:s10], $0x4000  }
0x1b2: {  	[sflag:s10] =	ssyncset.done $0x0  }
0x1b3: {  	[sflag:s10] =	ssyncadd.s32 $0xFFFFC000  }
0x1b4: {  	[spmem:s2] =	stream.indirect.scatter.add.f32 [tilespmem:s0], [sflag:$0x7], $0x80, s26, s29, $0xb8;
	[tilespmem:$0x1C400] =	vst v63  }
0x1b5: {  	_ =	swait.ge [sflag:s18], $0x4000  }
0x1b6: {  	s14 =	rddreg [dreg:$0x3];
	[sflag:s18] =	ssyncset.done $0x0  }
0x1b7: {  	s22 =	rddreg [dreg:$0x4];
	[sflag:s18] =	ssyncadd.s32 $0xFFFFC000;
	s13 =	sadd.s32 s12, s14  }
0x1b8: {  	[tilespmem:s25], [sflag:$0x6] =	stream.linear.gather [hbm4b:s13+s3], $0x80, $0x38;
	[tilespmem:$0x1C400] =	vst v63  }
0x1b9: {  	s12 =	sadd.s32 s12, s22  }
0x1ba: {  	[tilespmem:s26], [sflag:$0x6] =	stream.linear.gather [hbm4b:s12+s3], $0x80, $0x38;
	[tilespmem:$0x1C400] =	vst v63  }
0x1bb: {  	p0 =	sne.s32 s9, $0x1280;
	_ =	swait.ge [sflag:s31], $0x80  }
.Ltmp1:
0x1bc: {  	[sflag:s31] =	ssyncset.done $0x0;
	(pc) =	sbr.rel @p0 .LBB2_4-.Ltmp1, $4  }
0x1bd: {  	[sflag:s31] =	ssyncadd.s32 $0xFFFFFF80  }
0x1be: {  	s9 =	sadd.s32 $0x80, s9;
	s15 =	simm.s32 $0x14200;
	_ =	swait.ge [sflag:s31], $0x80  }
0x1bf: {  	s11 =	sadd.s32 $0x400, s11;
	s16 =	simm.s32 $0x14280;
	[sflag:s31] =	ssyncset.done $0x0  }
0x1c0: {  	s17 =	simm.s32 $0x14100;
	s21 =	simm.s32 $0x14300;
	[sflag:s31] =	ssyncadd.s32 $0xFFFFFF80  }
0x1c1: {  	[tilespmem:s0], [sflag:$0x2] =	stream.indirect.gather [hbm4b:s6+s29], $0x80, s23, s29, $0xb8;
	[tilespmem:$0x1C400] =	vst v63  }
0x1c2: {  	_ =	swait.ge [sflag:s1], $0x4000  }
0x1c3: {  	[sflag:s1] =	ssyncset.done $0x0  }
0x1c4: {  	[sflag:s1] =	ssyncadd.s32 $0xFFFFC000  }
0x1c5: {  	[spmem:s2] =	stream.indirect.scatter.add.f32 [tilespmem:s30], [sflag:$0x7], $0x80, s15, s29, $0xb8;
	[tilespmem:$0x1C400] =	vst v63  }
0x1c6: {  	_ =	swait.ge [sflag:s18], $0x4000  }
0x1c7: {  	[sflag:s18] =	ssyncset.done $0x0  }
0x1c8: {  	[sflag:s18] =	ssyncadd.s32 $0xFFFFC000  }
0x1c9: {  	_ =	swait.ge [sflag:s7], $0x80  }
0x1ca: {  	[sflag:s7] =	ssyncset.done $0x0  }
0x1cb: {  	[sflag:s7] =	ssyncadd.s32 $0xFFFFFF80  }
0x1cc: {  	_ =	swait.ge [sflag:s7], $0x80  }
0x1cd: {  	[sflag:s7] =	ssyncset.done $0x0  }
0x1ce: {  	[sflag:s7] =	ssyncadd.s32 $0xFFFFFF80  }
0x1cf: {  	[tilespmem:s30], [sflag:$0x1] =	stream.indirect.gather [hbm4b:s6+s29], $0x80, s17, s29, $0xb8;
	[tilespmem:$0x1C400] =	vst v63  }
0x1d0: {  	_ =	swait.ge [sflag:s10], $0x4000  }
0x1d1: {  	[sflag:s10] =	ssyncset.done $0x0  }
0x1d2: {  	[sflag:s10] =	ssyncadd.s32 $0xFFFFC000  }
0x1d3: {  	[spmem:s2] =	stream.indirect.scatter.add.f32 [tilespmem:s0], [sflag:$0x7], $0x80, s16, s29, $0xb8;
	[tilespmem:$0x1C400] =	vst v63  }
0x1d4: {  	_ =	swait.ge [sflag:s18], $0x4000  }
0x1d5: {  	[sflag:s18] =	ssyncset.done $0x0  }
0x1d6: {  	[sflag:s18] =	ssyncadd.s32 $0xFFFFC000  }
0x1d7: {  	_ =	swait.ge [sflag:s8], $0x80  }
0x1d8: {  	[sflag:s8] =	ssyncset.done $0x0  }
0x1d9: {  	[sflag:s8] =	ssyncadd.s32 $0xFFFFFF80  }
0x1da: {  	_ =	swait.ge [sflag:s8], $0x80  }
0x1db: {  	[sflag:s8] =	ssyncset.done $0x0  }
0x1dc: {  	[sflag:s8] =	ssyncadd.s32 $0xFFFFFF80  }
0x1dd: {  	[tilespmem:s0], [sflag:$0x2] =	stream.indirect.gather [hbm4b:s6+s29], $0x80, s25, s29, $0xb8;
	[tilespmem:$0x1C400] =	vst v63  }
0x1de: {  	_ =	swait.ge [sflag:s1], $0x4000  }
0x1df: {  	[sflag:s1] =	ssyncset.done $0x0  }
0x1e0: {  	[sflag:s1] =	ssyncadd.s32 $0xFFFFC000  }
0x1e1: {  	[spmem:s2] =	stream.indirect.scatter.add.f32 [tilespmem:s30], [sflag:$0x7], $0x80, s21, s29, $0xb8;
	[tilespmem:$0x1C400] =	vst v63  }
0x1e2: {  	_ =	swait.ge [sflag:s18], $0x4000  }
0x1e3: {  	[sflag:s18] =	ssyncset.done $0x0  }
0x1e4: {  	[sflag:s18] =	ssyncadd.s32 $0xFFFFC000  }
0x1e5: {  	_ =	swait.ge [sflag:s10], $0x4000  }
0x1e6: {  	[sflag:s10] =	ssyncset.done $0x0  }
0x1e7: {  	[sflag:s10] =	ssyncadd.s32 $0xFFFFC000  }
0x1e8: {  	[spmem:s2] =	stream.indirect.scatter.add.f32 [tilespmem:s0], [sflag:$0x7], $0x80, s26, s29, $0xb8;
	[tilespmem:$0x1C400] =	vst v63  }
0x1e9: {  	_ =	swait.ge [sflag:s18], $0x4000  }
0x1ea: {  	[sflag:s18] =	ssyncset.done $0x0  }
0x1eb: {  	[sflag:s18] =	ssyncadd.s32 $0xFFFFC000  }
0x1ec: {  	[bflag:$0x0] =	sbarrier.arrive $0xFFFF  }
0x1ed: {  	s9 =	sld [smem:$0x7FB];
	_ =	sdelay $0x1  }
0x1ee: {  	s12 =	rddreg [dreg:$0xb]  }
0x1ef: {  	[hbm:s9], [sflag:s12] =	dma.local [spmem:s24], $0x2800  }
0x1f0: {  	_ =	swait.ge [sflag:s18], $0x2800  }
0x1f1: {  	s11 =	sld [smem:$0x7F5]  }
0x1f2: {  	[sflag:s18] =	ssyncset.done $0x0;
	s24 =	sld [smem:$0x7FC]  }
0x1f3: {  	[sflag:s18] =	ssyncadd.s32 $0xFFFFD800  }
0x1f4: {  	[bflag:$0x0] =	sbarrier.arrive $0xFFFF;
	s11 =	sadd.s32 $0x1, s11  }
0x1f5: {  	s14 =	rddreg [dreg:$0xf];
	p0 =	sne.s32 s11, s24  }
.Ltmp2:
0x1f6: {  	s15 =	rddreg [dreg:$0x10];
	(pc) =	sbr.rel @p0 .LBB2_1-.Ltmp2, $4  }
0x1f7: {  	s16 =	rddreg [dreg:$0x11]  }
0x1f8: {  	s17 =	rddreg [dreg:$0x12]  }
0x1f9: {  	s21 =	rddreg [dreg:$0x13]  }
0x1fa: {  	s24 =	rddreg [dreg:$0xe]  }
0x1fb: {  	_ =	sfence.sel $0x180000  }
0x1fc: {  	[bflag:$0x0] =	sbarrier.arrive $0xFFFF  }
0x1fd: {  	_ =	strace $0x9000004A  }
0x1fe: {  	s0 =	stileid.u32;
	[bflag:$0x2] =	sbarrier.arrive $0xFFFF  }
0x1ff: {  	p0 =	sne.s32 s0, $0x0;
	s0 =	rddreg [dreg:$0x2]  }
0x200: {  	s0 =	sadd.s32 @!p0 $0x100000, s0  }
0x201: {  	[sflag:s0] =	ssyncadd.tile.s32 @!p0 $0x1;
	_ =	shalt  }
.Lfunc_end2:
_tile_overlayer_lowered:
.L_overlay_start_2:
0x202: {  	(tag) =	ssettag $0x2  }
0x203: {  	s0 =	rddreg [dreg:$0x0];
	s2 =	stileid.u32  }
0x204: {  	s1 =	rddreg [dreg:$0x1];
	p0 =	sne.s32 s2, $0x0  }
0x205: {  	s3 =	rddreg [dreg:$0x2];
	[bflag:$0x3] =	sbarrier.arrive $0xFFFF;
	s2 =	simm.s32 @!p0 $0x1C07  }
0x206: {  	[timem:s3], [sflag:s2] =	dma.local @!p0 [hbm:s0], s1  }
0x207: {  	s0 =	simm.s32 @!p0 $0x7  }
0x208: {  	_ =	swait.ge @!p0 [sflag:s0], s1  }
0x209: {  	s1 =	ssub.s32 @!p0 $0x0, s1;
	[sflag:s0] =	ssyncset.done @!p0 $0x0  }
0x20a: {  	[sflag:s0] =	ssyncadd.s32 @!p0 s1  }
0x20b: {  	[bflag:$0x3] =	sbarrier.arrive $0xFFFF  }
0x20c: {  	_ =	shalt  }

</sc_bundles>
